<compile_context>
chip_gen: v7x
topology: tpu7x:2x2x1
jax: 0.10.2.dev20260603
libtpu: 0.0.44.dev20260713+nightly
codegen_flags: <defaults>
</compile_context>

<pallas_src>
import functools

import jax
import jax.numpy as jnp
from jax import lax
from jax.experimental import pallas as pl
from jax.experimental.pallas import tpu as pltpu
from jax.experimental.pallas import tpu_sc as plsc

_EMBED = 32
_HALF = 256


def _dot_kernel(uid_hbm, mid_hbm, utab_hbm, mtab_hbm, out_hbm,
                uid_v, mid_v, du_v, dm_v, out_v, sem,
                *, b_per_w, num_cores):
    wid = lax.axis_index("s") * num_cores + lax.axis_index("c")
    base = wid * b_per_w

    pltpu.sync_copy(uid_hbm.at[pl.ds(base, b_per_w)], uid_v)
    pltpu.sync_copy(mid_hbm.at[pl.ds(base, b_per_w)], mid_v)

    lane = lax.iota(jnp.int32, 16)

    for p in range(b_per_w // _HALF):
        p0 = p * _HALF

        def fire(g, _):
            k0 = g * 16
            bu = lax.shift_right_logical(uid_v[pl.ds(p0 + k0, 16)], 2)
            bm = lax.shift_right_logical(mid_v[pl.ds(p0 + k0, 16)], 2)
            for k in range(16):
                pltpu.async_copy(utab_hbm.at[pl.ds(bu[k], 1), :],
                                 du_v.at[pl.ds(k0 + k, 1), :], sem)
                pltpu.async_copy(mtab_hbm.at[pl.ds(bm[k], 1), :],
                                 dm_v.at[pl.ds(k0 + k, 1), :], sem)
            return 0

        lax.fori_loop(0, _HALF // 16, fire, 0)

        pltpu.make_async_copy(utab_hbm.at[pl.ds(0, _HALF), :], du_v,
                              sem).wait()
        pltpu.make_async_copy(mtab_hbm.at[pl.ds(0, _HALF), :], dm_v,
                              sem).wait()

        def group(g, _):
            k0 = g * 16
            uv = uid_v[pl.ds(p0 + k0, 16)]
            mv = mid_v[pl.ds(p0 + k0, 16)]
            offu = (uv & 3) * _EMBED
            offm = (mv & 3) * _EMBED
            rows = k0 + lane
            acc = jnp.zeros((16,), jnp.float32)
            cu = lane & (_EMBED - 1)
            for _d in range(_EMBED):
                u = plsc.load_gather(du_v, [rows, offu + cu])
                m = plsc.load_gather(dm_v, [rows, offm + cu])
                acc = acc + u * m
                cu = (cu + 1) & (_EMBED - 1)
            out_v[pl.ds(p0 + k0, 16)] = acc
            return 0

        lax.fori_loop(0, _HALF // 16, group, 0)

    pltpu.sync_copy(out_v, out_hbm.at[pl.ds(base, b_per_w)])


def kernel(user_ids, movie_ids, user_table, movie_table):
    batch = user_ids.shape[0]
    info = plsc.get_sparse_core_info()
    nw = info.num_cores * info.num_subcores
    b_per_w = batch // nw
    mesh = plsc.VectorSubcoreMesh(core_axis_name="c", subcore_axis_name="s")

    ut = user_table.reshape(-1, 128)
    mt = movie_table.reshape(-1, 128)

    run = pl.kernel(
        functools.partial(_dot_kernel, b_per_w=b_per_w,
                          num_cores=info.num_cores),
        mesh=mesh,
        compiler_params=pltpu.CompilerParams(needs_layout_passes=False),
        out_type=jax.ShapeDtypeStruct((batch,), jnp.float32),
        scratch_types=[
            pltpu.VMEM((b_per_w,), jnp.int32),
            pltpu.VMEM((b_per_w,), jnp.int32),
            pltpu.VMEM((_HALF, 128), jnp.float32),
            pltpu.VMEM((_HALF, 128), jnp.float32),
            pltpu.VMEM((b_per_w,), jnp.float32),
            pltpu.SemaphoreType.DMA,
        ],
    )
    return run(user_ids.astype(jnp.int32), movie_ids.astype(jnp.int32),
               ut, mt)

# --- scband reference (transcript-rebuilt; emitter-appended) ---
"""Pipeline reference for scband-matrix-factorization-3934190044031 (READ-ONLY COPY).

The authoritative reference and input builder live on the scoring server;
editing this copy changes nothing except your own understanding.
"""

import jax, jax.numpy as jnp
import numpy as np

N_USERS = 1000000
N_MOVIES = 100000
EMBED_DIM = 32
BATCH = 16384

def setup_inputs(seed: int = 0) -> dict:
    key = jax.random.key(seed)
    k1, k2, k3, k4 = jax.random.split(key, 4)
    user_ids = jax.random.randint(k1, (BATCH,), 0, N_USERS, dtype=jnp.int64 if jax.config.jax_enable_x64 else jnp.int32)
    movie_ids = jax.random.randint(k2, (BATCH,), 0, N_MOVIES, dtype=jnp.int64 if jax.config.jax_enable_x64 else jnp.int32)
    user_table = jax.random.normal(k3, (N_USERS, EMBED_DIM), dtype=jnp.float32)
    movie_table = jax.random.normal(k4, (N_MOVIES, EMBED_DIM), dtype=jnp.float32)
    return {"user_ids": user_ids, "movie_ids": movie_ids, "user_table": user_table, "movie_table": movie_table}

def reference(user_ids, movie_ids, user_table, movie_table):
    user_vecs = jnp.take(user_table, user_ids, axis=0)
    movie_vecs = jnp.take(movie_table, movie_ids, axis=0)
    return (user_vecs * movie_vecs).sum(axis=1)

if __name__ == "__main__":
    import jax
    _d = setup_inputs()
    print(jax.jit(kernel)(*tuple(_d.values())))

</pallas_src>

<mosaic_0001>
#map = affine_map<(d0, d1) -> (0)>
#map1 = affine_map<(d0, d1) -> (0, 0)>
module attributes {stable_mosaic.version = 14 : i64} {
  func.func @_dot_kernel(%arg0: i32, %arg1: i32, %arg2: memref<16384xi32, #tpu.memory_space<hbm>>, %arg3: memref<16384xi32, #tpu.memory_space<hbm>>, %arg4: memref<250000x128xf32, #tpu.memory_space<hbm>>, %arg5: memref<25000x128xf32, #tpu.memory_space<hbm>>, %arg6: memref<16384xf32, #tpu.memory_space<hbm>>, %arg7: memref<512xi32, #tpu.memory_space<vmem>>, %arg8: memref<512xi32, #tpu.memory_space<vmem>>, %arg9: memref<256x128xf32, #tpu.memory_space<vmem>>, %arg10: memref<256x128xf32, #tpu.memory_space<vmem>>, %arg11: memref<512xf32, #tpu.memory_space<vmem>>, %arg12: memref<!tpu.dma_semaphore, #tpu.memory_space<semaphore_mem>>) attributes {dimension_semantics = [#tpu.dimension_semantics<core_parallel>, #tpu.dimension_semantics<subcore_parallel>], iteration_bounds = array<i64: 2, 16>, scalar_prefetch = 0 : i64, scratch_operands = 6 : i64, tpu.core_type = #tpu.core_type<sc_vector_subcore>, window_params = [{transform_indices = #map}, {transform_indices = #map}, {transform_indices = #map1}, {transform_indices = #map1}, {transform_indices = #map}]} {
    %mul3A = arith.constant 2 : i32
    %mul3A_0 = arith.muli %arg1, %mul3A : i32
    %add3A = arith.addi %mul3A_0, %arg0 : i32
    %mul3A_1 = arith.constant 512 : i32
    %mul3A_2 = arith.muli %add3A, %mul3A_1 : i32
    "tpu.region"() ({
      %run_scoped3A = tpu.sem_alloc : memref<!tpu.dma_semaphore, #tpu.memory_space<semaphore_mem>>
      %dma_start3A = tpu.memref_slice %arg2[%mul3A_2] : memref<16384xi32, #tpu.memory_space<hbm>> -> memref<512xi32, #tpu.memory_space<hbm>>
      %dma_start3A_53 = tpu.memref_slice %arg2[%mul3A_2] : memref<16384xi32, #tpu.memory_space<hbm>> -> memref<512xi32, #tpu.memory_space<hbm>>
      tpu.enqueue_dma source(%dma_start3A_53 : memref<512xi32, #tpu.memory_space<hbm>>) target(%arg7 : memref<512xi32, #tpu.memory_space<vmem>>) target_semaphore(%run_scoped3A : memref<!tpu.dma_semaphore, #tpu.memory_space<semaphore_mem>>)
      %dma_wait3A_54 = tpu.memref_slice %arg2[%mul3A_2] : memref<16384xi32, #tpu.memory_space<hbm>> -> memref<512xi32, #tpu.memory_space<hbm>>
      %dma_wait3A_55 = tpu.memref_slice %arg2[%mul3A_2] : memref<16384xi32, #tpu.memory_space<hbm>> -> memref<512xi32, #tpu.memory_space<hbm>>
      tpu.wait_dma2 semaphore(%run_scoped3A : memref<!tpu.dma_semaphore, #tpu.memory_space<semaphore_mem>>) src(%dma_wait3A_55 : memref<512xi32, #tpu.memory_space<hbm>>) dst(%arg7 : memref<512xi32, #tpu.memory_space<vmem>>)
      tpu.yield
    }) : () -> ()
    "tpu.region"() ({
      %run_scoped3A = tpu.sem_alloc : memref<!tpu.dma_semaphore, #tpu.memory_space<semaphore_mem>>
      %dma_start3A = tpu.memref_slice %arg3[%mul3A_2] : memref<16384xi32, #tpu.memory_space<hbm>> -> memref<512xi32, #tpu.memory_space<hbm>>
      %dma_start3A_53 = tpu.memref_slice %arg3[%mul3A_2] : memref<16384xi32, #tpu.memory_space<hbm>> -> memref<512xi32, #tpu.memory_space<hbm>>
      tpu.enqueue_dma source(%dma_start3A_53 : memref<512xi32, #tpu.memory_space<hbm>>) target(%arg8 : memref<512xi32, #tpu.memory_space<vmem>>) target_semaphore(%run_scoped3A : memref<!tpu.dma_semaphore, #tpu.memory_space<semaphore_mem>>)
      %dma_wait3A_54 = tpu.memref_slice %arg3[%mul3A_2] : memref<16384xi32, #tpu.memory_space<hbm>> -> memref<512xi32, #tpu.memory_space<hbm>>
      %dma_wait3A_55 = tpu.memref_slice %arg3[%mul3A_2] : memref<16384xi32, #tpu.memory_space<hbm>> -> memref<512xi32, #tpu.memory_space<hbm>>
      tpu.wait_dma2 semaphore(%run_scoped3A : memref<!tpu.dma_semaphore, #tpu.memory_space<semaphore_mem>>) src(%dma_wait3A_55 : memref<512xi32, #tpu.memory_space<hbm>>) dst(%arg8 : memref<512xi32, #tpu.memory_space<vmem>>)
      tpu.yield
    }) : () -> ()
    %iota3A = tpu.iota {dimensions = array<i32: 0>} : vector<16xi32>
    %scan3A = arith.constant 0 : i32
    %scan3A_3 = arith.constant 0 : i32
    %scan3A_4 = arith.constant 16 : i32
    %scan3A_5 = arith.addi %scan3A_3, %scan3A_4 : i32
    %scan3A_6 = arith.constant 1 : i32
    %scan3A_7 = scf.for %scan3A_53 = %scan3A_3 to %scan3A_5 step %scan3A_6 iter_args(%scan3A_54 = %scan3A) -> (i32)  : i32 {
      %mul3A_55 = arith.constant 16 : i32
      %mul3A_56 = arith.muli %scan3A_53, %mul3A_55 : i32
      %add3A_57 = arith.constant 0 : i32
      %add3A_58 = arith.addi %add3A_57, %mul3A_56 : i32
      %get3A = arith.index_cast %add3A_58 : i32 to index
      %get3A_59 = tpu.vector_load %arg7[%get3A] {strides = array<i32>} : memref<512xi32, #tpu.memory_space<vmem>>, vector<16xi32>,
      %shift_right_logical3A = arith.constant 2 : i32
      %shift_right_logical3A_60 = vector.broadcast %shift_right_logical3A : i32 to vector<16xi32>
      %shift_right_logical3A_61 = arith.shrui %get3A_59, %shift_right_logical3A_60 : vector<16xi32>
      %add3A_62 = arith.constant 0 : i32
      %add3A_63 = arith.addi %add3A_62, %mul3A_56 : i32
      %get3A_64 = arith.index_cast %add3A_63 : i32 to index
      %get3A_65 = tpu.vector_load %arg8[%get3A_64] {strides = array<i32>} : memref<512xi32, #tpu.memory_space<vmem>>, vector<16xi32>,
      %shift_right_logical3A_66 = arith.constant 2 : i32
      %shift_right_logical3A_67 = vector.broadcast %shift_right_logical3A_66 : i32 to vector<16xi32>
      %shift_right_logical3A_68 = arith.shrui %get3A_65, %shift_right_logical3A_67 : vector<16xi32>
      %slice3A = vector.extract_strided_slice %shift_right_logical3A_61 {offsets = [0], sizes = [1], strides = [1]} : vector<16xi32> to vector<1xi32>
      %squeeze3A = vector.extract %slice3A[0] : i32 from vector<1xi32>
      %add3A_69 = arith.constant 0 : i32
      %add3A_70 = arith.addi %mul3A_56, %add3A_69 : i32
      %dma_start3A = arith.constant 0 : i32
      %dma_start3A_71 = tpu.memref_slice %arg9[%add3A_70, %dma_start3A] : memref<256x128xf32, #tpu.memory_space<vmem>> -> memref<1x128xf32, #tpu.memory_space<vmem>>
      %dma_start3A_72 = arith.constant 0 : i32
      %dma_start3A_73 = tpu.memref_slice %arg4[%squeeze3A, %dma_start3A_72] : memref<250000x128xf32, #tpu.memory_space<hbm>> -> memref<1x128xf32, #tpu.memory_space<hbm>>
      %dma_start3A_74 = arith.constant 0 : i32
      %dma_start3A_75 = tpu.memref_slice %arg9[%add3A_70, %dma_start3A_74] : memref<256x128xf32, #tpu.memory_space<vmem>> -> memref<1x128xf32, #tpu.memory_space<vmem>>
      %dma_start3A_76 = arith.constant 0 : i32
      %dma_start3A_77 = tpu.memref_slice %arg4[%squeeze3A, %dma_start3A_76] : memref<250000x128xf32, #tpu.memory_space<hbm>> -> memref<1x128xf32, #tpu.memory_space<hbm>>
      tpu.enqueue_dma source(%dma_start3A_77 : memref<1x128xf32, #tpu.memory_space<hbm>>) target(%dma_start3A_75 : memref<1x128xf32, #tpu.memory_space<vmem>>) target_semaphore(%arg12 : memref<!tpu.dma_semaphore, #tpu.memory_space<semaphore_mem>>)
      %slice3A_78 = vector.extract_strided_slice %shift_right_logical3A_68 {offsets = [0], sizes = [1], strides = [1]} : vector<16xi32> to vector<1xi32>
      %squeeze3A_79 = vector.extract %slice3A_78[0] : i32 from vector<1xi32>
      %add3A_80 = arith.constant 0 : i32
      %add3A_81 = arith.addi %mul3A_56, %add3A_80 : i32
      %dma_start3A_82 = arith.constant 0 : i32
      %dma_start3A_83 = tpu.memref_slice %arg10[%add3A_81, %dma_start3A_82] : memref<256x128xf32, #tpu.memory_space<vmem>> -> memref<1x128xf32, #tpu.memory_space<vmem>>
      %dma_start3A_84 = arith.constant 0 : i32
      %dma_start3A_85 = tpu.memref_slice %arg5[%squeeze3A_79, %dma_start3A_84] : memref<25000x128xf32, #tpu.memory_space<hbm>> -> memref<1x128xf32, #tpu.memory_space<hbm>>
      %dma_start3A_86 = arith.constant 0 : i32
      %dma_start3A_87 = tpu.memref_slice %arg10[%add3A_81, %dma_start3A_86] : memref<256x128xf32, #tpu.memory_space<vmem>> -> memref<1x128xf32, #tpu.memory_space<vmem>>
      %dma_start3A_88 = arith.constant 0 : i32
      %dma_start3A_89 = tpu.memref_slice %arg5[%squeeze3A_79, %dma_start3A_88] : memref<25000x128xf32, #tpu.memory_space<hbm>> -> memref<1x128xf32, #tpu.memory_space<hbm>>
      tpu.enqueue_dma source(%dma_start3A_89 : memref<1x128xf32, #tpu.memory_space<hbm>>) target(%dma_start3A_87 : memref<1x128xf32, #tpu.memory_space<vmem>>) target_semaphore(%arg12 : memref<!tpu.dma_semaphore, #tpu.memory_space<semaphore_mem>>)
      %slice3A_90 = vector.extract_strided_slice %shift_right_logical3A_61 {offsets = [1], sizes = [1], strides = [1]} : vector<16xi32> to vector<1xi32>
      %squeeze3A_91 = vector.extract %slice3A_90[0] : i32 from vector<1xi32>
      %add3A_92 = arith.constant 1 : i32
      %add3A_93 = arith.addi %mul3A_56, %add3A_92 : i32
      %dma_start3A_94 = arith.constant 0 : i32
      %dma_start3A_95 = tpu.memref_slice %arg9[%add3A_93, %dma_start3A_94] : memref<256x128xf32, #tpu.memory_space<vmem>> -> memref<1x128xf32, #tpu.memory_space<vmem>>
      %dma_start3A_96 = arith.constant 0 : i32
      %dma_start3A_97 = tpu.memref_slice %arg4[%squeeze3A_91, %dma_start3A_96] : memref<250000x128xf32, #tpu.memory_space<hbm>> -> memref<1x128xf32, #tpu.memory_space<hbm>>
      %dma_start3A_98 = arith.constant 0 : i32
      %dma_start3A_99 = tpu.memref_slice %arg9[%add3A_93, %dma_start3A_98] : memref<256x128xf32, #tpu.memory_space<vmem>> -> memref<1x128xf32, #tpu.memory_space<vmem>>
      %dma_start3A_100 = arith.constant 0 : i32
      %dma_start3A_101 = tpu.memref_slice %arg4[%squeeze3A_91, %dma_start3A_100] : memref<250000x128xf32, #tpu.memory_space<hbm>> -> memref<1x128xf32, #tpu.memory_space<hbm>>
      tpu.enqueue_dma source(%dma_start3A_101 : memref<1x128xf32, #tpu.memory_space<hbm>>) target(%dma_start3A_99 : memref<1x128xf32, #tpu.memory_space<vmem>>) target_semaphore(%arg12 : memref<!tpu.dma_semaphore, #tpu.memory_space<semaphore_mem>>)
      %slice3A_102 = vector.extract_strided_slice %shift_right_logical3A_68 {offsets = [1], sizes = [1], strides = [1]} : vector<16xi32> to vector<1xi32>
      %squeeze3A_103 = vector.extract %slice3A_102[0] : i32 from vector<1xi32>
      %add3A_104 = arith.constant 1 : i32
      %add3A_105 = arith.addi %mul3A_56, %add3A_104 : i32
      %dma_start3A_106 = arith.constant 0 : i32
      %dma_start3A_107 = tpu.memref_slice %arg10[%add3A_105, %dma_start3A_106] : memref<256x128xf32, #tpu.memory_space<vmem>> -> memref<1x128xf32, #tpu.memory_space<vmem>>
      %dma_start3A_108 = arith.constant 0 : i32
      %dma_start3A_109 = tpu.memref_slice %arg5[%squeeze3A_103, %dma_start3A_108] : memref<25000x128xf32, #tpu.memory_space<hbm>> -> memref<1x128xf32, #tpu.memory_space<hbm>>
      %dma_start3A_110 = arith.constant 0 : i32
      %dma_start3A_111 = tpu.memref_slice %arg10[%add3A_105, %dma_start3A_110] : memref<256x128xf32, #tpu.memory_space<vmem>> -> memref<1x128xf32, #tpu.memory_space<vmem>>
      %dma_start3A_112 = arith.constant 0 : i32
      %dma_start3A_113 = tpu.memref_slice %arg5[%squeeze3A_103, %dma_start3A_112] : memref<25000x128xf32, #tpu.memory_space<hbm>> -> memref<1x128xf32, #tpu.memory_space<hbm>>
      tpu.enqueue_dma source(%dma_start3A_113 : memref<1x128xf32, #tpu.memory_space<hbm>>) target(%dma_start3A_111 : memref<1x128xf32, #tpu.memory_space<vmem>>) target_semaphore(%arg12 : memref<!tpu.dma_semaphore, #tpu.memory_space<semaphore_mem>>)
      %slice3A_114 = vector.extract_strided_slice %shift_right_logical3A_61 {offsets = [2], sizes = [1], strides = [1]} : vector<16xi32> to vector<1xi32>
      %squeeze3A_115 = vector.extract %slice3A_114[0] : i32 from vector<1xi32>
      %add3A_116 = arith.constant 2 : i32
      %add3A_117 = arith.addi %mul3A_56, %add3A_116 : i32
      %dma_start3A_118 = arith.constant 0 : i32
      %dma_start3A_119 = tpu.memref_slice %arg9[%add3A_117, %dma_start3A_118] : memref<256x128xf32, #tpu.memory_space<vmem>> -> memref<1x128xf32, #tpu.memory_space<vmem>>
      %dma_start3A_120 = arith.constant 0 : i32
      %dma_start3A_121 = tpu.memref_slice %arg4[%squeeze3A_115, %dma_start3A_120] : memref<250000x128xf32, #tpu.memory_space<hbm>> -> memref<1x128xf32, #tpu.memory_space<hbm>>
      %dma_start3A_122 = arith.constant 0 : i32
      %dma_start3A_123 = tpu.memref_slice %arg9[%add3A_117, %dma_start3A_122] : memref<256x128xf32, #tpu.memory_space<vmem>> -> memref<1x128xf32, #tpu.memory_space<vmem>>
      %dma_start3A_124 = arith.constant 0 : i32
      %dma_start3A_125 = tpu.memref_slice %arg4[%squeeze3A_115, %dma_start3A_124] : memref<250000x128xf32, #tpu.memory_space<hbm>> -> memref<1x128xf32, #tpu.memory_space<hbm>>
      tpu.enqueue_dma source(%dma_start3A_125 : memref<1x128xf32, #tpu.memory_space<hbm>>) target(%dma_start3A_123 : memref<1x128xf32, #tpu.memory_space<vmem>>) target_semaphore(%arg12 : memref<!tpu.dma_semaphore, #tpu.memory_space<semaphore_mem>>)
      %slice3A_126 = vector.extract_strided_slice %shift_right_logical3A_68 {offsets = [2], sizes = [1], strides = [1]} : vector<16xi32> to vector<1xi32>
      %squeeze3A_127 = vector.extract %slice3A_126[0] : i32 from vector<1xi32>
      %add3A_128 = arith.constant 2 : i32
      %add3A_129 = arith.addi %mul3A_56, %add3A_128 : i32
      %dma_start3A_130 = arith.constant 0 : i32
      %dma_start3A_131 = tpu.memref_slice %arg10[%add3A_129, %dma_start3A_130] : memref<256x128xf32, #tpu.memory_space<vmem>> -> memref<1x128xf32, #tpu.memory_space<vmem>>
      %dma_start3A_132 = arith.constant 0 : i32
      %dma_start3A_133 = tpu.memref_slice %arg5[%squeeze3A_127, %dma_start3A_132] : memref<25000x128xf32, #tpu.memory_space<hbm>> -> memref<1x128xf32, #tpu.memory_space<hbm>>
      %dma_start3A_134 = arith.constant 0 : i32
      %dma_start3A_135 = tpu.memref_slice %arg10[%add3A_129, %dma_start3A_134] : memref<256x128xf32, #tpu.memory_space<vmem>> -> memref<1x128xf32, #tpu.memory_space<vmem>>
      %dma_start3A_136 = arith.constant 0 : i32
      %dma_start3A_137 = tpu.memref_slice %arg5[%squeeze3A_127, %dma_start3A_136] : memref<25000x128xf32, #tpu.memory_space<hbm>> -> memref<1x128xf32, #tpu.memory_space<hbm>>
      tpu.enqueue_dma source(%dma_start3A_137 : memref<1x128xf32, #tpu.memory_space<hbm>>) target(%dma_start3A_135 : memref<1x128xf32, #tpu.memory_space<vmem>>) target_semaphore(%arg12 : memref<!tpu.dma_semaphore, #tpu.memory_space<semaphore_mem>>)
      %slice3A_138 = vector.extract_strided_slice %shift_right_logical3A_61 {offsets = [3], sizes = [1], strides = [1]} : vector<16xi32> to vector<1xi32>
      %squeeze3A_139 = vector.extract %slice3A_138[0] : i32 from vector<1xi32>
      %add3A_140 = arith.constant 3 : i32
      %add3A_141 = arith.addi %mul3A_56, %add3A_140 : i32
      %dma_start3A_142 = arith.constant 0 : i32
      %dma_start3A_143 = tpu.memref_slice %arg9[%add3A_141, %dma_start3A_142] : memref<256x128xf32, #tpu.memory_space<vmem>> -> memref<1x128xf32, #tpu.memory_space<vmem>>
      %dma_start3A_144 = arith.constant 0 : i32
      %dma_start3A_145 = tpu.memref_slice %arg4[%squeeze3A_139, %dma_start3A_144] : memref<250000x128xf32, #tpu.memory_space<hbm>> -> memref<1x128xf32, #tpu.memory_space<hbm>>
      %dma_start3A_146 = arith.constant 0 : i32
      %dma_start3A_147 = tpu.memref_slice %arg9[%add3A_141, %dma_start3A_146] : memref<256x128xf32, #tpu.memory_space<vmem>> -> memref<1x128xf32, #tpu.memory_space<vmem>>
      %dma_start3A_148 = arith.constant 0 : i32
      %dma_start3A_149 = tpu.memref_slice %arg4[%squeeze3A_139, %dma_start3A_148] : memref<250000x128xf32, #tpu.memory_space<hbm>> -> memref<1x128xf32, #tpu.memory_space<hbm>>
      tpu.enqueue_dma source(%dma_start3A_149 : memref<1x128xf32, #tpu.memory_space<hbm>>) target(%dma_start3A_147 : memref<1x128xf32, #tpu.memory_space<vmem>>) target_semaphore(%arg12 : memref<!tpu.dma_semaphore, #tpu.memory_space<semaphore_mem>>)
      %slice3A_150 = vector.extract_strided_slice %shift_right_logical3A_68 {offsets = [3], sizes = [1], strides = [1]} : vector<16xi32> to vector<1xi32>
      %squeeze3A_151 = vector.extract %slice3A_150[0] : i32 from vector<1xi32>
      %add3A_152 = arith.constant 3 : i32
      %add3A_153 = arith.addi %mul3A_56, %add3A_152 : i32
      %dma_start3A_154 = arith.constant 0 : i32
      %dma_start3A_155 = tpu.memref_slice %arg10[%add3A_153, %dma_start3A_154] : memref<256x128xf32, #tpu.memory_space<vmem>> -> memref<1x128xf32, #tpu.memory_space<vmem>>
      %dma_start3A_156 = arith.constant 0 : i32
      %dma_start3A_157 = tpu.memref_slice %arg5[%squeeze3A_151, %dma_start3A_156] : memref<25000x128xf32, #tpu.memory_space<hbm>> -> memref<1x128xf32, #tpu.memory_space<hbm>>
      %dma_start3A_158 = arith.constant 0 : i32
      %dma_start3A_159 = tpu.memref_slice %arg10[%add3A_153, %dma_start3A_158] : memref<256x128xf32, #tpu.memory_space<vmem>> -> memref<1x128xf32, #tpu.memory_space<vmem>>
      %dma_start3A_160 = arith.constant 0 : i32
      %dma_start3A_161 = tpu.memref_slice %arg5[%squeeze3A_151, %dma_start3A_160] : memref<25000x128xf32, #tpu.memory_space<hbm>> -> memref<1x128xf32, #tpu.memory_space<hbm>>
      tpu.enqueue_dma source(%dma_start3A_161 : memref<1x128xf32, #tpu.memory_space<hbm>>) target(%dma_start3A_159 : memref<1x128xf32, #tpu.memory_space<vmem>>) target_semaphore(%arg12 : memref<!tpu.dma_semaphore, #tpu.memory_space<semaphore_mem>>)
      %slice3A_162 = vector.extract_strided_slice %shift_right_logical3A_61 {offsets = [4], sizes = [1], strides = [1]} : vector<16xi32> to vector<1xi32>
      %squeeze3A_163 = vector.extract %slice3A_162[0] : i32 from vector<1xi32>
      %add3A_164 = arith.constant 4 : i32
      %add3A_165 = arith.addi %mul3A_56, %add3A_164 : i32
      %dma_start3A_166 = arith.constant 0 : i32
      %dma_start3A_167 = tpu.memref_slice %arg9[%add3A_165, %dma_start3A_166] : memref<256x128xf32, #tpu.memory_space<vmem>> -> memref<1x128xf32, #tpu.memory_space<vmem>>
      %dma_start3A_168 = arith.constant 0 : i32
      %dma_start3A_169 = tpu.memref_slice %arg4[%squeeze3A_163, %dma_start3A_168] : memref<250000x128xf32, #tpu.memory_space<hbm>> -> memref<1x128xf32, #tpu.memory_space<hbm>>
      %dma_start3A_170 = arith.constant 0 : i32
      %dma_start3A_171 = tpu.memref_slice %arg9[%add3A_165, %dma_start3A_170] : memref<256x128xf32, #tpu.memory_space<vmem>> -> memref<1x128xf32, #tpu.memory_space<vmem>>
      %dma_start3A_172 = arith.constant 0 : i32
      %dma_start3A_173 = tpu.memref_slice %arg4[%squeeze3A_163, %dma_start3A_172] : memref<250000x128xf32, #tpu.memory_space<hbm>> -> memref<1x128xf32, #tpu.memory_space<hbm>>
      tpu.enqueue_dma source(%dma_start3A_173 : memref<1x128xf32, #tpu.memory_space<hbm>>) target(%dma_start3A_171 : memref<1x128xf32, #tpu.memory_space<vmem>>) target_semaphore(%arg12 : memref<!tpu.dma_semaphore, #tpu.memory_space<semaphore_mem>>)
      %slice3A_174 = vector.extract_strided_slice %shift_right_logical3A_68 {offsets = [4], sizes = [1], strides = [1]} : vector<16xi32> to vector<1xi32>
      %squeeze3A_175 = vector.extract %slice3A_174[0] : i32 from vector<1xi32>
      %add3A_176 = arith.constant 4 : i32
      %add3A_177 = arith.addi %mul3A_56, %add3A_176 : i32
      %dma_start3A_178 = arith.constant 0 : i32
      %dma_start3A_179 = tpu.memref_slice %arg10[%add3A_177, %dma_start3A_178] : memref<256x128xf32, #tpu.memory_space<vmem>> -> memref<1x128xf32, #tpu.memory_space<vmem>>
      %dma_start3A_180 = arith.constant 0 : i32
      %dma_start3A_181 = tpu.memref_slice %arg5[%squeeze3A_175, %dma_start3A_180] : memref<25000x128xf32, #tpu.memory_space<hbm>> -> memref<1x128xf32, #tpu.memory_space<hbm>>
      %dma_start3A_182 = arith.constant 0 : i32
      %dma_start3A_183 = tpu.memref_slice %arg10[%add3A_177, %dma_start3A_182] : memref<256x128xf32, #tpu.memory_space<vmem>> -> memref<1x128xf32, #tpu.memory_space<vmem>>
      %dma_start3A_184 = arith.constant 0 : i32
      %dma_start3A_185 = tpu.memref_slice %arg5[%squeeze3A_175, %dma_start3A_184] : memref<25000x128xf32, #tpu.memory_space<hbm>> -> memref<1x128xf32, #tpu.memory_space<hbm>>
      tpu.enqueue_dma source(%dma_start3A_185 : memref<1x128xf32, #tpu.memory_space<hbm>>) target(%dma_start3A_183 : memref<1x128xf32, #tpu.memory_space<vmem>>) target_semaphore(%arg12 : memref<!tpu.dma_semaphore, #tpu.memory_space<semaphore_mem>>)
      %slice3A_186 = vector.extract_strided_slice %shift_right_logical3A_61 {offsets = [5], sizes = [1], strides = [1]} : vector<16xi32> to vector<1xi32>
      %squeeze3A_187 = vector.extract %slice3A_186[0] : i32 from vector<1xi32>
      %add3A_188 = arith.constant 5 : i32
      %add3A_189 = arith.addi %mul3A_56, %add3A_188 : i32
      %dma_start3A_190 = arith.constant 0 : i32
      %dma_start3A_191 = tpu.memref_slice %arg9[%add3A_189, %dma_start3A_190] : memref<256x128xf32, #tpu.memory_space<vmem>> -> memref<1x128xf32, #tpu.memory_space<vmem>>
      %dma_start3A_192 = arith.constant 0 : i32
      %dma_start3A_193 = tpu.memref_slice %arg4[%squeeze3A_187, %dma_start3A_192] : memref<250000x128xf32, #tpu.memory_space<hbm>> -> memref<1x128xf32, #tpu.memory_space<hbm>>
      %dma_start3A_194 = arith.constant 0 : i32
      %dma_start3A_195 = tpu.memref_slice %arg9[%add3A_189, %dma_start3A_194] : memref<256x128xf32, #tpu.memory_space<vmem>> -> memref<1x128xf32, #tpu.memory_space<vmem>>
      %dma_start3A_196 = arith.constant 0 : i32
      %dma_start3A_197 = tpu.memref_slice %arg4[%squeeze3A_187, %dma_start3A_196] : memref<250000x128xf32, #tpu.memory_space<hbm>> -> memref<1x128xf32, #tpu.memory_space<hbm>>
      tpu.enqueue_dma source(%dma_start3A_197 : memref<1x128xf32, #tpu.memory_space<hbm>>) target(%dma_start3A_195 : memref<1x128xf32, #tpu.memory_space<vmem>>) target_semaphore(%arg12 : memref<!tpu.dma_semaphore, #tpu.memory_space<semaphore_mem>>)
      %slice3A_198 = vector.extract_strided_slice %shift_right_logical3A_68 {offsets = [5], sizes = [1], strides = [1]} : vector<16xi32> to vector<1xi32>
      %squeeze3A_199 = vector.extract %slice3A_198[0] : i32 from vector<1xi32>
      %add3A_200 = arith.constant 5 : i32
      %add3A_201 = arith.addi %mul3A_56, %add3A_200 : i32
      %dma_start3A_202 = arith.constant 0 : i32
      %dma_start3A_203 = tpu.memref_slice %arg10[%add3A_201, %dma_start3A_202] : memref<256x128xf32, #tpu.memory_space<vmem>> -> memref<1x128xf32, #tpu.memory_space<vmem>>
      %dma_start3A_204 = arith.constant 0 : i32
      %dma_start3A_205 = tpu.memref_slice %arg5[%squeeze3A_199, %dma_start3A_204] : memref<25000x128xf32, #tpu.memory_space<hbm>> -> memref<1x128xf32, #tpu.memory_space<hbm>>
      %dma_start3A_206 = arith.constant 0 : i32
      %dma_start3A_207 = tpu.memref_slice %arg10[%add3A_201, %dma_start3A_206] : memref<256x128xf32, #tpu.memory_space<vmem>> -> memref<1x128xf32, #tpu.memory_space<vmem>>
      %dma_start3A_208 = arith.constant 0 : i32
      %dma_start3A_209 = tpu.memref_slice %arg5[%squeeze3A_199, %dma_start3A_208] : memref<25000x128xf32, #tpu.memory_space<hbm>> -> memref<1x128xf32, #tpu.memory_space<hbm>>
      tpu.enqueue_dma source(%dma_start3A_209 : memref<1x128xf32, #tpu.memory_space<hbm>>) target(%dma_start3A_207 : memref<1x128xf32, #tpu.memory_space<vmem>>) target_semaphore(%arg12 : memref<!tpu.dma_semaphore, #tpu.memory_space<semaphore_mem>>)
      %slice3A_210 = vector.extract_strided_slice %shift_right_logical3A_61 {offsets = [6], sizes = [1], strides = [1]} : vector<16xi32> to vector<1xi32>
      %squeeze3A_211 = vector.extract %slice3A_210[0] : i32 from vector<1xi32>
      %add3A_212 = arith.constant 6 : i32
      %add3A_213 = arith.addi %mul3A_56, %add3A_212 : i32
      %dma_start3A_214 = arith.constant 0 : i32
      %dma_start3A_215 = tpu.memref_slice %arg9[%add3A_213, %dma_start3A_214] : memref<256x128xf32, #tpu.memory_space<vmem>> -> memref<1x128xf32, #tpu.memory_space<vmem>>
      %dma_start3A_216 = arith.constant 0 : i32
      %dma_start3A_217 = tpu.memref_slice %arg4[%squeeze3A_211, %dma_start3A_216] : memref<250000x128xf32, #tpu.memory_space<hbm>> -> memref<1x128xf32, #tpu.memory_space<hbm>>
      %dma_start3A_218 = arith.constant 0 : i32
      %dma_start3A_219 = tpu.memref_slice %arg9[%add3A_213, %dma_start3A_218] : memref<256x128xf32, #tpu.memory_space<vmem>> -> memref<1x128xf32, #tpu.memory_space<vmem>>
      %dma_start3A_220 = arith.constant 0 : i32
      %dma_start3A_221 = tpu.memref_slice %arg4[%squeeze3A_211, %dma_start3A_220] : memref<250000x128xf32, #tpu.memory_space<hbm>> -> memref<1x128xf32, #tpu.memory_space<hbm>>
      tpu.enqueue_dma source(%dma_start3A_221 : memref<1x128xf32, #tpu.memory_space<hbm>>) target(%dma_start3A_219 : memref<1x128xf32, #tpu.memory_space<vmem>>) target_semaphore(%arg12 : memref<!tpu.dma_semaphore, #tpu.memory_space<semaphore_mem>>)
      %slice3A_222 = vector.extract_strided_slice %shift_right_logical3A_68 {offsets = [6], sizes = [1], strides = [1]} : vector<16xi32> to vector<1xi32>
      %squeeze3A_223 = vector.extract %slice3A_222[0] : i32 from vector<1xi32>
      %add3A_224 = arith.constant 6 : i32
      %add3A_225 = arith.addi %mul3A_56, %add3A_224 : i32
      %dma_start3A_226 = arith.constant 0 : i32
      %dma_start3A_227 = tpu.memref_slice %arg10[%add3A_225, %dma_start3A_226] : memref<256x128xf32, #tpu.memory_space<vmem>> -> memref<1x128xf32, #tpu.memory_space<vmem>>
      %dma_start3A_228 = arith.constant 0 : i32
      %dma_start3A_229 = tpu.memref_slice %arg5[%squeeze3A_223, %dma_start3A_228] : memref<25000x128xf32, #tpu.memory_space<hbm>> -> memref<1x128xf32, #tpu.memory_space<hbm>>
      %dma_start3A_230 = arith.constant 0 : i32
      %dma_start3A_231 = tpu.memref_slice %arg10[%add3A_225, %dma_start3A_230] : memref<256x128xf32, #tpu.memory_space<vmem>> -> memref<1x128xf32, #tpu.memory_space<vmem>>
      %dma_start3A_232 = arith.constant 0 : i32
      %dma_start3A_233 = tpu.memref_slice %arg5[%squeeze3A_223, %dma_start3A_232] : memref<25000x128xf32, #tpu.memory_space<hbm>> -> memref<1x128xf32, #tpu.memory_space<hbm>>
      tpu.enqueue_dma source(%dma_start3A_233 : memref<1x128xf32, #tpu.memory_space<hbm>>) target(%dma_start3A_231 : memref<1x128xf32, #tpu.memory_space<vmem>>) target_semaphore(%arg12 : memref<!tpu.dma_semaphore, #tpu.memory_space<semaphore_mem>>)
      %slice3A_234 = vector.extract_strided_slice %shift_right_logical3A_61 {offsets = [7], sizes = [1], strides = [1]} : vector<16xi32> to vector<1xi32>
      %squeeze3A_235 = vector.extract %slice3A_234[0] : i32 from vector<1xi32>
      %add3A_236 = arith.constant 7 : i32
      %add3A_237 = arith.addi %mul3A_56, %add3A_236 : i32
      %dma_start3A_238 = arith.constant 0 : i32
      %dma_start3A_239 = tpu.memref_slice %arg9[%add3A_237, %dma_start3A_238] : memref<256x128xf32, #tpu.memory_space<vmem>> -> memref<1x128xf32, #tpu.memory_space<vmem>>
      %dma_start3A_240 = arith.constant 0 : i32
      %dma_start3A_241 = tpu.memref_slice %arg4[%squeeze3A_235, %dma_start3A_240] : memref<250000x128xf32, #tpu.memory_space<hbm>> -> memref<1x128xf32, #tpu.memory_space<hbm>>
      %dma_start3A_242 = arith.constant 0 : i32
      %dma_start3A_243 = tpu.memref_slice %arg9[%add3A_237, %dma_start3A_242] : memref<256x128xf32, #tpu.memory_space<vmem>> -> memref<1x128xf32, #tpu.memory_space<vmem>>
      %dma_start3A_244 = arith.constant 0 : i32
      %dma_start3A_245 = tpu.memref_slice %arg4[%squeeze3A_235, %dma_start3A_244] : memref<250000x128xf32, #tpu.memory_space<hbm>> -> memref<1x128xf32, #tpu.memory_space<hbm>>
      tpu.enqueue_dma source(%dma_start3A_245 : memref<1x128xf32, #tpu.memory_space<hbm>>) target(%dma_start3A_243 : memref<1x128xf32, #tpu.memory_space<vmem>>) target_semaphore(%arg12 : memref<!tpu.dma_semaphore, #tpu.memory_space<semaphore_mem>>)
      %slice3A_246 = vector.extract_strided_slice %shift_right_logical3A_68 {offsets = [7], sizes = [1], strides = [1]} : vector<16xi32> to vector<1xi32>
      %squeeze3A_247 = vector.extract %slice3A_246[0] : i32 from vector<1xi32>
      %add3A_248 = arith.constant 7 : i32
      %add3A_249 = arith.addi %mul3A_56, %add3A_248 : i32
      %dma_start3A_250 = arith.constant 0 : i32
      %dma_start3A_251 = tpu.memref_slice %arg10[%add3A_249, %dma_start3A_250] : memref<256x128xf32, #tpu.memory_space<vmem>> -> memref<1x128xf32, #tpu.memory_space<vmem>>
      %dma_start3A_252 = arith.constant 0 : i32
      %dma_start3A_253 = tpu.memref_slice %arg5[%squeeze3A_247, %dma_start3A_252] : memref<25000x128xf32, #tpu.memory_space<hbm>> -> memref<1x128xf32, #tpu.memory_space<hbm>>
      %dma_start3A_254 = arith.constant 0 : i32
      %dma_start3A_255 = tpu.memref_slice %arg10[%add3A_249, %dma_start3A_254] : memref<256x128xf32, #tpu.memory_space<vmem>> -> memref<1x128xf32, #tpu.memory_space<vmem>>
      %dma_start3A_256 = arith.constant 0 : i32
      %dma_start3A_257 = tpu.memref_slice %arg5[%squeeze3A_247, %dma_start3A_256] : memref<25000x128xf32, #tpu.memory_space<hbm>> -> memref<1x128xf32, #tpu.memory_space<hbm>>
      tpu.enqueue_dma source(%dma_start3A_257 : memref<1x128xf32, #tpu.memory_space<hbm>>) target(%dma_start3A_255 : memref<1x128xf32, #tpu.memory_space<vmem>>) target_semaphore(%arg12 : memref<!tpu.dma_semaphore, #tpu.memory_space<semaphore_mem>>)
      %slice3A_258 = vector.extract_strided_slice %shift_right_logical3A_61 {offsets = [8], sizes = [1], strides = [1]} : vector<16xi32> to vector<1xi32>
      %squeeze3A_259 = vector.extract %slice3A_258[0] : i32 from vector<1xi32>
      %add3A_260 = arith.constant 8 : i32
      %add3A_261 = arith.addi %mul3A_56, %add3A_260 : i32
      %dma_start3A_262 = arith.constant 0 : i32
      %dma_start3A_263 = tpu.memref_slice %arg9[%add3A_261, %dma_start3A_262] : memref<256x128xf32, #tpu.memory_space<vmem>> -> memref<1x128xf32, #tpu.memory_space<vmem>>
      %dma_start3A_264 = arith.constant 0 : i32
      %dma_start3A_265 = tpu.memref_slice %arg4[%squeeze3A_259, %dma_start3A_264] : memref<250000x128xf32, #tpu.memory_space<hbm>> -> memref<1x128xf32, #tpu.memory_space<hbm>>
      %dma_start3A_266 = arith.constant 0 : i32
      %dma_start3A_267 = tpu.memref_slice %arg9[%add3A_261, %dma_start3A_266] : memref<256x128xf32, #tpu.memory_space<vmem>> -> memref<1x128xf32, #tpu.memory_space<vmem>>
      %dma_start3A_268 = arith.constant 0 : i32
      %dma_start3A_269 = tpu.memref_slice %arg4[%squeeze3A_259, %dma_start3A_268] : memref<250000x128xf32, #tpu.memory_space<hbm>> -> memref<1x128xf32, #tpu.memory_space<hbm>>
      tpu.enqueue_dma source(%dma_start3A_269 : memref<1x128xf32, #tpu.memory_space<hbm>>) target(%dma_start3A_267 : memref<1x128xf32, #tpu.memory_space<vmem>>) target_semaphore(%arg12 : memref<!tpu.dma_semaphore, #tpu.memory_space<semaphore_mem>>)
      %slice3A_270 = vector.extract_strided_slice %shift_right_logical3A_68 {offsets = [8], sizes = [1], strides = [1]} : vector<16xi32> to vector<1xi32>
      %squeeze3A_271 = vector.extract %slice3A_270[0] : i32 from vector<1xi32>
      %add3A_272 = arith.constant 8 : i32
      %add3A_273 = arith.addi %mul3A_56, %add3A_272 : i32
      %dma_start3A_274 = arith.constant 0 : i32
      %dma_start3A_275 = tpu.memref_slice %arg10[%add3A_273, %dma_start3A_274] : memref<256x128xf32, #tpu.memory_space<vmem>> -> memref<1x128xf32, #tpu.memory_space<vmem>>
      %dma_start3A_276 = arith.constant 0 : i32
      %dma_start3A_277 = tpu.memref_slice %arg5[%squeeze3A_271, %dma_start3A_276] : memref<25000x128xf32, #tpu.memory_space<hbm>> -> memref<1x128xf32, #tpu.memory_space<hbm>>
      %dma_start3A_278 = arith.constant 0 : i32
      %dma_start3A_279 = tpu.memref_slice %arg10[%add3A_273, %dma_start3A_278] : memref<256x128xf32, #tpu.memory_space<vmem>> -> memref<1x128xf32, #tpu.memory_space<vmem>>
      %dma_start3A_280 = arith.constant 0 : i32
      %dma_start3A_281 = tpu.memref_slice %arg5[%squeeze3A_271, %dma_start3A_280] : memref<25000x128xf32, #tpu.memory_space<hbm>> -> memref<1x128xf32, #tpu.memory_space<hbm>>
      tpu.enqueue_dma source(%dma_start3A_281 : memref<1x128xf32, #tpu.memory_space<hbm>>) target(%dma_start3A_279 : memref<1x128xf32, #tpu.memory_space<vmem>>) target_semaphore(%arg12 : memref<!tpu.dma_semaphore, #tpu.memory_space<semaphore_mem>>)
      %slice3A_282 = vector.extract_strided_slice %shift_right_logical3A_61 {offsets = [9], sizes = [1], strides = [1]} : vector<16xi32> to vector<1xi32>
      %squeeze3A_283 = vector.extract %slice3A_282[0] : i32 from vector<1xi32>
      %add3A_284 = arith.constant 9 : i32
      %add3A_285 = arith.addi %mul3A_56, %add3A_284 : i32
      %dma_start3A_286 = arith.constant 0 : i32
      %dma_start3A_287 = tpu.memref_slice %arg9[%add3A_285, %dma_start3A_286] : memref<256x128xf32, #tpu.memory_space<vmem>> -> memref<1x128xf32, #tpu.memory_space<vmem>>
      %dma_start3A_288 = arith.constant 0 : i32
      %dma_start3A_289 = tpu.memref_slice %arg4[%squeeze3A_283, %dma_start3A_288] : memref<250000x128xf32, #tpu.memory_space<hbm>> -> memref<1x128xf32, #tpu.memory_space<hbm>>
      %dma_start3A_290 = arith.constant 0 : i32
      %dma_start3A_291 = tpu.memref_slice %arg9[%add3A_285, %dma_start3A_290] : memref<256x128xf32, #tpu.memory_space<vmem>> -> memref<1x128xf32, #tpu.memory_space<vmem>>
      %dma_start3A_292 = arith.constant 0 : i32
      %dma_start3A_293 = tpu.memref_slice %arg4[%squeeze3A_283, %dma_start3A_292] : memref<250000x128xf32, #tpu.memory_space<hbm>> -> memref<1x128xf32, #tpu.memory_space<hbm>>
      tpu.enqueue_dma source(%dma_start3A_293 : memref<1x128xf32, #tpu.memory_space<hbm>>) target(%dma_start3A_291 : memref<1x128xf32, #tpu.memory_space<vmem>>) target_semaphore(%arg12 : memref<!tpu.dma_semaphore, #tpu.memory_space<semaphore_mem>>)
      %slice3A_294 = vector.extract_strided_slice %shift_right_logical3A_68 {offsets = [9], sizes = [1], strides = [1]} : vector<16xi32> to vector<1xi32>
      %squeeze3A_295 = vector.extract %slice3A_294[0] : i32 from vector<1xi32>
      %add3A_296 = arith.constant 9 : i32
      %add3A_297 = arith.addi %mul3A_56, %add3A_296 : i32
      %dma_start3A_298 = arith.constant 0 : i32
      %dma_start3A_299 = tpu.memref_slice %arg10[%add3A_297, %dma_start3A_298] : memref<256x128xf32, #tpu.memory_space<vmem>> -> memref<1x128xf32, #tpu.memory_space<vmem>>
      %dma_start3A_300 = arith.constant 0 : i32
      %dma_start3A_301 = tpu.memref_slice %arg5[%squeeze3A_295, %dma_start3A_300] : memref<25000x128xf32, #tpu.memory_space<hbm>> -> memref<1x128xf32, #tpu.memory_space<hbm>>
      %dma_start3A_302 = arith.constant 0 : i32
      %dma_start3A_303 = tpu.memref_slice %arg10[%add3A_297, %dma_start3A_302] : memref<256x128xf32, #tpu.memory_space<vmem>> -> memref<1x128xf32, #tpu.memory_space<vmem>>
      %dma_start3A_304 = arith.constant 0 : i32
      %dma_start3A_305 = tpu.memref_slice %arg5[%squeeze3A_295, %dma_start3A_304] : memref<25000x128xf32, #tpu.memory_space<hbm>> -> memref<1x128xf32, #tpu.memory_space<hbm>>
      tpu.enqueue_dma source(%dma_start3A_305 : memref<1x128xf32, #tpu.memory_space<hbm>>) target(%dma_start3A_303 : memref<1x128xf32, #tpu.memory_space<vmem>>) target_semaphore(%arg12 : memref<!tpu.dma_semaphore, #tpu.memory_space<semaphore_mem>>)
      %slice3A_306 = vector.extract_strided_slice %shift_right_logical3A_61 {offsets = [10], sizes = [1], strides = [1]} : vector<16xi32> to vector<1xi32>
      %squeeze3A_307 = vector.extract %slice3A_306[0] : i32 from vector<1xi32>
      %add3A_308 = arith.constant 10 : i32
      %add3A_309 = arith.addi %mul3A_56, %add3A_308 : i32
      %dma_start3A_310 = arith.constant 0 : i32
      %dma_start3A_311 = tpu.memref_slice %arg9[%add3A_309, %dma_start3A_310] : memref<256x128xf32, #tpu.memory_space<vmem>> -> memref<1x128xf32, #tpu.memory_space<vmem>>
      %dma_start3A_312 = arith.constant 0 : i32
      %dma_start3A_313 = tpu.memref_slice %arg4[%squeeze3A_307, %dma_start3A_312] : memref<250000x128xf32, #tpu.memory_space<hbm>> -> memref<1x128xf32, #tpu.memory_space<hbm>>
      %dma_start3A_314 = arith.constant 0 : i32
      %dma_start3A_315 = tpu.memref_slice %arg9[%add3A_309, %dma_start3A_314] : memref<256x128xf32, #tpu.memory_space<vmem>> -> memref<1x128xf32, #tpu.memory_space<vmem>>
      %dma_start3A_316 = arith.constant 0 : i32
      %dma_start3A_317 = tpu.memref_slice %arg4[%squeeze3A_307, %dma_start3A_316] : memref<250000x128xf32, #tpu.memory_space<hbm>> -> memref<1x128xf32, #tpu.memory_space<hbm>>
      tpu.enqueue_dma source(%dma_start3A_317 : memref<1x128xf32, #tpu.memory_space<hbm>>) target(%dma_start3A_315 : memref<1x128xf32, #tpu.memory_space<vmem>>) target_semaphore(%arg12 : memref<!tpu.dma_semaphore, #tpu.memory_space<semaphore_mem>>)
      %slice3A_318 = vector.extract_strided_slice %shift_right_logical3A_68 {offsets = [10], sizes = [1], strides = [1]} : vector<16xi32> to vector<1xi32>
      %squeeze3A_319 = vector.extract %slice3A_318[0] : i32 from vector<1xi32>
      %add3A_320 = arith.constant 10 : i32
      %add3A_321 = arith.addi %mul3A_56, %add3A_320 : i32
      %dma_start3A_322 = arith.constant 0 : i32
      %dma_start3A_323 = tpu.memref_slice %arg10[%add3A_321, %dma_start3A_322] : memref<256x128xf32, #tpu.memory_space<vmem>> -> memref<1x128xf32, #tpu.memory_space<vmem>>
      %dma_start3A_324 = arith.constant 0 : i32
      %dma_start3A_325 = tpu.memref_slice %arg5[%squeeze3A_319, %dma_start3A_324] : memref<25000x128xf32, #tpu.memory_space<hbm>> -> memref<1x128xf32, #tpu.memory_space<hbm>>
      %dma_start3A_326 = arith.constant 0 : i32
      %dma_start3A_327 = tpu.memref_slice %arg10[%add3A_321, %dma_start3A_326] : memref<256x128xf32, #tpu.memory_space<vmem>> -> memref<1x128xf32, #tpu.memory_space<vmem>>
      %dma_start3A_328 = arith.constant 0 : i32
      %dma_start3A_329 = tpu.memref_slice %arg5[%squeeze3A_319, %dma_start3A_328] : memref<25000x128xf32, #tpu.memory_space<hbm>> -> memref<1x128xf32, #tpu.memory_space<hbm>>
      tpu.enqueue_dma source(%dma_start3A_329 : memref<1x128xf32, #tpu.memory_space<hbm>>) target(%dma_start3A_327 : memref<1x128xf32, #tpu.memory_space<vmem>>) target_semaphore(%arg12 : memref<!tpu.dma_semaphore, #tpu.memory_space<semaphore_mem>>)
      %slice3A_330 = vector.extract_strided_slice %shift_right_logical3A_61 {offsets = [11], sizes = [1], strides = [1]} : vector<16xi32> to vector<1xi32>
      %squeeze3A_331 = vector.extract %slice3A_330[0] : i32 from vector<1xi32>
      %add3A_332 = arith.constant 11 : i32
      %add3A_333 = arith.addi %mul3A_56, %add3A_332 : i32
      %dma_start3A_334 = arith.constant 0 : i32
      %dma_start3A_335 = tpu.memref_slice %arg9[%add3A_333, %dma_start3A_334] : memref<256x128xf32, #tpu.memory_space<vmem>> -> memref<1x128xf32, #tpu.memory_space<vmem>>
      %dma_start3A_336 = arith.constant 0 : i32
      %dma_start3A_337 = tpu.memref_slice %arg4[%squeeze3A_331, %dma_start3A_336] : memref<250000x128xf32, #tpu.memory_space<hbm>> -> memref<1x128xf32, #tpu.memory_space<hbm>>
      %dma_start3A_338 = arith.constant 0 : i32
      %dma_start3A_339 = tpu.memref_slice %arg9[%add3A_333, %dma_start3A_338] : memref<256x128xf32, #tpu.memory_space<vmem>> -> memref<1x128xf32, #tpu.memory_space<vmem>>
      %dma_start3A_340 = arith.constant 0 : i32
      %dma_start3A_341 = tpu.memref_slice %arg4[%squeeze3A_331, %dma_start3A_340] : memref<250000x128xf32, #tpu.memory_space<hbm>> -> memref<1x128xf32, #tpu.memory_space<hbm>>
      tpu.enqueue_dma source(%dma_start3A_341 : memref<1x128xf32, #tpu.memory_space<hbm>>) target(%dma_start3A_339 : memref<1x128xf32, #tpu.memory_space<vmem>>) target_semaphore(%arg12 : memref<!tpu.dma_semaphore, #tpu.memory_space<semaphore_mem>>)
      %slice3A_342 = vector.extract_strided_slice %shift_right_logical3A_68 {offsets = [11], sizes = [1], strides = [1]} : vector<16xi32> to vector<1xi32>
      %squeeze3A_343 = vector.extract %slice3A_342[0] : i32 from vector<1xi32>
      %add3A_344 = arith.constant 11 : i32
      %add3A_345 = arith.addi %mul3A_56, %add3A_344 : i32
      %dma_start3A_346 = arith.constant 0 : i32
      %dma_start3A_347 = tpu.memref_slice %arg10[%add3A_345, %dma_start3A_346] : memref<256x128xf32, #tpu.memory_space<vmem>> -> memref<1x128xf32, #tpu.memory_space<vmem>>
      %dma_start3A_348 = arith.constant 0 : i32
      %dma_start3A_349 = tpu.memref_slice %arg5[%squeeze3A_343, %dma_start3A_348] : memref<25000x128xf32, #tpu.memory_space<hbm>> -> memref<1x128xf32, #tpu.memory_space<hbm>>
      %dma_start3A_350 = arith.constant 0 : i32
      %dma_start3A_351 = tpu.memref_slice %arg10[%add3A_345, %dma_start3A_350] : memref<256x128xf32, #tpu.memory_space<vmem>> -> memref<1x128xf32, #tpu.memory_space<vmem>>
      %dma_start3A_352 = arith.constant 0 : i32
      %dma_start3A_353 = tpu.memref_slice %arg5[%squeeze3A_343, %dma_start3A_352] : memref<25000x128xf32, #tpu.memory_space<hbm>> -> memref<1x128xf32, #tpu.memory_space<hbm>>
      tpu.enqueue_dma source(%dma_start3A_353 : memref<1x128xf32, #tpu.memory_space<hbm>>) target(%dma_start3A_351 : memref<1x128xf32, #tpu.memory_space<vmem>>) target_semaphore(%arg12 : memref<!tpu.dma_semaphore, #tpu.memory_space<semaphore_mem>>)
      %slice3A_354 = vector.extract_strided_slice %shift_right_logical3A_61 {offsets = [12], sizes = [1], strides = [1]} : vector<16xi32> to vector<1xi32>
      %squeeze3A_355 = vector.extract %slice3A_354[0] : i32 from vector<1xi32>
      %add3A_356 = arith.constant 12 : i32
      %add3A_357 = arith.addi %mul3A_56, %add3A_356 : i32
      %dma_start3A_358 = arith.constant 0 : i32
      %dma_start3A_359 = tpu.memref_slice %arg9[%add3A_357, %dma_start3A_358] : memref<256x128xf32, #tpu.memory_space<vmem>> -> memref<1x128xf32, #tpu.memory_space<vmem>>
      %dma_start3A_360 = arith.constant 0 : i32
      %dma_start3A_361 = tpu.memref_slice %arg4[%squeeze3A_355, %dma_start3A_360] : memref<250000x128xf32, #tpu.memory_space<hbm>> -> memref<1x128xf32, #tpu.memory_space<hbm>>
      %dma_start3A_362 = arith.constant 0 : i32
      %dma_start3A_363 = tpu.memref_slice %arg9[%add3A_357, %dma_start3A_362] : memref<256x128xf32, #tpu.memory_space<vmem>> -> memref<1x128xf32, #tpu.memory_space<vmem>>
      %dma_start3A_364 = arith.constant 0 : i32
      %dma_start3A_365 = tpu.memref_slice %arg4[%squeeze3A_355, %dma_start3A_364] : memref<250000x128xf32, #tpu.memory_space<hbm>> -> memref<1x128xf32, #tpu.memory_space<hbm>>
      tpu.enqueue_dma source(%dma_start3A_365 : memref<1x128xf32, #tpu.memory_space<hbm>>) target(%dma_start3A_363 : memref<1x128xf32, #tpu.memory_space<vmem>>) target_semaphore(%arg12 : memref<!tpu.dma_semaphore, #tpu.memory_space<semaphore_mem>>)
      %slice3A_366 = vector.extract_strided_slice %shift_right_logical3A_68 {offsets = [12], sizes = [1], strides = [1]} : vector<16xi32> to vector<1xi32>
      %squeeze3A_367 = vector.extract %slice3A_366[0] : i32 from vector<1xi32>
      %add3A_368 = arith.constant 12 : i32
      %add3A_369 = arith.addi %mul3A_56, %add3A_368 : i32
      %dma_start3A_370 = arith.constant 0 : i32
      %dma_start3A_371 = tpu.memref_slice %arg10[%add3A_369, %dma_start3A_370] : memref<256x128xf32, #tpu.memory_space<vmem>> -> memref<1x128xf32, #tpu.memory_space<vmem>>
      %dma_start3A_372 = arith.constant 0 : i32
      %dma_start3A_373 = tpu.memref_slice %arg5[%squeeze3A_367, %dma_start3A_372] : memref<25000x128xf32, #tpu.memory_space<hbm>> -> memref<1x128xf32, #tpu.memory_space<hbm>>
      %dma_start3A_374 = arith.constant 0 : i32
      %dma_start3A_375 = tpu.memref_slice %arg10[%add3A_369, %dma_start3A_374] : memref<256x128xf32, #tpu.memory_space<vmem>> -> memref<1x128xf32, #tpu.memory_space<vmem>>
      %dma_start3A_376 = arith.constant 0 : i32
      %dma_start3A_377 = tpu.memref_slice %arg5[%squeeze3A_367, %dma_start3A_376] : memref<25000x128xf32, #tpu.memory_space<hbm>> -> memref<1x128xf32, #tpu.memory_space<hbm>>
      tpu.enqueue_dma source(%dma_start3A_377 : memref<1x128xf32, #tpu.memory_space<hbm>>) target(%dma_start3A_375 : memref<1x128xf32, #tpu.memory_space<vmem>>) target_semaphore(%arg12 : memref<!tpu.dma_semaphore, #tpu.memory_space<semaphore_mem>>)
      %slice3A_378 = vector.extract_strided_slice %shift_right_logical3A_61 {offsets = [13], sizes = [1], strides = [1]} : vector<16xi32> to vector<1xi32>
      %squeeze3A_379 = vector.extract %slice3A_378[0] : i32 from vector<1xi32>
      %add3A_380 = arith.constant 13 : i32
      %add3A_381 = arith.addi %mul3A_56, %add3A_380 : i32
      %dma_start3A_382 = arith.constant 0 : i32
      %dma_start3A_383 = tpu.memref_slice %arg9[%add3A_381, %dma_start3A_382] : memref<256x128xf32, #tpu.memory_space<vmem>> -> memref<1x128xf32, #tpu.memory_space<vmem>>
      %dma_start3A_384 = arith.constant 0 : i32
      %dma_start3A_385 = tpu.memref_slice %arg4[%squeeze3A_379, %dma_start3A_384] : memref<250000x128xf32, #tpu.memory_space<hbm>> -> memref<1x128xf32, #tpu.memory_space<hbm>>
      %dma_start3A_386 = arith.constant 0 : i32
      %dma_start3A_387 = tpu.memref_slice %arg9[%add3A_381, %dma_start3A_386] : memref<256x128xf32, #tpu.memory_space<vmem>> -> memref<1x128xf32, #tpu.memory_space<vmem>>
      %dma_start3A_388 = arith.constant 0 : i32
      %dma_start3A_389 = tpu.memref_slice %arg4[%squeeze3A_379, %dma_start3A_388] : memref<250000x128xf32, #tpu.memory_space<hbm>> -> memref<1x128xf32, #tpu.memory_space<hbm>>
      tpu.enqueue_dma source(%dma_start3A_389 : memref<1x128xf32, #tpu.memory_space<hbm>>) target(%dma_start3A_387 : memref<1x128xf32, #tpu.memory_space<vmem>>) target_semaphore(%arg12 : memref<!tpu.dma_semaphore, #tpu.memory_space<semaphore_mem>>)
      %slice3A_390 = vector.extract_strided_slice %shift_right_logical3A_68 {offsets = [13], sizes = [1], strides = [1]} : vector<16xi32> to vector<1xi32>
      %squeeze3A_391 = vector.extract %slice3A_390[0] : i32 from vector<1xi32>
      %add3A_392 = arith.constant 13 : i32
      %add3A_393 = arith.addi %mul3A_56, %add3A_392 : i32
      %dma_start3A_394 = arith.constant 0 : i32
      %dma_start3A_395 = tpu.memref_slice %arg10[%add3A_393, %dma_start3A_394] : memref<256x128xf32, #tpu.memory_space<vmem>> -> memref<1x128xf32, #tpu.memory_space<vmem>>
      %dma_start3A_396 = arith.constant 0 : i32
      %dma_start3A_397 = tpu.memref_slice %arg5[%squeeze3A_391, %dma_start3A_396] : memref<25000x128xf32, #tpu.memory_space<hbm>> -> memref<1x128xf32, #tpu.memory_space<hbm>>
      %dma_start3A_398 = arith.constant 0 : i32
      %dma_start3A_399 = tpu.memref_slice %arg10[%add3A_393, %dma_start3A_398] : memref<256x128xf32, #tpu.memory_space<vmem>> -> memref<1x128xf32, #tpu.memory_space<vmem>>
      %dma_start3A_400 = arith.constant 0 : i32
      %dma_start3A_401 = tpu.memref_slice %arg5[%squeeze3A_391, %dma_start3A_400] : memref<25000x128xf32, #tpu.memory_space<hbm>> -> memref<1x128xf32, #tpu.memory_space<hbm>>
      tpu.enqueue_dma source(%dma_start3A_401 : memref<1x128xf32, #tpu.memory_space<hbm>>) target(%dma_start3A_399 : memref<1x128xf32, #tpu.memory_space<vmem>>) target_semaphore(%arg12 : memref<!tpu.dma_semaphore, #tpu.memory_space<semaphore_mem>>)
      %slice3A_402 = vector.extract_strided_slice %shift_right_logical3A_61 {offsets = [14], sizes = [1], strides = [1]} : vector<16xi32> to vector<1xi32>
      %squeeze3A_403 = vector.extract %slice3A_402[0] : i32 from vector<1xi32>
      %add3A_404 = arith.constant 14 : i32
      %add3A_405 = arith.addi %mul3A_56, %add3A_404 : i32
      %dma_start3A_406 = arith.constant 0 : i32
      %dma_start3A_407 = tpu.memref_slice %arg9[%add3A_405, %dma_start3A_406] : memref<256x128xf32, #tpu.memory_space<vmem>> -> memref<1x128xf32, #tpu.memory_space<vmem>>
      %dma_start3A_408 = arith.constant 0 : i32
      %dma_start3A_409 = tpu.memref_slice %arg4[%squeeze3A_403, %dma_start3A_408] : memref<250000x128xf32, #tpu.memory_space<hbm>> -> memref<1x128xf32, #tpu.memory_space<hbm>>
      %dma_start3A_410 = arith.constant 0 : i32
      %dma_start3A_411 = tpu.memref_slice %arg9[%add3A_405, %dma_start3A_410] : memref<256x128xf32, #tpu.memory_space<vmem>> -> memref<1x128xf32, #tpu.memory_space<vmem>>
      %dma_start3A_412 = arith.constant 0 : i32
      %dma_start3A_413 = tpu.memref_slice %arg4[%squeeze3A_403, %dma_start3A_412] : memref<250000x128xf32, #tpu.memory_space<hbm>> -> memref<1x128xf32, #tpu.memory_space<hbm>>
      tpu.enqueue_dma source(%dma_start3A_413 : memref<1x128xf32, #tpu.memory_space<hbm>>) target(%dma_start3A_411 : memref<1x128xf32, #tpu.memory_space<vmem>>) target_semaphore(%arg12 : memref<!tpu.dma_semaphore, #tpu.memory_space<semaphore_mem>>)
      %slice3A_414 = vector.extract_strided_slice %shift_right_logical3A_68 {offsets = [14], sizes = [1], strides = [1]} : vector<16xi32> to vector<1xi32>
      %squeeze3A_415 = vector.extract %slice3A_414[0] : i32 from vector<1xi32>
      %add3A_416 = arith.constant 14 : i32
      %add3A_417 = arith.addi %mul3A_56, %add3A_416 : i32
      %dma_start3A_418 = arith.constant 0 : i32
      %dma_start3A_419 = tpu.memref_slice %arg10[%add3A_417, %dma_start3A_418] : memref<256x128xf32, #tpu.memory_space<vmem>> -> memref<1x128xf32, #tpu.memory_space<vmem>>
      %dma_start3A_420 = arith.constant 0 : i32
      %dma_start3A_421 = tpu.memref_slice %arg5[%squeeze3A_415, %dma_start3A_420] : memref<25000x128xf32, #tpu.memory_space<hbm>> -> memref<1x128xf32, #tpu.memory_space<hbm>>
      %dma_start3A_422 = arith.constant 0 : i32
      %dma_start3A_423 = tpu.memref_slice %arg10[%add3A_417, %dma_start3A_422] : memref<256x128xf32, #tpu.memory_space<vmem>> -> memref<1x128xf32, #tpu.memory_space<vmem>>
      %dma_start3A_424 = arith.constant 0 : i32
      %dma_start3A_425 = tpu.memref_slice %arg5[%squeeze3A_415, %dma_start3A_424] : memref<25000x128xf32, #tpu.memory_space<hbm>> -> memref<1x128xf32, #tpu.memory_space<hbm>>
      tpu.enqueue_dma source(%dma_start3A_425 : memref<1x128xf32, #tpu.memory_space<hbm>>) target(%dma_start3A_423 : memref<1x128xf32, #tpu.memory_space<vmem>>) target_semaphore(%arg12 : memref<!tpu.dma_semaphore, #tpu.memory_space<semaphore_mem>>)
      %slice3A_426 = vector.extract_strided_slice %shift_right_logical3A_61 {offsets = [15], sizes = [1], strides = [1]} : vector<16xi32> to vector<1xi32>
      %squeeze3A_427 = vector.extract %slice3A_426[0] : i32 from vector<1xi32>
      %add3A_428 = arith.constant 15 : i32
      %add3A_429 = arith.addi %mul3A_56, %add3A_428 : i32
      %dma_start3A_430 = arith.constant 0 : i32
      %dma_start3A_431 = tpu.memref_slice %arg9[%add3A_429, %dma_start3A_430] : memref<256x128xf32, #tpu.memory_space<vmem>> -> memref<1x128xf32, #tpu.memory_space<vmem>>
      %dma_start3A_432 = arith.constant 0 : i32
      %dma_start3A_433 = tpu.memref_slice %arg4[%squeeze3A_427, %dma_start3A_432] : memref<250000x128xf32, #tpu.memory_space<hbm>> -> memref<1x128xf32, #tpu.memory_space<hbm>>
      %dma_start3A_434 = arith.constant 0 : i32
      %dma_start3A_435 = tpu.memref_slice %arg9[%add3A_429, %dma_start3A_434] : memref<256x128xf32, #tpu.memory_space<vmem>> -> memref<1x128xf32, #tpu.memory_space<vmem>>
      %dma_start3A_436 = arith.constant 0 : i32
      %dma_start3A_437 = tpu.memref_slice %arg4[%squeeze3A_427, %dma_start3A_436] : memref<250000x128xf32, #tpu.memory_space<hbm>> -> memref<1x128xf32, #tpu.memory_space<hbm>>
      tpu.enqueue_dma source(%dma_start3A_437 : memref<1x128xf32, #tpu.memory_space<hbm>>) target(%dma_start3A_435 : memref<1x128xf32, #tpu.memory_space<vmem>>) target_semaphore(%arg12 : memref<!tpu.dma_semaphore, #tpu.memory_space<semaphore_mem>>)
      %slice3A_438 = vector.extract_strided_slice %shift_right_logical3A_68 {offsets = [15], sizes = [1], strides = [1]} : vector<16xi32> to vector<1xi32>
      %squeeze3A_439 = vector.extract %slice3A_438[0] : i32 from vector<1xi32>
      %add3A_440 = arith.constant 15 : i32
      %add3A_441 = arith.addi %mul3A_56, %add3A_440 : i32
      %dma_start3A_442 = arith.constant 0 : i32
      %dma_start3A_443 = tpu.memref_slice %arg10[%add3A_441, %dma_start3A_442] : memref<256x128xf32, #tpu.memory_space<vmem>> -> memref<1x128xf32, #tpu.memory_space<vmem>>
      %dma_start3A_444 = arith.constant 0 : i32
      %dma_start3A_445 = tpu.memref_slice %arg5[%squeeze3A_439, %dma_start3A_444] : memref<25000x128xf32, #tpu.memory_space<hbm>> -> memref<1x128xf32, #tpu.memory_space<hbm>>
      %dma_start3A_446 = arith.constant 0 : i32
      %dma_start3A_447 = tpu.memref_slice %arg10[%add3A_441, %dma_start3A_446] : memref<256x128xf32, #tpu.memory_space<vmem>> -> memref<1x128xf32, #tpu.memory_space<vmem>>
      %dma_start3A_448 = arith.constant 0 : i32
      %dma_start3A_449 = tpu.memref_slice %arg5[%squeeze3A_439, %dma_start3A_448] : memref<25000x128xf32, #tpu.memory_space<hbm>> -> memref<1x128xf32, #tpu.memory_space<hbm>>
      tpu.enqueue_dma source(%dma_start3A_449 : memref<1x128xf32, #tpu.memory_space<hbm>>) target(%dma_start3A_447 : memref<1x128xf32, #tpu.memory_space<vmem>>) target_semaphore(%arg12 : memref<!tpu.dma_semaphore, #tpu.memory_space<semaphore_mem>>)
      %scan3A_450 = arith.constant 0 : i32
      scf.yield %scan3A_450 : i32
    }
    %scan3A_8 = arith.constant 16 : i32
    %dma_wait3A = arith.constant 0 : i32
    %dma_wait3A_9 = arith.constant 0 : i32
    %dma_wait3A_10 = tpu.memref_slice %arg4[%dma_wait3A, %dma_wait3A_9] : memref<250000x128xf32, #tpu.memory_space<hbm>> -> memref<256x128xf32, #tpu.memory_space<hbm>>
    %dma_wait3A_11 = arith.constant 0 : i32
    %dma_wait3A_12 = arith.constant 0 : i32
    %dma_wait3A_13 = tpu.memref_slice %arg4[%dma_wait3A_11, %dma_wait3A_12] : memref<250000x128xf32, #tpu.memory_space<hbm>> -> memref<256x128xf32, #tpu.memory_space<hbm>>
    tpu.wait_dma2 semaphore(%arg12 : memref<!tpu.dma_semaphore, #tpu.memory_space<semaphore_mem>>) src(%dma_wait3A_13 : memref<256x128xf32, #tpu.memory_space<hbm>>) dst(%arg9 : memref<256x128xf32, #tpu.memory_space<vmem>>)
    %dma_wait3A_14 = arith.constant 0 : i32
    %dma_wait3A_15 = arith.constant 0 : i32
    %dma_wait3A_16 = tpu.memref_slice %arg5[%dma_wait3A_14, %dma_wait3A_15] : memref<25000x128xf32, #tpu.memory_space<hbm>> -> memref<256x128xf32, #tpu.memory_space<hbm>>
    %dma_wait3A_17 = arith.constant 0 : i32
    %dma_wait3A_18 = arith.constant 0 : i32
    %dma_wait3A_19 = tpu.memref_slice %arg5[%dma_wait3A_17, %dma_wait3A_18] : memref<25000x128xf32, #tpu.memory_space<hbm>> -> memref<256x128xf32, #tpu.memory_space<hbm>>
    tpu.wait_dma2 semaphore(%arg12 : memref<!tpu.dma_semaphore, #tpu.memory_space<semaphore_mem>>) src(%dma_wait3A_19 : memref<256x128xf32, #tpu.memory_space<hbm>>) dst(%arg10 : memref<256x128xf32, #tpu.memory_space<vmem>>)
    %scan3A_20 = arith.constant 0 : i32
    %scan3A_21 = arith.constant 0 : i32
    %scan3A_22 = arith.constant 16 : i32
    %scan3A_23 = arith.addi %scan3A_21, %scan3A_22 : i32
    %scan3A_24 = arith.constant 1 : i32
    %scan3A_25 = scf.for %scan3A_53 = %scan3A_21 to %scan3A_23 step %scan3A_24 iter_args(%scan3A_54 = %scan3A_20) -> (i32)  : i32 {
      %mul3A_55 = arith.constant 16 : i32
      %mul3A_56 = arith.muli %scan3A_53, %mul3A_55 : i32
      %add3A_57 = arith.constant 0 : i32
      %add3A_58 = arith.addi %add3A_57, %mul3A_56 : i32
      %get3A = arith.index_cast %add3A_58 : i32 to index
      %get3A_59 = tpu.vector_load %arg7[%get3A] {strides = array<i32>} : memref<512xi32, #tpu.memory_space<vmem>>, vector<16xi32>,
      %add3A_60 = arith.constant 0 : i32
      %add3A_61 = arith.addi %add3A_60, %mul3A_56 : i32
      %get3A_62 = arith.index_cast %add3A_61 : i32 to index
      %get3A_63 = tpu.vector_load %arg8[%get3A_62] {strides = array<i32>} : memref<512xi32, #tpu.memory_space<vmem>>, vector<16xi32>,
      %and3A = arith.constant 3 : i32
      %and3A_64 = vector.broadcast %and3A : i32 to vector<16xi32>
      %and3A_65 = arith.andi %get3A_59, %and3A_64 : vector<16xi32>
      %mul3A_66 = arith.constant 32 : i32
      %mul3A_67 = vector.broadcast %mul3A_66 : i32 to vector<16xi32>
      %mul3A_68 = arith.muli %and3A_65, %mul3A_67 : vector<16xi32>
      %and3A_69 = arith.constant 3 : i32
      %and3A_70 = vector.broadcast %and3A_69 : i32 to vector<16xi32>
      %and3A_71 = arith.andi %get3A_63, %and3A_70 : vector<16xi32>
      %mul3A_72 = arith.constant 32 : i32
      %mul3A_73 = vector.broadcast %mul3A_72 : i32 to vector<16xi32>
      %mul3A_74 = arith.muli %and3A_71, %mul3A_73 : vector<16xi32>
      %add3A_75 = vector.broadcast %mul3A_56 : i32 to vector<16xi32>
      %add3A_76 = arith.addi %add3A_75, %iota3A : vector<16xi32>
      %broadcast_in_dim3A = arith.constant 0.000000e+00 : f32
      %broadcast_in_dim3A_77 = vector.broadcast %broadcast_in_dim3A : f32 to vector<16xf32>
      %and3A_78 = arith.constant 31 : i32
      %and3A_79 = vector.broadcast %and3A_78 : i32 to vector<16xi32>
      %and3A_80 = arith.andi %iota3A, %and3A_79 : vector<16xi32>
      %add3A_81 = arith.addi %mul3A_68, %and3A_80 : vector<16xi32>
      %gather3A = tpu.vector_load_idx %arg9[%add3A_76, %add3A_81] : memref<256x128xf32, #tpu.memory_space<vmem>>[vector<16xi32>, vector<16xi32>], vector<16xf32>,
      %add3A_82 = arith.addi %mul3A_74, %and3A_80 : vector<16xi32>
      %gather3A_83 = tpu.vector_load_idx %arg10[%add3A_76, %add3A_82] : memref<256x128xf32, #tpu.memory_space<vmem>>[vector<16xi32>, vector<16xi32>], vector<16xf32>,
      %mul3A_84 = arith.mulf %gather3A, %gather3A_83 : vector<16xf32>
      %add3A_85 = arith.addf %broadcast_in_dim3A_77, %mul3A_84 : vector<16xf32>
      %add3A_86 = arith.constant 1 : i32
      %add3A_87 = vector.broadcast %add3A_86 : i32 to vector<16xi32>
      %add3A_88 = arith.addi %and3A_80, %add3A_87 : vector<16xi32>
      %and3A_89 = arith.constant 31 : i32
      %and3A_90 = vector.broadcast %and3A_89 : i32 to vector<16xi32>
      %and3A_91 = arith.andi %add3A_88, %and3A_90 : vector<16xi32>
      %add3A_92 = arith.addi %mul3A_68, %and3A_91 : vector<16xi32>
      %gather3A_93 = tpu.vector_load_idx %arg9[%add3A_76, %add3A_92] : memref<256x128xf32, #tpu.memory_space<vmem>>[vector<16xi32>, vector<16xi32>], vector<16xf32>,
      %add3A_94 = arith.addi %mul3A_74, %and3A_91 : vector<16xi32>
      %gather3A_95 = tpu.vector_load_idx %arg10[%add3A_76, %add3A_94] : memref<256x128xf32, #tpu.memory_space<vmem>>[vector<16xi32>, vector<16xi32>], vector<16xf32>,
      %mul3A_96 = arith.mulf %gather3A_93, %gather3A_95 : vector<16xf32>
      %add3A_97 = arith.addf %add3A_85, %mul3A_96 : vector<16xf32>
      %add3A_98 = arith.constant 1 : i32
      %add3A_99 = vector.broadcast %add3A_98 : i32 to vector<16xi32>
      %add3A_100 = arith.addi %and3A_91, %add3A_99 : vector<16xi32>
      %and3A_101 = arith.constant 31 : i32
      %and3A_102 = vector.broadcast %and3A_101 : i32 to vector<16xi32>
      %and3A_103 = arith.andi %add3A_100, %and3A_102 : vector<16xi32>
      %add3A_104 = arith.addi %mul3A_68, %and3A_103 : vector<16xi32>
      %gather3A_105 = tpu.vector_load_idx %arg9[%add3A_76, %add3A_104] : memref<256x128xf32, #tpu.memory_space<vmem>>[vector<16xi32>, vector<16xi32>], vector<16xf32>,
      %add3A_106 = arith.addi %mul3A_74, %and3A_103 : vector<16xi32>
      %gather3A_107 = tpu.vector_load_idx %arg10[%add3A_76, %add3A_106] : memref<256x128xf32, #tpu.memory_space<vmem>>[vector<16xi32>, vector<16xi32>], vector<16xf32>,
      %mul3A_108 = arith.mulf %gather3A_105, %gather3A_107 : vector<16xf32>
      %add3A_109 = arith.addf %add3A_97, %mul3A_108 : vector<16xf32>
      %add3A_110 = arith.constant 1 : i32
      %add3A_111 = vector.broadcast %add3A_110 : i32 to vector<16xi32>
      %add3A_112 = arith.addi %and3A_103, %add3A_111 : vector<16xi32>
      %and3A_113 = arith.constant 31 : i32
      %and3A_114 = vector.broadcast %and3A_113 : i32 to vector<16xi32>
      %and3A_115 = arith.andi %add3A_112, %and3A_114 : vector<16xi32>
      %add3A_116 = arith.addi %mul3A_68, %and3A_115 : vector<16xi32>
      %gather3A_117 = tpu.vector_load_idx %arg9[%add3A_76, %add3A_116] : memref<256x128xf32, #tpu.memory_space<vmem>>[vector<16xi32>, vector<16xi32>], vector<16xf32>,
      %add3A_118 = arith.addi %mul3A_74, %and3A_115 : vector<16xi32>
      %gather3A_119 = tpu.vector_load_idx %arg10[%add3A_76, %add3A_118] : memref<256x128xf32, #tpu.memory_space<vmem>>[vector<16xi32>, vector<16xi32>], vector<16xf32>,
      %mul3A_120 = arith.mulf %gather3A_117, %gather3A_119 : vector<16xf32>
      %add3A_121 = arith.addf %add3A_109, %mul3A_120 : vector<16xf32>
      %add3A_122 = arith.constant 1 : i32
      %add3A_123 = vector.broadcast %add3A_122 : i32 to vector<16xi32>
      %add3A_124 = arith.addi %and3A_115, %add3A_123 : vector<16xi32>
      %and3A_125 = arith.constant 31 : i32
      %and3A_126 = vector.broadcast %and3A_125 : i32 to vector<16xi32>
      %and3A_127 = arith.andi %add3A_124, %and3A_126 : vector<16xi32>
      %add3A_128 = arith.addi %mul3A_68, %and3A_127 : vector<16xi32>
      %gather3A_129 = tpu.vector_load_idx %arg9[%add3A_76, %add3A_128] : memref<256x128xf32, #tpu.memory_space<vmem>>[vector<16xi32>, vector<16xi32>], vector<16xf32>,
      %add3A_130 = arith.addi %mul3A_74, %and3A_127 : vector<16xi32>
      %gather3A_131 = tpu.vector_load_idx %arg10[%add3A_76, %add3A_130] : memref<256x128xf32, #tpu.memory_space<vmem>>[vector<16xi32>, vector<16xi32>], vector<16xf32>,
      %mul3A_132 = arith.mulf %gather3A_129, %gather3A_131 : vector<16xf32>
      %add3A_133 = arith.addf %add3A_121, %mul3A_132 : vector<16xf32>
      %add3A_134 = arith.constant 1 : i32
      %add3A_135 = vector.broadcast %add3A_134 : i32 to vector<16xi32>
      %add3A_136 = arith.addi %and3A_127, %add3A_135 : vector<16xi32>
      %and3A_137 = arith.constant 31 : i32
      %and3A_138 = vector.broadcast %and3A_137 : i32 to vector<16xi32>
      %and3A_139 = arith.andi %add3A_136, %and3A_138 : vector<16xi32>
      %add3A_140 = arith.addi %mul3A_68, %and3A_139 : vector<16xi32>
      %gather3A_141 = tpu.vector_load_idx %arg9[%add3A_76, %add3A_140] : memref<256x128xf32, #tpu.memory_space<vmem>>[vector<16xi32>, vector<16xi32>], vector<16xf32>,
      %add3A_142 = arith.addi %mul3A_74, %and3A_139 : vector<16xi32>
      %gather3A_143 = tpu.vector_load_idx %arg10[%add3A_76, %add3A_142] : memref<256x128xf32, #tpu.memory_space<vmem>>[vector<16xi32>, vector<16xi32>], vector<16xf32>,
      %mul3A_144 = arith.mulf %gather3A_141, %gather3A_143 : vector<16xf32>
      %add3A_145 = arith.addf %add3A_133, %mul3A_144 : vector<16xf32>
      %add3A_146 = arith.constant 1 : i32
      %add3A_147 = vector.broadcast %add3A_146 : i32 to vector<16xi32>
      %add3A_148 = arith.addi %and3A_139, %add3A_147 : vector<16xi32>
      %and3A_149 = arith.constant 31 : i32
      %and3A_150 = vector.broadcast %and3A_149 : i32 to vector<16xi32>
      %and3A_151 = arith.andi %add3A_148, %and3A_150 : vector<16xi32>
      %add3A_152 = arith.addi %mul3A_68, %and3A_151 : vector<16xi32>
      %gather3A_153 = tpu.vector_load_idx %arg9[%add3A_76, %add3A_152] : memref<256x128xf32, #tpu.memory_space<vmem>>[vector<16xi32>, vector<16xi32>], vector<16xf32>,
      %add3A_154 = arith.addi %mul3A_74, %and3A_151 : vector<16xi32>
      %gather3A_155 = tpu.vector_load_idx %arg10[%add3A_76, %add3A_154] : memref<256x128xf32, #tpu.memory_space<vmem>>[vector<16xi32>, vector<16xi32>], vector<16xf32>,
      %mul3A_156 = arith.mulf %gather3A_153, %gather3A_155 : vector<16xf32>
      %add3A_157 = arith.addf %add3A_145, %mul3A_156 : vector<16xf32>
      %add3A_158 = arith.constant 1 : i32
      %add3A_159 = vector.broadcast %add3A_158 : i32 to vector<16xi32>
      %add3A_160 = arith.addi %and3A_151, %add3A_159 : vector<16xi32>
      %and3A_161 = arith.constant 31 : i32
      %and3A_162 = vector.broadcast %and3A_161 : i32 to vector<16xi32>
      %and3A_163 = arith.andi %add3A_160, %and3A_162 : vector<16xi32>
      %add3A_164 = arith.addi %mul3A_68, %and3A_163 : vector<16xi32>
      %gather3A_165 = tpu.vector_load_idx %arg9[%add3A_76, %add3A_164] : memref<256x128xf32, #tpu.memory_space<vmem>>[vector<16xi32>, vector<16xi32>], vector<16xf32>,
      %add3A_166 = arith.addi %mul3A_74, %and3A_163 : vector<16xi32>
      %gather3A_167 = tpu.vector_load_idx %arg10[%add3A_76, %add3A_166] : memref<256x128xf32, #tpu.memory_space<vmem>>[vector<16xi32>, vector<16xi32>], vector<16xf32>,
      %mul3A_168 = arith.mulf %gather3A_165, %gather3A_167 : vector<16xf32>
      %add3A_169 = arith.addf %add3A_157, %mul3A_168 : vector<16xf32>
      %add3A_170 = arith.constant 1 : i32
      %add3A_171 = vector.broadcast %add3A_170 : i32 to vector<16xi32>
      %add3A_172 = arith.addi %and3A_163, %add3A_171 : vector<16xi32>
      %and3A_173 = arith.constant 31 : i32
      %and3A_174 = vector.broadcast %and3A_173 : i32 to vector<16xi32>
      %and3A_175 = arith.andi %add3A_172, %and3A_174 : vector<16xi32>
      %add3A_176 = arith.addi %mul3A_68, %and3A_175 : vector<16xi32>
      %gather3A_177 = tpu.vector_load_idx %arg9[%add3A_76, %add3A_176] : memref<256x128xf32, #tpu.memory_space<vmem>>[vector<16xi32>, vector<16xi32>], vector<16xf32>,
      %add3A_178 = arith.addi %mul3A_74, %and3A_175 : vector<16xi32>
      %gather3A_179 = tpu.vector_load_idx %arg10[%add3A_76, %add3A_178] : memref<256x128xf32, #tpu.memory_space<vmem>>[vector<16xi32>, vector<16xi32>], vector<16xf32>,
      %mul3A_180 = arith.mulf %gather3A_177, %gather3A_179 : vector<16xf32>
      %add3A_181 = arith.addf %add3A_169, %mul3A_180 : vector<16xf32>
      %add3A_182 = arith.constant 1 : i32
      %add3A_183 = vector.broadcast %add3A_182 : i32 to vector<16xi32>
      %add3A_184 = arith.addi %and3A_175, %add3A_183 : vector<16xi32>
      %and3A_185 = arith.constant 31 : i32
      %and3A_186 = vector.broadcast %and3A_185 : i32 to vector<16xi32>
      %and3A_187 = arith.andi %add3A_184, %and3A_186 : vector<16xi32>
      %add3A_188 = arith.addi %mul3A_68, %and3A_187 : vector<16xi32>
      %gather3A_189 = tpu.vector_load_idx %arg9[%add3A_76, %add3A_188] : memref<256x128xf32, #tpu.memory_space<vmem>>[vector<16xi32>, vector<16xi32>], vector<16xf32>,
      %add3A_190 = arith.addi %mul3A_74, %and3A_187 : vector<16xi32>
      %gather3A_191 = tpu.vector_load_idx %arg10[%add3A_76, %add3A_190] : memref<256x128xf32, #tpu.memory_space<vmem>>[vector<16xi32>, vector<16xi32>], vector<16xf32>,
      %mul3A_192 = arith.mulf %gather3A_189, %gather3A_191 : vector<16xf32>
      %add3A_193 = arith.addf %add3A_181, %mul3A_192 : vector<16xf32>
      %add3A_194 = arith.constant 1 : i32
      %add3A_195 = vector.broadcast %add3A_194 : i32 to vector<16xi32>
      %add3A_196 = arith.addi %and3A_187, %add3A_195 : vector<16xi32>
      %and3A_197 = arith.constant 31 : i32
      %and3A_198 = vector.broadcast %and3A_197 : i32 to vector<16xi32>
      %and3A_199 = arith.andi %add3A_196, %and3A_198 : vector<16xi32>
      %add3A_200 = arith.addi %mul3A_68, %and3A_199 : vector<16xi32>
      %gather3A_201 = tpu.vector_load_idx %arg9[%add3A_76, %add3A_200] : memref<256x128xf32, #tpu.memory_space<vmem>>[vector<16xi32>, vector<16xi32>], vector<16xf32>,
      %add3A_202 = arith.addi %mul3A_74, %and3A_199 : vector<16xi32>
      %gather3A_203 = tpu.vector_load_idx %arg10[%add3A_76, %add3A_202] : memref<256x128xf32, #tpu.memory_space<vmem>>[vector<16xi32>, vector<16xi32>], vector<16xf32>,
      %mul3A_204 = arith.mulf %gather3A_201, %gather3A_203 : vector<16xf32>
      %add3A_205 = arith.addf %add3A_193, %mul3A_204 : vector<16xf32>
      %add3A_206 = arith.constant 1 : i32
      %add3A_207 = vector.broadcast %add3A_206 : i32 to vector<16xi32>
      %add3A_208 = arith.addi %and3A_199, %add3A_207 : vector<16xi32>
      %and3A_209 = arith.constant 31 : i32
      %and3A_210 = vector.broadcast %and3A_209 : i32 to vector<16xi32>
      %and3A_211 = arith.andi %add3A_208, %and3A_210 : vector<16xi32>
      %add3A_212 = arith.addi %mul3A_68, %and3A_211 : vector<16xi32>
      %gather3A_213 = tpu.vector_load_idx %arg9[%add3A_76, %add3A_212] : memref<256x128xf32, #tpu.memory_space<vmem>>[vector<16xi32>, vector<16xi32>], vector<16xf32>,
      %add3A_214 = arith.addi %mul3A_74, %and3A_211 : vector<16xi32>
      %gather3A_215 = tpu.vector_load_idx %arg10[%add3A_76, %add3A_214] : memref<256x128xf32, #tpu.memory_space<vmem>>[vector<16xi32>, vector<16xi32>], vector<16xf32>,
      %mul3A_216 = arith.mulf %gather3A_213, %gather3A_215 : vector<16xf32>
      %add3A_217 = arith.addf %add3A_205, %mul3A_216 : vector<16xf32>
      %add3A_218 = arith.constant 1 : i32
      %add3A_219 = vector.broadcast %add3A_218 : i32 to vector<16xi32>
      %add3A_220 = arith.addi %and3A_211, %add3A_219 : vector<16xi32>
      %and3A_221 = arith.constant 31 : i32
      %and3A_222 = vector.broadcast %and3A_221 : i32 to vector<16xi32>
      %and3A_223 = arith.andi %add3A_220, %and3A_222 : vector<16xi32>
      %add3A_224 = arith.addi %mul3A_68, %and3A_223 : vector<16xi32>
      %gather3A_225 = tpu.vector_load_idx %arg9[%add3A_76, %add3A_224] : memref<256x128xf32, #tpu.memory_space<vmem>>[vector<16xi32>, vector<16xi32>], vector<16xf32>,
      %add3A_226 = arith.addi %mul3A_74, %and3A_223 : vector<16xi32>
      %gather3A_227 = tpu.vector_load_idx %arg10[%add3A_76, %add3A_226] : memref<256x128xf32, #tpu.memory_space<vmem>>[vector<16xi32>, vector<16xi32>], vector<16xf32>,
      %mul3A_228 = arith.mulf %gather3A_225, %gather3A_227 : vector<16xf32>
      %add3A_229 = arith.addf %add3A_217, %mul3A_228 : vector<16xf32>
      %add3A_230 = arith.constant 1 : i32
      %add3A_231 = vector.broadcast %add3A_230 : i32 to vector<16xi32>
      %add3A_232 = arith.addi %and3A_223, %add3A_231 : vector<16xi32>
      %and3A_233 = arith.constant 31 : i32
      %and3A_234 = vector.broadcast %and3A_233 : i32 to vector<16xi32>
      %and3A_235 = arith.andi %add3A_232, %and3A_234 : vector<16xi32>
      %add3A_236 = arith.addi %mul3A_68, %and3A_235 : vector<16xi32>
      %gather3A_237 = tpu.vector_load_idx %arg9[%add3A_76, %add3A_236] : memref<256x128xf32, #tpu.memory_space<vmem>>[vector<16xi32>, vector<16xi32>], vector<16xf32>,
      %add3A_238 = arith.addi %mul3A_74, %and3A_235 : vector<16xi32>
      %gather3A_239 = tpu.vector_load_idx %arg10[%add3A_76, %add3A_238] : memref<256x128xf32, #tpu.memory_space<vmem>>[vector<16xi32>, vector<16xi32>], vector<16xf32>,
      %mul3A_240 = arith.mulf %gather3A_237, %gather3A_239 : vector<16xf32>
      %add3A_241 = arith.addf %add3A_229, %mul3A_240 : vector<16xf32>
      %add3A_242 = arith.constant 1 : i32
      %add3A_243 = vector.broadcast %add3A_242 : i32 to vector<16xi32>
      %add3A_244 = arith.addi %and3A_235, %add3A_243 : vector<16xi32>
      %and3A_245 = arith.constant 31 : i32
      %and3A_246 = vector.broadcast %and3A_245 : i32 to vector<16xi32>
      %and3A_247 = arith.andi %add3A_244, %and3A_246 : vector<16xi32>
      %add3A_248 = arith.addi %mul3A_68, %and3A_247 : vector<16xi32>
      %gather3A_249 = tpu.vector_load_idx %arg9[%add3A_76, %add3A_248] : memref<256x128xf32, #tpu.memory_space<vmem>>[vector<16xi32>, vector<16xi32>], vector<16xf32>,
      %add3A_250 = arith.addi %mul3A_74, %and3A_247 : vector<16xi32>
      %gather3A_251 = tpu.vector_load_idx %arg10[%add3A_76, %add3A_250] : memref<256x128xf32, #tpu.memory_space<vmem>>[vector<16xi32>, vector<16xi32>], vector<16xf32>,
      %mul3A_252 = arith.mulf %gather3A_249, %gather3A_251 : vector<16xf32>
      %add3A_253 = arith.addf %add3A_241, %mul3A_252 : vector<16xf32>
      %add3A_254 = arith.constant 1 : i32
      %add3A_255 = vector.broadcast %add3A_254 : i32 to vector<16xi32>
      %add3A_256 = arith.addi %and3A_247, %add3A_255 : vector<16xi32>
      %and3A_257 = arith.constant 31 : i32
      %and3A_258 = vector.broadcast %and3A_257 : i32 to vector<16xi32>
      %and3A_259 = arith.andi %add3A_256, %and3A_258 : vector<16xi32>
      %add3A_260 = arith.addi %mul3A_68, %and3A_259 : vector<16xi32>
      %gather3A_261 = tpu.vector_load_idx %arg9[%add3A_76, %add3A_260] : memref<256x128xf32, #tpu.memory_space<vmem>>[vector<16xi32>, vector<16xi32>], vector<16xf32>,
      %add3A_262 = arith.addi %mul3A_74, %and3A_259 : vector<16xi32>
      %gather3A_263 = tpu.vector_load_idx %arg10[%add3A_76, %add3A_262] : memref<256x128xf32, #tpu.memory_space<vmem>>[vector<16xi32>, vector<16xi32>], vector<16xf32>,
      %mul3A_264 = arith.mulf %gather3A_261, %gather3A_263 : vector<16xf32>
      %add3A_265 = arith.addf %add3A_253, %mul3A_264 : vector<16xf32>
      %add3A_266 = arith.constant 1 : i32
      %add3A_267 = vector.broadcast %add3A_266 : i32 to vector<16xi32>
      %add3A_268 = arith.addi %and3A_259, %add3A_267 : vector<16xi32>
      %and3A_269 = arith.constant 31 : i32
      %and3A_270 = vector.broadcast %and3A_269 : i32 to vector<16xi32>
      %and3A_271 = arith.andi %add3A_268, %and3A_270 : vector<16xi32>
      %add3A_272 = arith.addi %mul3A_68, %and3A_271 : vector<16xi32>
      %gather3A_273 = tpu.vector_load_idx %arg9[%add3A_76, %add3A_272] : memref<256x128xf32, #tpu.memory_space<vmem>>[vector<16xi32>, vector<16xi32>], vector<16xf32>,
      %add3A_274 = arith.addi %mul3A_74, %and3A_271 : vector<16xi32>
      %gather3A_275 = tpu.vector_load_idx %arg10[%add3A_76, %add3A_274] : memref<256x128xf32, #tpu.memory_space<vmem>>[vector<16xi32>, vector<16xi32>], vector<16xf32>,
      %mul3A_276 = arith.mulf %gather3A_273, %gather3A_275 : vector<16xf32>
      %add3A_277 = arith.addf %add3A_265, %mul3A_276 : vector<16xf32>
      %add3A_278 = arith.constant 1 : i32
      %add3A_279 = vector.broadcast %add3A_278 : i32 to vector<16xi32>
      %add3A_280 = arith.addi %and3A_271, %add3A_279 : vector<16xi32>
      %and3A_281 = arith.constant 31 : i32
      %and3A_282 = vector.broadcast %and3A_281 : i32 to vector<16xi32>
      %and3A_283 = arith.andi %add3A_280, %and3A_282 : vector<16xi32>
      %add3A_284 = arith.addi %mul3A_68, %and3A_283 : vector<16xi32>
      %gather3A_285 = tpu.vector_load_idx %arg9[%add3A_76, %add3A_284] : memref<256x128xf32, #tpu.memory_space<vmem>>[vector<16xi32>, vector<16xi32>], vector<16xf32>,
      %add3A_286 = arith.addi %mul3A_74, %and3A_283 : vector<16xi32>
      %gather3A_287 = tpu.vector_load_idx %arg10[%add3A_76, %add3A_286] : memref<256x128xf32, #tpu.memory_space<vmem>>[vector<16xi32>, vector<16xi32>], vector<16xf32>,
      %mul3A_288 = arith.mulf %gather3A_285, %gather3A_287 : vector<16xf32>
      %add3A_289 = arith.addf %add3A_277, %mul3A_288 : vector<16xf32>
      %add3A_290 = arith.constant 1 : i32
      %add3A_291 = vector.broadcast %add3A_290 : i32 to vector<16xi32>
      %add3A_292 = arith.addi %and3A_283, %add3A_291 : vector<16xi32>
      %and3A_293 = arith.constant 31 : i32
      %and3A_294 = vector.broadcast %and3A_293 : i32 to vector<16xi32>
      %and3A_295 = arith.andi %add3A_292, %and3A_294 : vector<16xi32>
      %add3A_296 = arith.addi %mul3A_68, %and3A_295 : vector<16xi32>
      %gather3A_297 = tpu.vector_load_idx %arg9[%add3A_76, %add3A_296] : memref<256x128xf32, #tpu.memory_space<vmem>>[vector<16xi32>, vector<16xi32>], vector<16xf32>,
      %add3A_298 = arith.addi %mul3A_74, %and3A_295 : vector<16xi32>
      %gather3A_299 = tpu.vector_load_idx %arg10[%add3A_76, %add3A_298] : memref<256x128xf32, #tpu.memory_space<vmem>>[vector<16xi32>, vector<16xi32>], vector<16xf32>,
      %mul3A_300 = arith.mulf %gather3A_297, %gather3A_299 : vector<16xf32>
      %add3A_301 = arith.addf %add3A_289, %mul3A_300 : vector<16xf32>
      %add3A_302 = arith.constant 1 : i32
      %add3A_303 = vector.broadcast %add3A_302 : i32 to vector<16xi32>
      %add3A_304 = arith.addi %and3A_295, %add3A_303 : vector<16xi32>
      %and3A_305 = arith.constant 31 : i32
      %and3A_306 = vector.broadcast %and3A_305 : i32 to vector<16xi32>
      %and3A_307 = arith.andi %add3A_304, %and3A_306 : vector<16xi32>
      %add3A_308 = arith.addi %mul3A_68, %and3A_307 : vector<16xi32>
      %gather3A_309 = tpu.vector_load_idx %arg9[%add3A_76, %add3A_308] : memref<256x128xf32, #tpu.memory_space<vmem>>[vector<16xi32>, vector<16xi32>], vector<16xf32>,
      %add3A_310 = arith.addi %mul3A_74, %and3A_307 : vector<16xi32>
      %gather3A_311 = tpu.vector_load_idx %arg10[%add3A_76, %add3A_310] : memref<256x128xf32, #tpu.memory_space<vmem>>[vector<16xi32>, vector<16xi32>], vector<16xf32>,
      %mul3A_312 = arith.mulf %gather3A_309, %gather3A_311 : vector<16xf32>
      %add3A_313 = arith.addf %add3A_301, %mul3A_312 : vector<16xf32>
      %add3A_314 = arith.constant 1 : i32
      %add3A_315 = vector.broadcast %add3A_314 : i32 to vector<16xi32>
      %add3A_316 = arith.addi %and3A_307, %add3A_315 : vector<16xi32>
      %and3A_317 = arith.constant 31 : i32
      %and3A_318 = vector.broadcast %and3A_317 : i32 to vector<16xi32>
      %and3A_319 = arith.andi %add3A_316, %and3A_318 : vector<16xi32>
      %add3A_320 = arith.addi %mul3A_68, %and3A_319 : vector<16xi32>
      %gather3A_321 = tpu.vector_load_idx %arg9[%add3A_76, %add3A_320] : memref<256x128xf32, #tpu.memory_space<vmem>>[vector<16xi32>, vector<16xi32>], vector<16xf32>,
      %add3A_322 = arith.addi %mul3A_74, %and3A_319 : vector<16xi32>
      %gather3A_323 = tpu.vector_load_idx %arg10[%add3A_76, %add3A_322] : memref<256x128xf32, #tpu.memory_space<vmem>>[vector<16xi32>, vector<16xi32>], vector<16xf32>,
      %mul3A_324 = arith.mulf %gather3A_321, %gather3A_323 : vector<16xf32>
      %add3A_325 = arith.addf %add3A_313, %mul3A_324 : vector<16xf32>
      %add3A_326 = arith.constant 1 : i32
      %add3A_327 = vector.broadcast %add3A_326 : i32 to vector<16xi32>
      %add3A_328 = arith.addi %and3A_319, %add3A_327 : vector<16xi32>
      %and3A_329 = arith.constant 31 : i32
      %and3A_330 = vector.broadcast %and3A_329 : i32 to vector<16xi32>
      %and3A_331 = arith.andi %add3A_328, %and3A_330 : vector<16xi32>
      %add3A_332 = arith.addi %mul3A_68, %and3A_331 : vector<16xi32>
      %gather3A_333 = tpu.vector_load_idx %arg9[%add3A_76, %add3A_332] : memref<256x128xf32, #tpu.memory_space<vmem>>[vector<16xi32>, vector<16xi32>], vector<16xf32>,
      %add3A_334 = arith.addi %mul3A_74, %and3A_331 : vector<16xi32>
      %gather3A_335 = tpu.vector_load_idx %arg10[%add3A_76, %add3A_334] : memref<256x128xf32, #tpu.memory_space<vmem>>[vector<16xi32>, vector<16xi32>], vector<16xf32>,
      %mul3A_336 = arith.mulf %gather3A_333, %gather3A_335 : vector<16xf32>
      %add3A_337 = arith.addf %add3A_325, %mul3A_336 : vector<16xf32>
      %add3A_338 = arith.constant 1 : i32
      %add3A_339 = vector.broadcast %add3A_338 : i32 to vector<16xi32>
      %add3A_340 = arith.addi %and3A_331, %add3A_339 : vector<16xi32>
      %and3A_341 = arith.constant 31 : i32
      %and3A_342 = vector.broadcast %and3A_341 : i32 to vector<16xi32>
      %and3A_343 = arith.andi %add3A_340, %and3A_342 : vector<16xi32>
      %add3A_344 = arith.addi %mul3A_68, %and3A_343 : vector<16xi32>
      %gather3A_345 = tpu.vector_load_idx %arg9[%add3A_76, %add3A_344] : memref<256x128xf32, #tpu.memory_space<vmem>>[vector<16xi32>, vector<16xi32>], vector<16xf32>,
      %add3A_346 = arith.addi %mul3A_74, %and3A_343 : vector<16xi32>
      %gather3A_347 = tpu.vector_load_idx %arg10[%add3A_76, %add3A_346] : memref<256x128xf32, #tpu.memory_space<vmem>>[vector<16xi32>, vector<16xi32>], vector<16xf32>,
      %mul3A_348 = arith.mulf %gather3A_345, %gather3A_347 : vector<16xf32>
      %add3A_349 = arith.addf %add3A_337, %mul3A_348 : vector<16xf32>
      %add3A_350 = arith.constant 1 : i32
      %add3A_351 = vector.broadcast %add3A_350 : i32 to vector<16xi32>
      %add3A_352 = arith.addi %and3A_343, %add3A_351 : vector<16xi32>
      %and3A_353 = arith.constant 31 : i32
      %and3A_354 = vector.broadcast %and3A_353 : i32 to vector<16xi32>
      %and3A_355 = arith.andi %add3A_352, %and3A_354 : vector<16xi32>
      %add3A_356 = arith.addi %mul3A_68, %and3A_355 : vector<16xi32>
      %gather3A_357 = tpu.vector_load_idx %arg9[%add3A_76, %add3A_356] : memref<256x128xf32, #tpu.memory_space<vmem>>[vector<16xi32>, vector<16xi32>], vector<16xf32>,
      %add3A_358 = arith.addi %mul3A_74, %and3A_355 : vector<16xi32>
      %gather3A_359 = tpu.vector_load_idx %arg10[%add3A_76, %add3A_358] : memref<256x128xf32, #tpu.memory_space<vmem>>[vector<16xi32>, vector<16xi32>], vector<16xf32>,
      %mul3A_360 = arith.mulf %gather3A_357, %gather3A_359 : vector<16xf32>
      %add3A_361 = arith.addf %add3A_349, %mul3A_360 : vector<16xf32>
      %add3A_362 = arith.constant 1 : i32
      %add3A_363 = vector.broadcast %add3A_362 : i32 to vector<16xi32>
      %add3A_364 = arith.addi %and3A_355, %add3A_363 : vector<16xi32>
      %and3A_365 = arith.constant 31 : i32
      %and3A_366 = vector.broadcast %and3A_365 : i32 to vector<16xi32>
      %and3A_367 = arith.andi %add3A_364, %and3A_366 : vector<16xi32>
      %add3A_368 = arith.addi %mul3A_68, %and3A_367 : vector<16xi32>
      %gather3A_369 = tpu.vector_load_idx %arg9[%add3A_76, %add3A_368] : memref<256x128xf32, #tpu.memory_space<vmem>>[vector<16xi32>, vector<16xi32>], vector<16xf32>,
      %add3A_370 = arith.addi %mul3A_74, %and3A_367 : vector<16xi32>
      %gather3A_371 = tpu.vector_load_idx %arg10[%add3A_76, %add3A_370] : memref<256x128xf32, #tpu.memory_space<vmem>>[vector<16xi32>, vector<16xi32>], vector<16xf32>,
      %mul3A_372 = arith.mulf %gather3A_369, %gather3A_371 : vector<16xf32>
      %add3A_373 = arith.addf %add3A_361, %mul3A_372 : vector<16xf32>
      %add3A_374 = arith.constant 1 : i32
      %add3A_375 = vector.broadcast %add3A_374 : i32 to vector<16xi32>
      %add3A_376 = arith.addi %and3A_367, %add3A_375 : vector<16xi32>
      %and3A_377 = arith.constant 31 : i32
      %and3A_378 = vector.broadcast %and3A_377 : i32 to vector<16xi32>
      %and3A_379 = arith.andi %add3A_376, %and3A_378 : vector<16xi32>
      %add3A_380 = arith.addi %mul3A_68, %and3A_379 : vector<16xi32>
      %gather3A_381 = tpu.vector_load_idx %arg9[%add3A_76, %add3A_380] : memref<256x128xf32, #tpu.memory_space<vmem>>[vector<16xi32>, vector<16xi32>], vector<16xf32>,
      %add3A_382 = arith.addi %mul3A_74, %and3A_379 : vector<16xi32>
      %gather3A_383 = tpu.vector_load_idx %arg10[%add3A_76, %add3A_382] : memref<256x128xf32, #tpu.memory_space<vmem>>[vector<16xi32>, vector<16xi32>], vector<16xf32>,
      %mul3A_384 = arith.mulf %gather3A_381, %gather3A_383 : vector<16xf32>
      %add3A_385 = arith.addf %add3A_373, %mul3A_384 : vector<16xf32>
      %add3A_386 = arith.constant 1 : i32
      %add3A_387 = vector.broadcast %add3A_386 : i32 to vector<16xi32>
      %add3A_388 = arith.addi %and3A_379, %add3A_387 : vector<16xi32>
      %and3A_389 = arith.constant 31 : i32
      %and3A_390 = vector.broadcast %and3A_389 : i32 to vector<16xi32>
      %and3A_391 = arith.andi %add3A_388, %and3A_390 : vector<16xi32>
      %add3A_392 = arith.addi %mul3A_68, %and3A_391 : vector<16xi32>
      %gather3A_393 = tpu.vector_load_idx %arg9[%add3A_76, %add3A_392] : memref<256x128xf32, #tpu.memory_space<vmem>>[vector<16xi32>, vector<16xi32>], vector<16xf32>,
      %add3A_394 = arith.addi %mul3A_74, %and3A_391 : vector<16xi32>
      %gather3A_395 = tpu.vector_load_idx %arg10[%add3A_76, %add3A_394] : memref<256x128xf32, #tpu.memory_space<vmem>>[vector<16xi32>, vector<16xi32>], vector<16xf32>,
      %mul3A_396 = arith.mulf %gather3A_393, %gather3A_395 : vector<16xf32>
      %add3A_397 = arith.addf %add3A_385, %mul3A_396 : vector<16xf32>
      %add3A_398 = arith.constant 1 : i32
      %add3A_399 = vector.broadcast %add3A_398 : i32 to vector<16xi32>
      %add3A_400 = arith.addi %and3A_391, %add3A_399 : vector<16xi32>
      %and3A_401 = arith.constant 31 : i32
      %and3A_402 = vector.broadcast %and3A_401 : i32 to vector<16xi32>
      %and3A_403 = arith.andi %add3A_400, %and3A_402 : vector<16xi32>
      %add3A_404 = arith.addi %mul3A_68, %and3A_403 : vector<16xi32>
      %gather3A_405 = tpu.vector_load_idx %arg9[%add3A_76, %add3A_404] : memref<256x128xf32, #tpu.memory_space<vmem>>[vector<16xi32>, vector<16xi32>], vector<16xf32>,
      %add3A_406 = arith.addi %mul3A_74, %and3A_403 : vector<16xi32>
      %gather3A_407 = tpu.vector_load_idx %arg10[%add3A_76, %add3A_406] : memref<256x128xf32, #tpu.memory_space<vmem>>[vector<16xi32>, vector<16xi32>], vector<16xf32>,
      %mul3A_408 = arith.mulf %gather3A_405, %gather3A_407 : vector<16xf32>
      %add3A_409 = arith.addf %add3A_397, %mul3A_408 : vector<16xf32>
      %add3A_410 = arith.constant 1 : i32
      %add3A_411 = vector.broadcast %add3A_410 : i32 to vector<16xi32>
      %add3A_412 = arith.addi %and3A_403, %add3A_411 : vector<16xi32>
      %and3A_413 = arith.constant 31 : i32
      %and3A_414 = vector.broadcast %and3A_413 : i32 to vector<16xi32>
      %and3A_415 = arith.andi %add3A_412, %and3A_414 : vector<16xi32>
      %add3A_416 = arith.addi %mul3A_68, %and3A_415 : vector<16xi32>
      %gather3A_417 = tpu.vector_load_idx %arg9[%add3A_76, %add3A_416] : memref<256x128xf32, #tpu.memory_space<vmem>>[vector<16xi32>, vector<16xi32>], vector<16xf32>,
      %add3A_418 = arith.addi %mul3A_74, %and3A_415 : vector<16xi32>
      %gather3A_419 = tpu.vector_load_idx %arg10[%add3A_76, %add3A_418] : memref<256x128xf32, #tpu.memory_space<vmem>>[vector<16xi32>, vector<16xi32>], vector<16xf32>,
      %mul3A_420 = arith.mulf %gather3A_417, %gather3A_419 : vector<16xf32>
      %add3A_421 = arith.addf %add3A_409, %mul3A_420 : vector<16xf32>
      %add3A_422 = arith.constant 1 : i32
      %add3A_423 = vector.broadcast %add3A_422 : i32 to vector<16xi32>
      %add3A_424 = arith.addi %and3A_415, %add3A_423 : vector<16xi32>
      %and3A_425 = arith.constant 31 : i32
      %and3A_426 = vector.broadcast %and3A_425 : i32 to vector<16xi32>
      %and3A_427 = arith.andi %add3A_424, %and3A_426 : vector<16xi32>
      %add3A_428 = arith.addi %mul3A_68, %and3A_427 : vector<16xi32>
      %gather3A_429 = tpu.vector_load_idx %arg9[%add3A_76, %add3A_428] : memref<256x128xf32, #tpu.memory_space<vmem>>[vector<16xi32>, vector<16xi32>], vector<16xf32>,
      %add3A_430 = arith.addi %mul3A_74, %and3A_427 : vector<16xi32>
      %gather3A_431 = tpu.vector_load_idx %arg10[%add3A_76, %add3A_430] : memref<256x128xf32, #tpu.memory_space<vmem>>[vector<16xi32>, vector<16xi32>], vector<16xf32>,
      %mul3A_432 = arith.mulf %gather3A_429, %gather3A_431 : vector<16xf32>
      %add3A_433 = arith.addf %add3A_421, %mul3A_432 : vector<16xf32>
      %add3A_434 = arith.constant 1 : i32
      %add3A_435 = vector.broadcast %add3A_434 : i32 to vector<16xi32>
      %add3A_436 = arith.addi %and3A_427, %add3A_435 : vector<16xi32>
      %and3A_437 = arith.constant 31 : i32
      %and3A_438 = vector.broadcast %and3A_437 : i32 to vector<16xi32>
      %and3A_439 = arith.andi %add3A_436, %and3A_438 : vector<16xi32>
      %add3A_440 = arith.addi %mul3A_68, %and3A_439 : vector<16xi32>
      %gather3A_441 = tpu.vector_load_idx %arg9[%add3A_76, %add3A_440] : memref<256x128xf32, #tpu.memory_space<vmem>>[vector<16xi32>, vector<16xi32>], vector<16xf32>,
      %add3A_442 = arith.addi %mul3A_74, %and3A_439 : vector<16xi32>
      %gather3A_443 = tpu.vector_load_idx %arg10[%add3A_76, %add3A_442] : memref<256x128xf32, #tpu.memory_space<vmem>>[vector<16xi32>, vector<16xi32>], vector<16xf32>,
      %mul3A_444 = arith.mulf %gather3A_441, %gather3A_443 : vector<16xf32>
      %add3A_445 = arith.addf %add3A_433, %mul3A_444 : vector<16xf32>
      %add3A_446 = arith.constant 1 : i32
      %add3A_447 = vector.broadcast %add3A_446 : i32 to vector<16xi32>
      %add3A_448 = arith.addi %and3A_439, %add3A_447 : vector<16xi32>
      %and3A_449 = arith.constant 31 : i32
      %and3A_450 = vector.broadcast %and3A_449 : i32 to vector<16xi32>
      %and3A_451 = arith.andi %add3A_448, %and3A_450 : vector<16xi32>
      %add3A_452 = arith.addi %mul3A_68, %and3A_451 : vector<16xi32>
      %gather3A_453 = tpu.vector_load_idx %arg9[%add3A_76, %add3A_452] : memref<256x128xf32, #tpu.memory_space<vmem>>[vector<16xi32>, vector<16xi32>], vector<16xf32>,
      %add3A_454 = arith.addi %mul3A_74, %and3A_451 : vector<16xi32>
      %gather3A_455 = tpu.vector_load_idx %arg10[%add3A_76, %add3A_454] : memref<256x128xf32, #tpu.memory_space<vmem>>[vector<16xi32>, vector<16xi32>], vector<16xf32>,
      %mul3A_456 = arith.mulf %gather3A_453, %gather3A_455 : vector<16xf32>
      %add3A_457 = arith.addf %add3A_445, %mul3A_456 : vector<16xf32>
      %add3A_458 = arith.constant 1 : i32
      %add3A_459 = vector.broadcast %add3A_458 : i32 to vector<16xi32>
      %add3A_460 = arith.addi %and3A_451, %add3A_459 : vector<16xi32>
      %and3A_461 = arith.constant 31 : i32
      %and3A_462 = vector.broadcast %and3A_461 : i32 to vector<16xi32>
      %and3A_463 = arith.andi %add3A_460, %and3A_462 : vector<16xi32>
      %add3A_464 = arith.constant 0 : i32
      %add3A_465 = arith.addi %add3A_464, %mul3A_56 : i32
      %swap3A = arith.index_cast %add3A_465 : i32 to index
      %swap3A_466 = tpu.vector_load %arg11[%swap3A] {strides = array<i32>} : memref<512xf32, #tpu.memory_space<vmem>>, vector<16xf32>,
      tpu.vector_store %arg11[%swap3A], %add3A_457 {strides = array<i32>} : memref<512xf32, #tpu.memory_space<vmem>>, vector<16xf32>,
      %scan3A_467 = arith.constant 0 : i32
      scf.yield %scan3A_467 : i32
    }
    %scan3A_26 = arith.constant 16 : i32
    %scan3A_27 = arith.constant 0 : i32
    %scan3A_28 = arith.constant 0 : i32
    %scan3A_29 = arith.constant 16 : i32
    %scan3A_30 = arith.addi %scan3A_28, %scan3A_29 : i32
    %scan3A_31 = arith.constant 1 : i32
    %scan3A_32 = scf.for %scan3A_53 = %scan3A_28 to %scan3A_30 step %scan3A_31 iter_args(%scan3A_54 = %scan3A_27) -> (i32)  : i32 {
      %mul3A_55 = arith.constant 16 : i32
      %mul3A_56 = arith.muli %scan3A_53, %mul3A_55 : i32
      %add3A_57 = arith.constant 256 : i32
      %add3A_58 = arith.addi %add3A_57, %mul3A_56 : i32
      %get3A = arith.index_cast %add3A_58 : i32 to index
      %get3A_59 = tpu.vector_load %arg7[%get3A] {strides = array<i32>} : memref<512xi32, #tpu.memory_space<vmem>>, vector<16xi32>,
      %shift_right_logical3A = arith.constant 2 : i32
      %shift_right_logical3A_60 = vector.broadcast %shift_right_logical3A : i32 to vector<16xi32>
      %shift_right_logical3A_61 = arith.shrui %get3A_59, %shift_right_logical3A_60 : vector<16xi32>
      %add3A_62 = arith.constant 256 : i32
      %add3A_63 = arith.addi %add3A_62, %mul3A_56 : i32
      %get3A_64 = arith.index_cast %add3A_63 : i32 to index
      %get3A_65 = tpu.vector_load %arg8[%get3A_64] {strides = array<i32>} : memref<512xi32, #tpu.memory_space<vmem>>, vector<16xi32>,
      %shift_right_logical3A_66 = arith.constant 2 : i32
      %shift_right_logical3A_67 = vector.broadcast %shift_right_logical3A_66 : i32 to vector<16xi32>
      %shift_right_logical3A_68 = arith.shrui %get3A_65, %shift_right_logical3A_67 : vector<16xi32>
      %slice3A = vector.extract_strided_slice %shift_right_logical3A_61 {offsets = [0], sizes = [1], strides = [1]} : vector<16xi32> to vector<1xi32>
      %squeeze3A = vector.extract %slice3A[0] : i32 from vector<1xi32>
      %add3A_69 = arith.constant 0 : i32
      %add3A_70 = arith.addi %mul3A_56, %add3A_69 : i32
      %dma_start3A = arith.constant 0 : i32
      %dma_start3A_71 = tpu.memref_slice %arg9[%add3A_70, %dma_start3A] : memref<256x128xf32, #tpu.memory_space<vmem>> -> memref<1x128xf32, #tpu.memory_space<vmem>>
      %dma_start3A_72 = arith.constant 0 : i32
      %dma_start3A_73 = tpu.memref_slice %arg4[%squeeze3A, %dma_start3A_72] : memref<250000x128xf32, #tpu.memory_space<hbm>> -> memref<1x128xf32, #tpu.memory_space<hbm>>
      %dma_start3A_74 = arith.constant 0 : i32
      %dma_start3A_75 = tpu.memref_slice %arg9[%add3A_70, %dma_start3A_74] : memref<256x128xf32, #tpu.memory_space<vmem>> -> memref<1x128xf32, #tpu.memory_space<vmem>>
      %dma_start3A_76 = arith.constant 0 : i32
      %dma_start3A_77 = tpu.memref_slice %arg4[%squeeze3A, %dma_start3A_76] : memref<250000x128xf32, #tpu.memory_space<hbm>> -> memref<1x128xf32, #tpu.memory_space<hbm>>
      tpu.enqueue_dma source(%dma_start3A_77 : memref<1x128xf32, #tpu.memory_space<hbm>>) target(%dma_start3A_75 : memref<1x128xf32, #tpu.memory_space<vmem>>) target_semaphore(%arg12 : memref<!tpu.dma_semaphore, #tpu.memory_space<semaphore_mem>>)
      %slice3A_78 = vector.extract_strided_slice %shift_right_logical3A_68 {offsets = [0], sizes = [1], strides = [1]} : vector<16xi32> to vector<1xi32>
      %squeeze3A_79 = vector.extract %slice3A_78[0] : i32 from vector<1xi32>
      %add3A_80 = arith.constant 0 : i32
      %add3A_81 = arith.addi %mul3A_56, %add3A_80 : i32
      %dma_start3A_82 = arith.constant 0 : i32
      %dma_start3A_83 = tpu.memref_slice %arg10[%add3A_81, %dma_start3A_82] : memref<256x128xf32, #tpu.memory_space<vmem>> -> memref<1x128xf32, #tpu.memory_space<vmem>>
      %dma_start3A_84 = arith.constant 0 : i32
      %dma_start3A_85 = tpu.memref_slice %arg5[%squeeze3A_79, %dma_start3A_84] : memref<25000x128xf32, #tpu.memory_space<hbm>> -> memref<1x128xf32, #tpu.memory_space<hbm>>
      %dma_start3A_86 = arith.constant 0 : i32
      %dma_start3A_87 = tpu.memref_slice %arg10[%add3A_81, %dma_start3A_86] : memref<256x128xf32, #tpu.memory_space<vmem>> -> memref<1x128xf32, #tpu.memory_space<vmem>>
      %dma_start3A_88 = arith.constant 0 : i32
      %dma_start3A_89 = tpu.memref_slice %arg5[%squeeze3A_79, %dma_start3A_88] : memref<25000x128xf32, #tpu.memory_space<hbm>> -> memref<1x128xf32, #tpu.memory_space<hbm>>
      tpu.enqueue_dma source(%dma_start3A_89 : memref<1x128xf32, #tpu.memory_space<hbm>>) target(%dma_start3A_87 : memref<1x128xf32, #tpu.memory_space<vmem>>) target_semaphore(%arg12 : memref<!tpu.dma_semaphore, #tpu.memory_space<semaphore_mem>>)
      %slice3A_90 = vector.extract_strided_slice %shift_right_logical3A_61 {offsets = [1], sizes = [1], strides = [1]} : vector<16xi32> to vector<1xi32>
      %squeeze3A_91 = vector.extract %slice3A_90[0] : i32 from vector<1xi32>
      %add3A_92 = arith.constant 1 : i32
      %add3A_93 = arith.addi %mul3A_56, %add3A_92 : i32
      %dma_start3A_94 = arith.constant 0 : i32
      %dma_start3A_95 = tpu.memref_slice %arg9[%add3A_93, %dma_start3A_94] : memref<256x128xf32, #tpu.memory_space<vmem>> -> memref<1x128xf32, #tpu.memory_space<vmem>>
      %dma_start3A_96 = arith.constant 0 : i32
      %dma_start3A_97 = tpu.memref_slice %arg4[%squeeze3A_91, %dma_start3A_96] : memref<250000x128xf32, #tpu.memory_space<hbm>> -> memref<1x128xf32, #tpu.memory_space<hbm>>
      %dma_start3A_98 = arith.constant 0 : i32
      %dma_start3A_99 = tpu.memref_slice %arg9[%add3A_93, %dma_start3A_98] : memref<256x128xf32, #tpu.memory_space<vmem>> -> memref<1x128xf32, #tpu.memory_space<vmem>>
      %dma_start3A_100 = arith.constant 0 : i32
      %dma_start3A_101 = tpu.memref_slice %arg4[%squeeze3A_91, %dma_start3A_100] : memref<250000x128xf32, #tpu.memory_space<hbm>> -> memref<1x128xf32, #tpu.memory_space<hbm>>
      tpu.enqueue_dma source(%dma_start3A_101 : memref<1x128xf32, #tpu.memory_space<hbm>>) target(%dma_start3A_99 : memref<1x128xf32, #tpu.memory_space<vmem>>) target_semaphore(%arg12 : memref<!tpu.dma_semaphore, #tpu.memory_space<semaphore_mem>>)
      %slice3A_102 = vector.extract_strided_slice %shift_right_logical3A_68 {offsets = [1], sizes = [1], strides = [1]} : vector<16xi32> to vector<1xi32>
      %squeeze3A_103 = vector.extract %slice3A_102[0] : i32 from vector<1xi32>
      %add3A_104 = arith.constant 1 : i32
      %add3A_105 = arith.addi %mul3A_56, %add3A_104 : i32
      %dma_start3A_106 = arith.constant 0 : i32
      %dma_start3A_107 = tpu.memref_slice %arg10[%add3A_105, %dma_start3A_106] : memref<256x128xf32, #tpu.memory_space<vmem>> -> memref<1x128xf32, #tpu.memory_space<vmem>>
      %dma_start3A_108 = arith.constant 0 : i32
      %dma_start3A_109 = tpu.memref_slice %arg5[%squeeze3A_103, %dma_start3A_108] : memref<25000x128xf32, #tpu.memory_space<hbm>> -> memref<1x128xf32, #tpu.memory_space<hbm>>
      %dma_start3A_110 = arith.constant 0 : i32
      %dma_start3A_111 = tpu.memref_slice %arg10[%add3A_105, %dma_start3A_110] : memref<256x128xf32, #tpu.memory_space<vmem>> -> memref<1x128xf32, #tpu.memory_space<vmem>>
      %dma_start3A_112 = arith.constant 0 : i32
      %dma_start3A_113 = tpu.memref_slice %arg5[%squeeze3A_103, %dma_start3A_112] : memref<25000x128xf32, #tpu.memory_space<hbm>> -> memref<1x128xf32, #tpu.memory_space<hbm>>
      tpu.enqueue_dma source(%dma_start3A_113 : memref<1x128xf32, #tpu.memory_space<hbm>>) target(%dma_start3A_111 : memref<1x128xf32, #tpu.memory_space<vmem>>) target_semaphore(%arg12 : memref<!tpu.dma_semaphore, #tpu.memory_space<semaphore_mem>>)
      %slice3A_114 = vector.extract_strided_slice %shift_right_logical3A_61 {offsets = [2], sizes = [1], strides = [1]} : vector<16xi32> to vector<1xi32>
      %squeeze3A_115 = vector.extract %slice3A_114[0] : i32 from vector<1xi32>
      %add3A_116 = arith.constant 2 : i32
      %add3A_117 = arith.addi %mul3A_56, %add3A_116 : i32
      %dma_start3A_118 = arith.constant 0 : i32
      %dma_start3A_119 = tpu.memref_slice %arg9[%add3A_117, %dma_start3A_118] : memref<256x128xf32, #tpu.memory_space<vmem>> -> memref<1x128xf32, #tpu.memory_space<vmem>>
      %dma_start3A_120 = arith.constant 0 : i32
      %dma_start3A_121 = tpu.memref_slice %arg4[%squeeze3A_115, %dma_start3A_120] : memref<250000x128xf32, #tpu.memory_space<hbm>> -> memref<1x128xf32, #tpu.memory_space<hbm>>
      %dma_start3A_122 = arith.constant 0 : i32
      %dma_start3A_123 = tpu.memref_slice %arg9[%add3A_117, %dma_start3A_122] : memref<256x128xf32, #tpu.memory_space<vmem>> -> memref<1x128xf32, #tpu.memory_space<vmem>>
      %dma_start3A_124 = arith.constant 0 : i32
      %dma_start3A_125 = tpu.memref_slice %arg4[%squeeze3A_115, %dma_start3A_124] : memref<250000x128xf32, #tpu.memory_space<hbm>> -> memref<1x128xf32, #tpu.memory_space<hbm>>
      tpu.enqueue_dma source(%dma_start3A_125 : memref<1x128xf32, #tpu.memory_space<hbm>>) target(%dma_start3A_123 : memref<1x128xf32, #tpu.memory_space<vmem>>) target_semaphore(%arg12 : memref<!tpu.dma_semaphore, #tpu.memory_space<semaphore_mem>>)
      %slice3A_126 = vector.extract_strided_slice %shift_right_logical3A_68 {offsets = [2], sizes = [1], strides = [1]} : vector<16xi32> to vector<1xi32>
      %squeeze3A_127 = vector.extract %slice3A_126[0] : i32 from vector<1xi32>
      %add3A_128 = arith.constant 2 : i32
      %add3A_129 = arith.addi %mul3A_56, %add3A_128 : i32
      %dma_start3A_130 = arith.constant 0 : i32
      %dma_start3A_131 = tpu.memref_slice %arg10[%add3A_129, %dma_start3A_130] : memref<256x128xf32, #tpu.memory_space<vmem>> -> memref<1x128xf32, #tpu.memory_space<vmem>>
      %dma_start3A_132 = arith.constant 0 : i32
      %dma_start3A_133 = tpu.memref_slice %arg5[%squeeze3A_127, %dma_start3A_132] : memref<25000x128xf32, #tpu.memory_space<hbm>> -> memref<1x128xf32, #tpu.memory_space<hbm>>
      %dma_start3A_134 = arith.constant 0 : i32
      %dma_start3A_135 = tpu.memref_slice %arg10[%add3A_129, %dma_start3A_134] : memref<256x128xf32, #tpu.memory_space<vmem>> -> memref<1x128xf32, #tpu.memory_space<vmem>>
      %dma_start3A_136 = arith.constant 0 : i32
      %dma_start3A_137 = tpu.memref_slice %arg5[%squeeze3A_127, %dma_start3A_136] : memref<25000x128xf32, #tpu.memory_space<hbm>> -> memref<1x128xf32, #tpu.memory_space<hbm>>
      tpu.enqueue_dma source(%dma_start3A_137 : memref<1x128xf32, #tpu.memory_space<hbm>>) target(%dma_start3A_135 : memref<1x128xf32, #tpu.memory_space<vmem>>) target_semaphore(%arg12 : memref<!tpu.dma_semaphore, #tpu.memory_space<semaphore_mem>>)
      %slice3A_138 = vector.extract_strided_slice %shift_right_logical3A_61 {offsets = [3], sizes = [1], strides = [1]} : vector<16xi32> to vector<1xi32>
      %squeeze3A_139 = vector.extract %slice3A_138[0] : i32 from vector<1xi32>
      %add3A_140 = arith.constant 3 : i32
      %add3A_141 = arith.addi %mul3A_56, %add3A_140 : i32
      %dma_start3A_142 = arith.constant 0 : i32
      %dma_start3A_143 = tpu.memref_slice %arg9[%add3A_141, %dma_start3A_142] : memref<256x128xf32, #tpu.memory_space<vmem>> -> memref<1x128xf32, #tpu.memory_space<vmem>>
      %dma_start3A_144 = arith.constant 0 : i32
      %dma_start3A_145 = tpu.memref_slice %arg4[%squeeze3A_139, %dma_start3A_144] : memref<250000x128xf32, #tpu.memory_space<hbm>> -> memref<1x128xf32, #tpu.memory_space<hbm>>
      %dma_start3A_146 = arith.constant 0 : i32
      %dma_start3A_147 = tpu.memref_slice %arg9[%add3A_141, %dma_start3A_146] : memref<256x128xf32, #tpu.memory_space<vmem>> -> memref<1x128xf32, #tpu.memory_space<vmem>>
      %dma_start3A_148 = arith.constant 0 : i32
      %dma_start3A_149 = tpu.memref_slice %arg4[%squeeze3A_139, %dma_start3A_148] : memref<250000x128xf32, #tpu.memory_space<hbm>> -> memref<1x128xf32, #tpu.memory_space<hbm>>
      tpu.enqueue_dma source(%dma_start3A_149 : memref<1x128xf32, #tpu.memory_space<hbm>>) target(%dma_start3A_147 : memref<1x128xf32, #tpu.memory_space<vmem>>) target_semaphore(%arg12 : memref<!tpu.dma_semaphore, #tpu.memory_space<semaphore_mem>>)
      %slice3A_150 = vector.extract_strided_slice %shift_right_logical3A_68 {offsets = [3], sizes = [1], strides = [1]} : vector<16xi32> to vector<1xi32>
      %squeeze3A_151 = vector.extract %slice3A_150[0] : i32 from vector<1xi32>
      %add3A_152 = arith.constant 3 : i32
      %add3A_153 = arith.addi %mul3A_56, %add3A_152 : i32
      %dma_start3A_154 = arith.constant 0 : i32
      %dma_start3A_155 = tpu.memref_slice %arg10[%add3A_153, %dma_start3A_154] : memref<256x128xf32, #tpu.memory_space<vmem>> -> memref<1x128xf32, #tpu.memory_space<vmem>>
      %dma_start3A_156 = arith.constant 0 : i32
      %dma_start3A_157 = tpu.memref_slice %arg5[%squeeze3A_151, %dma_start3A_156] : memref<25000x128xf32, #tpu.memory_space<hbm>> -> memref<1x128xf32, #tpu.memory_space<hbm>>
      %dma_start3A_158 = arith.constant 0 : i32
      %dma_start3A_159 = tpu.memref_slice %arg10[%add3A_153, %dma_start3A_158] : memref<256x128xf32, #tpu.memory_space<vmem>> -> memref<1x128xf32, #tpu.memory_space<vmem>>
      %dma_start3A_160 = arith.constant 0 : i32
      %dma_start3A_161 = tpu.memref_slice %arg5[%squeeze3A_151, %dma_start3A_160] : memref<25000x128xf32, #tpu.memory_space<hbm>> -> memref<1x128xf32, #tpu.memory_space<hbm>>
      tpu.enqueue_dma source(%dma_start3A_161 : memref<1x128xf32, #tpu.memory_space<hbm>>) target(%dma_start3A_159 : memref<1x128xf32, #tpu.memory_space<vmem>>) target_semaphore(%arg12 : memref<!tpu.dma_semaphore, #tpu.memory_space<semaphore_mem>>)
      %slice3A_162 = vector.extract_strided_slice %shift_right_logical3A_61 {offsets = [4], sizes = [1], strides = [1]} : vector<16xi32> to vector<1xi32>
      %squeeze3A_163 = vector.extract %slice3A_162[0] : i32 from vector<1xi32>
      %add3A_164 = arith.constant 4 : i32
      %add3A_165 = arith.addi %mul3A_56, %add3A_164 : i32
      %dma_start3A_166 = arith.constant 0 : i32
      %dma_start3A_167 = tpu.memref_slice %arg9[%add3A_165, %dma_start3A_166] : memref<256x128xf32, #tpu.memory_space<vmem>> -> memref<1x128xf32, #tpu.memory_space<vmem>>
      %dma_start3A_168 = arith.constant 0 : i32
      %dma_start3A_169 = tpu.memref_slice %arg4[%squeeze3A_163, %dma_start3A_168] : memref<250000x128xf32, #tpu.memory_space<hbm>> -> memref<1x128xf32, #tpu.memory_space<hbm>>
      %dma_start3A_170 = arith.constant 0 : i32
      %dma_start3A_171 = tpu.memref_slice %arg9[%add3A_165, %dma_start3A_170] : memref<256x128xf32, #tpu.memory_space<vmem>> -> memref<1x128xf32, #tpu.memory_space<vmem>>
      %dma_start3A_172 = arith.constant 0 : i32
      %dma_start3A_173 = tpu.memref_slice %arg4[%squeeze3A_163, %dma_start3A_172] : memref<250000x128xf32, #tpu.memory_space<hbm>> -> memref<1x128xf32, #tpu.memory_space<hbm>>
      tpu.enqueue_dma source(%dma_start3A_173 : memref<1x128xf32, #tpu.memory_space<hbm>>) target(%dma_start3A_171 : memref<1x128xf32, #tpu.memory_space<vmem>>) target_semaphore(%arg12 : memref<!tpu.dma_semaphore, #tpu.memory_space<semaphore_mem>>)
      %slice3A_174 = vector.extract_strided_slice %shift_right_logical3A_68 {offsets = [4], sizes = [1], strides = [1]} : vector<16xi32> to vector<1xi32>
      %squeeze3A_175 = vector.extract %slice3A_174[0] : i32 from vector<1xi32>
      %add3A_176 = arith.constant 4 : i32
      %add3A_177 = arith.addi %mul3A_56, %add3A_176 : i32
      %dma_start3A_178 = arith.constant 0 : i32
      %dma_start3A_179 = tpu.memref_slice %arg10[%add3A_177, %dma_start3A_178] : memref<256x128xf32, #tpu.memory_space<vmem>> -> memref<1x128xf32, #tpu.memory_space<vmem>>
      %dma_start3A_180 = arith.constant 0 : i32
      %dma_start3A_181 = tpu.memref_slice %arg5[%squeeze3A_175, %dma_start3A_180] : memref<25000x128xf32, #tpu.memory_space<hbm>> -> memref<1x128xf32, #tpu.memory_space<hbm>>
      %dma_start3A_182 = arith.constant 0 : i32
      %dma_start3A_183 = tpu.memref_slice %arg10[%add3A_177, %dma_start3A_182] : memref<256x128xf32, #tpu.memory_space<vmem>> -> memref<1x128xf32, #tpu.memory_space<vmem>>
      %dma_start3A_184 = arith.constant 0 : i32
      %dma_start3A_185 = tpu.memref_slice %arg5[%squeeze3A_175, %dma_start3A_184] : memref<25000x128xf32, #tpu.memory_space<hbm>> -> memref<1x128xf32, #tpu.memory_space<hbm>>
      tpu.enqueue_dma source(%dma_start3A_185 : memref<1x128xf32, #tpu.memory_space<hbm>>) target(%dma_start3A_183 : memref<1x128xf32, #tpu.memory_space<vmem>>) target_semaphore(%arg12 : memref<!tpu.dma_semaphore, #tpu.memory_space<semaphore_mem>>)
      %slice3A_186 = vector.extract_strided_slice %shift_right_logical3A_61 {offsets = [5], sizes = [1], strides = [1]} : vector<16xi32> to vector<1xi32>
      %squeeze3A_187 = vector.extract %slice3A_186[0] : i32 from vector<1xi32>
      %add3A_188 = arith.constant 5 : i32
      %add3A_189 = arith.addi %mul3A_56, %add3A_188 : i32
      %dma_start3A_190 = arith.constant 0 : i32
      %dma_start3A_191 = tpu.memref_slice %arg9[%add3A_189, %dma_start3A_190] : memref<256x128xf32, #tpu.memory_space<vmem>> -> memref<1x128xf32, #tpu.memory_space<vmem>>
      %dma_start3A_192 = arith.constant 0 : i32
      %dma_start3A_193 = tpu.memref_slice %arg4[%squeeze3A_187, %dma_start3A_192] : memref<250000x128xf32, #tpu.memory_space<hbm>> -> memref<1x128xf32, #tpu.memory_space<hbm>>
      %dma_start3A_194 = arith.constant 0 : i32
      %dma_start3A_195 = tpu.memref_slice %arg9[%add3A_189, %dma_start3A_194] : memref<256x128xf32, #tpu.memory_space<vmem>> -> memref<1x128xf32, #tpu.memory_space<vmem>>
      %dma_start3A_196 = arith.constant 0 : i32
      %dma_start3A_197 = tpu.memref_slice %arg4[%squeeze3A_187, %dma_start3A_196] : memref<250000x128xf32, #tpu.memory_space<hbm>> -> memref<1x128xf32, #tpu.memory_space<hbm>>
      tpu.enqueue_dma source(%dma_start3A_197 : memref<1x128xf32, #tpu.memory_space<hbm>>) target(%dma_start3A_195 : memref<1x128xf32, #tpu.memory_space<vmem>>) target_semaphore(%arg12 : memref<!tpu.dma_semaphore, #tpu.memory_space<semaphore_mem>>)
      %slice3A_198 = vector.extract_strided_slice %shift_right_logical3A_68 {offsets = [5], sizes = [1], strides = [1]} : vector<16xi32> to vector<1xi32>
      %squeeze3A_199 = vector.extract %slice3A_198[0] : i32 from vector<1xi32>
      %add3A_200 = arith.constant 5 : i32
      %add3A_201 = arith.addi %mul3A_56, %add3A_200 : i32
      %dma_start3A_202 = arith.constant 0 : i32
      %dma_start3A_203 = tpu.memref_slice %arg10[%add3A_201, %dma_start3A_202] : memref<256x128xf32, #tpu.memory_space<vmem>> -> memref<1x128xf32, #tpu.memory_space<vmem>>
      %dma_start3A_204 = arith.constant 0 : i32
      %dma_start3A_205 = tpu.memref_slice %arg5[%squeeze3A_199, %dma_start3A_204] : memref<25000x128xf32, #tpu.memory_space<hbm>> -> memref<1x128xf32, #tpu.memory_space<hbm>>
      %dma_start3A_206 = arith.constant 0 : i32
      %dma_start3A_207 = tpu.memref_slice %arg10[%add3A_201, %dma_start3A_206] : memref<256x128xf32, #tpu.memory_space<vmem>> -> memref<1x128xf32, #tpu.memory_space<vmem>>
      %dma_start3A_208 = arith.constant 0 : i32
      %dma_start3A_209 = tpu.memref_slice %arg5[%squeeze3A_199, %dma_start3A_208] : memref<25000x128xf32, #tpu.memory_space<hbm>> -> memref<1x128xf32, #tpu.memory_space<hbm>>
      tpu.enqueue_dma source(%dma_start3A_209 : memref<1x128xf32, #tpu.memory_space<hbm>>) target(%dma_start3A_207 : memref<1x128xf32, #tpu.memory_space<vmem>>) target_semaphore(%arg12 : memref<!tpu.dma_semaphore, #tpu.memory_space<semaphore_mem>>)
      %slice3A_210 = vector.extract_strided_slice %shift_right_logical3A_61 {offsets = [6], sizes = [1], strides = [1]} : vector<16xi32> to vector<1xi32>
      %squeeze3A_211 = vector.extract %slice3A_210[0] : i32 from vector<1xi32>
      %add3A_212 = arith.constant 6 : i32
      %add3A_213 = arith.addi %mul3A_56, %add3A_212 : i32
      %dma_start3A_214 = arith.constant 0 : i32
      %dma_start3A_215 = tpu.memref_slice %arg9[%add3A_213, %dma_start3A_214] : memref<256x128xf32, #tpu.memory_space<vmem>> -> memref<1x128xf32, #tpu.memory_space<vmem>>
      %dma_start3A_216 = arith.constant 0 : i32
      %dma_start3A_217 = tpu.memref_slice %arg4[%squeeze3A_211, %dma_start3A_216] : memref<250000x128xf32, #tpu.memory_space<hbm>> -> memref<1x128xf32, #tpu.memory_space<hbm>>
      %dma_start3A_218 = arith.constant 0 : i32
      %dma_start3A_219 = tpu.memref_slice %arg9[%add3A_213, %dma_start3A_218] : memref<256x128xf32, #tpu.memory_space<vmem>> -> memref<1x128xf32, #tpu.memory_space<vmem>>
      %dma_start3A_220 = arith.constant 0 : i32
      %dma_start3A_221 = tpu.memref_slice %arg4[%squeeze3A_211, %dma_start3A_220] : memref<250000x128xf32, #tpu.memory_space<hbm>> -> memref<1x128xf32, #tpu.memory_space<hbm>>
      tpu.enqueue_dma source(%dma_start3A_221 : memref<1x128xf32, #tpu.memory_space<hbm>>) target(%dma_start3A_219 : memref<1x128xf32, #tpu.memory_space<vmem>>) target_semaphore(%arg12 : memref<!tpu.dma_semaphore, #tpu.memory_space<semaphore_mem>>)
      %slice3A_222 = vector.extract_strided_slice %shift_right_logical3A_68 {offsets = [6], sizes = [1], strides = [1]} : vector<16xi32> to vector<1xi32>
      %squeeze3A_223 = vector.extract %slice3A_222[0] : i32 from vector<1xi32>
      %add3A_224 = arith.constant 6 : i32
      %add3A_225 = arith.addi %mul3A_56, %add3A_224 : i32
      %dma_start3A_226 = arith.constant 0 : i32
      %dma_start3A_227 = tpu.memref_slice %arg10[%add3A_225, %dma_start3A_226] : memref<256x128xf32, #tpu.memory_space<vmem>> -> memref<1x128xf32, #tpu.memory_space<vmem>>
      %dma_start3A_228 = arith.constant 0 : i32
      %dma_start3A_229 = tpu.memref_slice %arg5[%squeeze3A_223, %dma_start3A_228] : memref<25000x128xf32, #tpu.memory_space<hbm>> -> memref<1x128xf32, #tpu.memory_space<hbm>>
      %dma_start3A_230 = arith.constant 0 : i32
      %dma_start3A_231 = tpu.memref_slice %arg10[%add3A_225, %dma_start3A_230] : memref<256x128xf32, #tpu.memory_space<vmem>> -> memref<1x128xf32, #tpu.memory_space<vmem>>
      %dma_start3A_232 = arith.constant 0 : i32
      %dma_start3A_233 = tpu.memref_slice %arg5[%squeeze3A_223, %dma_start3A_232] : memref<25000x128xf32, #tpu.memory_space<hbm>> -> memref<1x128xf32, #tpu.memory_space<hbm>>
      tpu.enqueue_dma source(%dma_start3A_233 : memref<1x128xf32, #tpu.memory_space<hbm>>) target(%dma_start3A_231 : memref<1x128xf32, #tpu.memory_space<vmem>>) target_semaphore(%arg12 : memref<!tpu.dma_semaphore, #tpu.memory_space<semaphore_mem>>)
      %slice3A_234 = vector.extract_strided_slice %shift_right_logical3A_61 {offsets = [7], sizes = [1], strides = [1]} : vector<16xi32> to vector<1xi32>
      %squeeze3A_235 = vector.extract %slice3A_234[0] : i32 from vector<1xi32>
      %add3A_236 = arith.constant 7 : i32
      %add3A_237 = arith.addi %mul3A_56, %add3A_236 : i32
      %dma_start3A_238 = arith.constant 0 : i32
      %dma_start3A_239 = tpu.memref_slice %arg9[%add3A_237, %dma_start3A_238] : memref<256x128xf32, #tpu.memory_space<vmem>> -> memref<1x128xf32, #tpu.memory_space<vmem>>
      %dma_start3A_240 = arith.constant 0 : i32
      %dma_start3A_241 = tpu.memref_slice %arg4[%squeeze3A_235, %dma_start3A_240] : memref<250000x128xf32, #tpu.memory_space<hbm>> -> memref<1x128xf32, #tpu.memory_space<hbm>>
      %dma_start3A_242 = arith.constant 0 : i32
      %dma_start3A_243 = tpu.memref_slice %arg9[%add3A_237, %dma_start3A_242] : memref<256x128xf32, #tpu.memory_space<vmem>> -> memref<1x128xf32, #tpu.memory_space<vmem>>
      %dma_start3A_244 = arith.constant 0 : i32
      %dma_start3A_245 = tpu.memref_slice %arg4[%squeeze3A_235, %dma_start3A_244] : memref<250000x128xf32, #tpu.memory_space<hbm>> -> memref<1x128xf32, #tpu.memory_space<hbm>>
      tpu.enqueue_dma source(%dma_start3A_245 : memref<1x128xf32, #tpu.memory_space<hbm>>) target(%dma_start3A_243 : memref<1x128xf32, #tpu.memory_space<vmem>>) target_semaphore(%arg12 : memref<!tpu.dma_semaphore, #tpu.memory_space<semaphore_mem>>)
      %slice3A_246 = vector.extract_strided_slice %shift_right_logical3A_68 {offsets = [7], sizes = [1], strides = [1]} : vector<16xi32> to vector<1xi32>
      %squeeze3A_247 = vector.extract %slice3A_246[0] : i32 from vector<1xi32>
      %add3A_248 = arith.constant 7 : i32
      %add3A_249 = arith.addi %mul3A_56, %add3A_248 : i32
      %dma_start3A_250 = arith.constant 0 : i32
      %dma_start3A_251 = tpu.memref_slice %arg10[%add3A_249, %dma_start3A_250] : memref<256x128xf32, #tpu.memory_space<vmem>> -> memref<1x128xf32, #tpu.memory_space<vmem>>
      %dma_start3A_252 = arith.constant 0 : i32
      %dma_start3A_253 = tpu.memref_slice %arg5[%squeeze3A_247, %dma_start3A_252] : memref<25000x128xf32, #tpu.memory_space<hbm>> -> memref<1x128xf32, #tpu.memory_space<hbm>>
      %dma_start3A_254 = arith.constant 0 : i32
      %dma_start3A_255 = tpu.memref_slice %arg10[%add3A_249, %dma_start3A_254] : memref<256x128xf32, #tpu.memory_space<vmem>> -> memref<1x128xf32, #tpu.memory_space<vmem>>
      %dma_start3A_256 = arith.constant 0 : i32
      %dma_start3A_257 = tpu.memref_slice %arg5[%squeeze3A_247, %dma_start3A_256] : memref<25000x128xf32, #tpu.memory_space<hbm>> -> memref<1x128xf32, #tpu.memory_space<hbm>>
      tpu.enqueue_dma source(%dma_start3A_257 : memref<1x128xf32, #tpu.memory_space<hbm>>) target(%dma_start3A_255 : memref<1x128xf32, #tpu.memory_space<vmem>>) target_semaphore(%arg12 : memref<!tpu.dma_semaphore, #tpu.memory_space<semaphore_mem>>)
      %slice3A_258 = vector.extract_strided_slice %shift_right_logical3A_61 {offsets = [8], sizes = [1], strides = [1]} : vector<16xi32> to vector<1xi32>
      %squeeze3A_259 = vector.extract %slice3A_258[0] : i32 from vector<1xi32>
      %add3A_260 = arith.constant 8 : i32
      %add3A_261 = arith.addi %mul3A_56, %add3A_260 : i32
      %dma_start3A_262 = arith.constant 0 : i32
      %dma_start3A_263 = tpu.memref_slice %arg9[%add3A_261, %dma_start3A_262] : memref<256x128xf32, #tpu.memory_space<vmem>> -> memref<1x128xf32, #tpu.memory_space<vmem>>
      %dma_start3A_264 = arith.constant 0 : i32
      %dma_start3A_265 = tpu.memref_slice %arg4[%squeeze3A_259, %dma_start3A_264] : memref<250000x128xf32, #tpu.memory_space<hbm>> -> memref<1x128xf32, #tpu.memory_space<hbm>>
      %dma_start3A_266 = arith.constant 0 : i32
      %dma_start3A_267 = tpu.memref_slice %arg9[%add3A_261, %dma_start3A_266] : memref<256x128xf32, #tpu.memory_space<vmem>> -> memref<1x128xf32, #tpu.memory_space<vmem>>
      %dma_start3A_268 = arith.constant 0 : i32
      %dma_start3A_269 = tpu.memref_slice %arg4[%squeeze3A_259, %dma_start3A_268] : memref<250000x128xf32, #tpu.memory_space<hbm>> -> memref<1x128xf32, #tpu.memory_space<hbm>>
      tpu.enqueue_dma source(%dma_start3A_269 : memref<1x128xf32, #tpu.memory_space<hbm>>) target(%dma_start3A_267 : memref<1x128xf32, #tpu.memory_space<vmem>>) target_semaphore(%arg12 : memref<!tpu.dma_semaphore, #tpu.memory_space<semaphore_mem>>)
      %slice3A_270 = vector.extract_strided_slice %shift_right_logical3A_68 {offsets = [8], sizes = [1], strides = [1]} : vector<16xi32> to vector<1xi32>
      %squeeze3A_271 = vector.extract %slice3A_270[0] : i32 from vector<1xi32>
      %add3A_272 = arith.constant 8 : i32
      %add3A_273 = arith.addi %mul3A_56, %add3A_272 : i32
      %dma_start3A_274 = arith.constant 0 : i32
      %dma_start3A_275 = tpu.memref_slice %arg10[%add3A_273, %dma_start3A_274] : memref<256x128xf32, #tpu.memory_space<vmem>> -> memref<1x128xf32, #tpu.memory_space<vmem>>
      %dma_start3A_276 = arith.constant 0 : i32
      %dma_start3A_277 = tpu.memref_slice %arg5[%squeeze3A_271, %dma_start3A_276] : memref<25000x128xf32, #tpu.memory_space<hbm>> -> memref<1x128xf32, #tpu.memory_space<hbm>>
      %dma_start3A_278 = arith.constant 0 : i32
      %dma_start3A_279 = tpu.memref_slice %arg10[%add3A_273, %dma_start3A_278] : memref<256x128xf32, #tpu.memory_space<vmem>> -> memref<1x128xf32, #tpu.memory_space<vmem>>
      %dma_start3A_280 = arith.constant 0 : i32
      %dma_start3A_281 = tpu.memref_slice %arg5[%squeeze3A_271, %dma_start3A_280] : memref<25000x128xf32, #tpu.memory_space<hbm>> -> memref<1x128xf32, #tpu.memory_space<hbm>>
      tpu.enqueue_dma source(%dma_start3A_281 : memref<1x128xf32, #tpu.memory_space<hbm>>) target(%dma_start3A_279 : memref<1x128xf32, #tpu.memory_space<vmem>>) target_semaphore(%arg12 : memref<!tpu.dma_semaphore, #tpu.memory_space<semaphore_mem>>)
      %slice3A_282 = vector.extract_strided_slice %shift_right_logical3A_61 {offsets = [9], sizes = [1], strides = [1]} : vector<16xi32> to vector<1xi32>
      %squeeze3A_283 = vector.extract %slice3A_282[0] : i32 from vector<1xi32>
      %add3A_284 = arith.constant 9 : i32
      %add3A_285 = arith.addi %mul3A_56, %add3A_284 : i32
      %dma_start3A_286 = arith.constant 0 : i32
      %dma_start3A_287 = tpu.memref_slice %arg9[%add3A_285, %dma_start3A_286] : memref<256x128xf32, #tpu.memory_space<vmem>> -> memref<1x128xf32, #tpu.memory_space<vmem>>
      %dma_start3A_288 = arith.constant 0 : i32
      %dma_start3A_289 = tpu.memref_slice %arg4[%squeeze3A_283, %dma_start3A_288] : memref<250000x128xf32, #tpu.memory_space<hbm>> -> memref<1x128xf32, #tpu.memory_space<hbm>>
      %dma_start3A_290 = arith.constant 0 : i32
      %dma_start3A_291 = tpu.memref_slice %arg9[%add3A_285, %dma_start3A_290] : memref<256x128xf32, #tpu.memory_space<vmem>> -> memref<1x128xf32, #tpu.memory_space<vmem>>
      %dma_start3A_292 = arith.constant 0 : i32
      %dma_start3A_293 = tpu.memref_slice %arg4[%squeeze3A_283, %dma_start3A_292] : memref<250000x128xf32, #tpu.memory_space<hbm>> -> memref<1x128xf32, #tpu.memory_space<hbm>>
      tpu.enqueue_dma source(%dma_start3A_293 : memref<1x128xf32, #tpu.memory_space<hbm>>) target(%dma_start3A_291 : memref<1x128xf32, #tpu.memory_space<vmem>>) target_semaphore(%arg12 : memref<!tpu.dma_semaphore, #tpu.memory_space<semaphore_mem>>)
      %slice3A_294 = vector.extract_strided_slice %shift_right_logical3A_68 {offsets = [9], sizes = [1], strides = [1]} : vector<16xi32> to vector<1xi32>
      %squeeze3A_295 = vector.extract %slice3A_294[0] : i32 from vector<1xi32>
      %add3A_296 = arith.constant 9 : i32
      %add3A_297 = arith.addi %mul3A_56, %add3A_296 : i32
      %dma_start3A_298 = arith.constant 0 : i32
      %dma_start3A_299 = tpu.memref_slice %arg10[%add3A_297, %dma_start3A_298] : memref<256x128xf32, #tpu.memory_space<vmem>> -> memref<1x128xf32, #tpu.memory_space<vmem>>
      %dma_start3A_300 = arith.constant 0 : i32
      %dma_start3A_301 = tpu.memref_slice %arg5[%squeeze3A_295, %dma_start3A_300] : memref<25000x128xf32, #tpu.memory_space<hbm>> -> memref<1x128xf32, #tpu.memory_space<hbm>>
      %dma_start3A_302 = arith.constant 0 : i32
      %dma_start3A_303 = tpu.memref_slice %arg10[%add3A_297, %dma_start3A_302] : memref<256x128xf32, #tpu.memory_space<vmem>> -> memref<1x128xf32, #tpu.memory_space<vmem>>
      %dma_start3A_304 = arith.constant 0 : i32
      %dma_start3A_305 = tpu.memref_slice %arg5[%squeeze3A_295, %dma_start3A_304] : memref<25000x128xf32, #tpu.memory_space<hbm>> -> memref<1x128xf32, #tpu.memory_space<hbm>>
      tpu.enqueue_dma source(%dma_start3A_305 : memref<1x128xf32, #tpu.memory_space<hbm>>) target(%dma_start3A_303 : memref<1x128xf32, #tpu.memory_space<vmem>>) target_semaphore(%arg12 : memref<!tpu.dma_semaphore, #tpu.memory_space<semaphore_mem>>)
      %slice3A_306 = vector.extract_strided_slice %shift_right_logical3A_61 {offsets = [10], sizes = [1], strides = [1]} : vector<16xi32> to vector<1xi32>
      %squeeze3A_307 = vector.extract %slice3A_306[0] : i32 from vector<1xi32>
      %add3A_308 = arith.constant 10 : i32
      %add3A_309 = arith.addi %mul3A_56, %add3A_308 : i32
      %dma_start3A_310 = arith.constant 0 : i32
      %dma_start3A_311 = tpu.memref_slice %arg9[%add3A_309, %dma_start3A_310] : memref<256x128xf32, #tpu.memory_space<vmem>> -> memref<1x128xf32, #tpu.memory_space<vmem>>
      %dma_start3A_312 = arith.constant 0 : i32
      %dma_start3A_313 = tpu.memref_slice %arg4[%squeeze3A_307, %dma_start3A_312] : memref<250000x128xf32, #tpu.memory_space<hbm>> -> memref<1x128xf32, #tpu.memory_space<hbm>>
      %dma_start3A_314 = arith.constant 0 : i32
      %dma_start3A_315 = tpu.memref_slice %arg9[%add3A_309, %dma_start3A_314] : memref<256x128xf32, #tpu.memory_space<vmem>> -> memref<1x128xf32, #tpu.memory_space<vmem>>
      %dma_start3A_316 = arith.constant 0 : i32
      %dma_start3A_317 = tpu.memref_slice %arg4[%squeeze3A_307, %dma_start3A_316] : memref<250000x128xf32, #tpu.memory_space<hbm>> -> memref<1x128xf32, #tpu.memory_space<hbm>>
      tpu.enqueue_dma source(%dma_start3A_317 : memref<1x128xf32, #tpu.memory_space<hbm>>) target(%dma_start3A_315 : memref<1x128xf32, #tpu.memory_space<vmem>>) target_semaphore(%arg12 : memref<!tpu.dma_semaphore, #tpu.memory_space<semaphore_mem>>)
      %slice3A_318 = vector.extract_strided_slice %shift_right_logical3A_68 {offsets = [10], sizes = [1], strides = [1]} : vector<16xi32> to vector<1xi32>
      %squeeze3A_319 = vector.extract %slice3A_318[0] : i32 from vector<1xi32>
      %add3A_320 = arith.constant 10 : i32
      %add3A_321 = arith.addi %mul3A_56, %add3A_320 : i32
      %dma_start3A_322 = arith.constant 0 : i32
      %dma_start3A_323 = tpu.memref_slice %arg10[%add3A_321, %dma_start3A_322] : memref<256x128xf32, #tpu.memory_space<vmem>> -> memref<1x128xf32, #tpu.memory_space<vmem>>
      %dma_start3A_324 = arith.constant 0 : i32
      %dma_start3A_325 = tpu.memref_slice %arg5[%squeeze3A_319, %dma_start3A_324] : memref<25000x128xf32, #tpu.memory_space<hbm>> -> memref<1x128xf32, #tpu.memory_space<hbm>>
      %dma_start3A_326 = arith.constant 0 : i32
      %dma_start3A_327 = tpu.memref_slice %arg10[%add3A_321, %dma_start3A_326] : memref<256x128xf32, #tpu.memory_space<vmem>> -> memref<1x128xf32, #tpu.memory_space<vmem>>
      %dma_start3A_328 = arith.constant 0 : i32
      %dma_start3A_329 = tpu.memref_slice %arg5[%squeeze3A_319, %dma_start3A_328] : memref<25000x128xf32, #tpu.memory_space<hbm>> -> memref<1x128xf32, #tpu.memory_space<hbm>>
      tpu.enqueue_dma source(%dma_start3A_329 : memref<1x128xf32, #tpu.memory_space<hbm>>) target(%dma_start3A_327 : memref<1x128xf32, #tpu.memory_space<vmem>>) target_semaphore(%arg12 : memref<!tpu.dma_semaphore, #tpu.memory_space<semaphore_mem>>)
      %slice3A_330 = vector.extract_strided_slice %shift_right_logical3A_61 {offsets = [11], sizes = [1], strides = [1]} : vector<16xi32> to vector<1xi32>
      %squeeze3A_331 = vector.extract %slice3A_330[0] : i32 from vector<1xi32>
      %add3A_332 = arith.constant 11 : i32
      %add3A_333 = arith.addi %mul3A_56, %add3A_332 : i32
      %dma_start3A_334 = arith.constant 0 : i32
      %dma_start3A_335 = tpu.memref_slice %arg9[%add3A_333, %dma_start3A_334] : memref<256x128xf32, #tpu.memory_space<vmem>> -> memref<1x128xf32, #tpu.memory_space<vmem>>
      %dma_start3A_336 = arith.constant 0 : i32
      %dma_start3A_337 = tpu.memref_slice %arg4[%squeeze3A_331, %dma_start3A_336] : memref<250000x128xf32, #tpu.memory_space<hbm>> -> memref<1x128xf32, #tpu.memory_space<hbm>>
      %dma_start3A_338 = arith.constant 0 : i32
      %dma_start3A_339 = tpu.memref_slice %arg9[%add3A_333, %dma_start3A_338] : memref<256x128xf32, #tpu.memory_space<vmem>> -> memref<1x128xf32, #tpu.memory_space<vmem>>
      %dma_start3A_340 = arith.constant 0 : i32
      %dma_start3A_341 = tpu.memref_slice %arg4[%squeeze3A_331, %dma_start3A_340] : memref<250000x128xf32, #tpu.memory_space<hbm>> -> memref<1x128xf32, #tpu.memory_space<hbm>>
      tpu.enqueue_dma source(%dma_start3A_341 : memref<1x128xf32, #tpu.memory_space<hbm>>) target(%dma_start3A_339 : memref<1x128xf32, #tpu.memory_space<vmem>>) target_semaphore(%arg12 : memref<!tpu.dma_semaphore, #tpu.memory_space<semaphore_mem>>)
      %slice3A_342 = vector.extract_strided_slice %shift_right_logical3A_68 {offsets = [11], sizes = [1], strides = [1]} : vector<16xi32> to vector<1xi32>
      %squeeze3A_343 = vector.extract %slice3A_342[0] : i32 from vector<1xi32>
      %add3A_344 = arith.constant 11 : i32
      %add3A_345 = arith.addi %mul3A_56, %add3A_344 : i32
      %dma_start3A_346 = arith.constant 0 : i32
      %dma_start3A_347 = tpu.memref_slice %arg10[%add3A_345, %dma_start3A_346] : memref<256x128xf32, #tpu.memory_space<vmem>> -> memref<1x128xf32, #tpu.memory_space<vmem>>
      %dma_start3A_348 = arith.constant 0 : i32
      %dma_start3A_349 = tpu.memref_slice %arg5[%squeeze3A_343, %dma_start3A_348] : memref<25000x128xf32, #tpu.memory_space<hbm>> -> memref<1x128xf32, #tpu.memory_space<hbm>>
      %dma_start3A_350 = arith.constant 0 : i32
      %dma_start3A_351 = tpu.memref_slice %arg10[%add3A_345, %dma_start3A_350] : memref<256x128xf32, #tpu.memory_space<vmem>> -> memref<1x128xf32, #tpu.memory_space<vmem>>
      %dma_start3A_352 = arith.constant 0 : i32
      %dma_start3A_353 = tpu.memref_slice %arg5[%squeeze3A_343, %dma_start3A_352] : memref<25000x128xf32, #tpu.memory_space<hbm>> -> memref<1x128xf32, #tpu.memory_space<hbm>>
      tpu.enqueue_dma source(%dma_start3A_353 : memref<1x128xf32, #tpu.memory_space<hbm>>) target(%dma_start3A_351 : memref<1x128xf32, #tpu.memory_space<vmem>>) target_semaphore(%arg12 : memref<!tpu.dma_semaphore, #tpu.memory_space<semaphore_mem>>)
      %slice3A_354 = vector.extract_strided_slice %shift_right_logical3A_61 {offsets = [12], sizes = [1], strides = [1]} : vector<16xi32> to vector<1xi32>
      %squeeze3A_355 = vector.extract %slice3A_354[0] : i32 from vector<1xi32>
      %add3A_356 = arith.constant 12 : i32
      %add3A_357 = arith.addi %mul3A_56, %add3A_356 : i32
      %dma_start3A_358 = arith.constant 0 : i32
      %dma_start3A_359 = tpu.memref_slice %arg9[%add3A_357, %dma_start3A_358] : memref<256x128xf32, #tpu.memory_space<vmem>> -> memref<1x128xf32, #tpu.memory_space<vmem>>
      %dma_start3A_360 = arith.constant 0 : i32
      %dma_start3A_361 = tpu.memref_slice %arg4[%squeeze3A_355, %dma_start3A_360] : memref<250000x128xf32, #tpu.memory_space<hbm>> -> memref<1x128xf32, #tpu.memory_space<hbm>>
      %dma_start3A_362 = arith.constant 0 : i32
      %dma_start3A_363 = tpu.memref_slice %arg9[%add3A_357, %dma_start3A_362] : memref<256x128xf32, #tpu.memory_space<vmem>> -> memref<1x128xf32, #tpu.memory_space<vmem>>
      %dma_start3A_364 = arith.constant 0 : i32
      %dma_start3A_365 = tpu.memref_slice %arg4[%squeeze3A_355, %dma_start3A_364] : memref<250000x128xf32, #tpu.memory_space<hbm>> -> memref<1x128xf32, #tpu.memory_space<hbm>>
      tpu.enqueue_dma source(%dma_start3A_365 : memref<1x128xf32, #tpu.memory_space<hbm>>) target(%dma_start3A_363 : memref<1x128xf32, #tpu.memory_space<vmem>>) target_semaphore(%arg12 : memref<!tpu.dma_semaphore, #tpu.memory_space<semaphore_mem>>)
      %slice3A_366 = vector.extract_strided_slice %shift_right_logical3A_68 {offsets = [12], sizes = [1], strides = [1]} : vector<16xi32> to vector<1xi32>
      %squeeze3A_367 = vector.extract %slice3A_366[0] : i32 from vector<1xi32>
      %add3A_368 = arith.constant 12 : i32
      %add3A_369 = arith.addi %mul3A_56, %add3A_368 : i32
      %dma_start3A_370 = arith.constant 0 : i32
      %dma_start3A_371 = tpu.memref_slice %arg10[%add3A_369, %dma_start3A_370] : memref<256x128xf32, #tpu.memory_space<vmem>> -> memref<1x128xf32, #tpu.memory_space<vmem>>
      %dma_start3A_372 = arith.constant 0 : i32
      %dma_start3A_373 = tpu.memref_slice %arg5[%squeeze3A_367, %dma_start3A_372] : memref<25000x128xf32, #tpu.memory_space<hbm>> -> memref<1x128xf32, #tpu.memory_space<hbm>>
      %dma_start3A_374 = arith.constant 0 : i32
      %dma_start3A_375 = tpu.memref_slice %arg10[%add3A_369, %dma_start3A_374] : memref<256x128xf32, #tpu.memory_space<vmem>> -> memref<1x128xf32, #tpu.memory_space<vmem>>
      %dma_start3A_376 = arith.constant 0 : i32
      %dma_start3A_377 = tpu.memref_slice %arg5[%squeeze3A_367, %dma_start3A_376] : memref<25000x128xf32, #tpu.memory_space<hbm>> -> memref<1x128xf32, #tpu.memory_space<hbm>>
      tpu.enqueue_dma source(%dma_start3A_377 : memref<1x128xf32, #tpu.memory_space<hbm>>) target(%dma_start3A_375 : memref<1x128xf32, #tpu.memory_space<vmem>>) target_semaphore(%arg12 : memref<!tpu.dma_semaphore, #tpu.memory_space<semaphore_mem>>)
      %slice3A_378 = vector.extract_strided_slice %shift_right_logical3A_61 {offsets = [13], sizes = [1], strides = [1]} : vector<16xi32> to vector<1xi32>
      %squeeze3A_379 = vector.extract %slice3A_378[0] : i32 from vector<1xi32>
      %add3A_380 = arith.constant 13 : i32
      %add3A_381 = arith.addi %mul3A_56, %add3A_380 : i32
      %dma_start3A_382 = arith.constant 0 : i32
      %dma_start3A_383 = tpu.memref_slice %arg9[%add3A_381, %dma_start3A_382] : memref<256x128xf32, #tpu.memory_space<vmem>> -> memref<1x128xf32, #tpu.memory_space<vmem>>
      %dma_start3A_384 = arith.constant 0 : i32
      %dma_start3A_385 = tpu.memref_slice %arg4[%squeeze3A_379, %dma_start3A_384] : memref<250000x128xf32, #tpu.memory_space<hbm>> -> memref<1x128xf32, #tpu.memory_space<hbm>>
      %dma_start3A_386 = arith.constant 0 : i32
      %dma_start3A_387 = tpu.memref_slice %arg9[%add3A_381, %dma_start3A_386] : memref<256x128xf32, #tpu.memory_space<vmem>> -> memref<1x128xf32, #tpu.memory_space<vmem>>
      %dma_start3A_388 = arith.constant 0 : i32
      %dma_start3A_389 = tpu.memref_slice %arg4[%squeeze3A_379, %dma_start3A_388] : memref<250000x128xf32, #tpu.memory_space<hbm>> -> memref<1x128xf32, #tpu.memory_space<hbm>>
      tpu.enqueue_dma source(%dma_start3A_389 : memref<1x128xf32, #tpu.memory_space<hbm>>) target(%dma_start3A_387 : memref<1x128xf32, #tpu.memory_space<vmem>>) target_semaphore(%arg12 : memref<!tpu.dma_semaphore, #tpu.memory_space<semaphore_mem>>)
      %slice3A_390 = vector.extract_strided_slice %shift_right_logical3A_68 {offsets = [13], sizes = [1], strides = [1]} : vector<16xi32> to vector<1xi32>
      %squeeze3A_391 = vector.extract %slice3A_390[0] : i32 from vector<1xi32>
      %add3A_392 = arith.constant 13 : i32
      %add3A_393 = arith.addi %mul3A_56, %add3A_392 : i32
      %dma_start3A_394 = arith.constant 0 : i32
      %dma_start3A_395 = tpu.memref_slice %arg10[%add3A_393, %dma_start3A_394] : memref<256x128xf32, #tpu.memory_space<vmem>> -> memref<1x128xf32, #tpu.memory_space<vmem>>
      %dma_start3A_396 = arith.constant 0 : i32
      %dma_start3A_397 = tpu.memref_slice %arg5[%squeeze3A_391, %dma_start3A_396] : memref<25000x128xf32, #tpu.memory_space<hbm>> -> memref<1x128xf32, #tpu.memory_space<hbm>>
      %dma_start3A_398 = arith.constant 0 : i32
      %dma_start3A_399 = tpu.memref_slice %arg10[%add3A_393, %dma_start3A_398] : memref<256x128xf32, #tpu.memory_space<vmem>> -> memref<1x128xf32, #tpu.memory_space<vmem>>
      %dma_start3A_400 = arith.constant 0 : i32
      %dma_start3A_401 = tpu.memref_slice %arg5[%squeeze3A_391, %dma_start3A_400] : memref<25000x128xf32, #tpu.memory_space<hbm>> -> memref<1x128xf32, #tpu.memory_space<hbm>>
      tpu.enqueue_dma source(%dma_start3A_401 : memref<1x128xf32, #tpu.memory_space<hbm>>) target(%dma_start3A_399 : memref<1x128xf32, #tpu.memory_space<vmem>>) target_semaphore(%arg12 : memref<!tpu.dma_semaphore, #tpu.memory_space<semaphore_mem>>)
      %slice3A_402 = vector.extract_strided_slice %shift_right_logical3A_61 {offsets = [14], sizes = [1], strides = [1]} : vector<16xi32> to vector<1xi32>
      %squeeze3A_403 = vector.extract %slice3A_402[0] : i32 from vector<1xi32>
      %add3A_404 = arith.constant 14 : i32
      %add3A_405 = arith.addi %mul3A_56, %add3A_404 : i32
      %dma_start3A_406 = arith.constant 0 : i32
      %dma_start3A_407 = tpu.memref_slice %arg9[%add3A_405, %dma_start3A_406] : memref<256x128xf32, #tpu.memory_space<vmem>> -> memref<1x128xf32, #tpu.memory_space<vmem>>
      %dma_start3A_408 = arith.constant 0 : i32
      %dma_start3A_409 = tpu.memref_slice %arg4[%squeeze3A_403, %dma_start3A_408] : memref<250000x128xf32, #tpu.memory_space<hbm>> -> memref<1x128xf32, #tpu.memory_space<hbm>>
      %dma_start3A_410 = arith.constant 0 : i32
      %dma_start3A_411 = tpu.memref_slice %arg9[%add3A_405, %dma_start3A_410] : memref<256x128xf32, #tpu.memory_space<vmem>> -> memref<1x128xf32, #tpu.memory_space<vmem>>
      %dma_start3A_412 = arith.constant 0 : i32
      %dma_start3A_413 = tpu.memref_slice %arg4[%squeeze3A_403, %dma_start3A_412] : memref<250000x128xf32, #tpu.memory_space<hbm>> -> memref<1x128xf32, #tpu.memory_space<hbm>>
      tpu.enqueue_dma source(%dma_start3A_413 : memref<1x128xf32, #tpu.memory_space<hbm>>) target(%dma_start3A_411 : memref<1x128xf32, #tpu.memory_space<vmem>>) target_semaphore(%arg12 : memref<!tpu.dma_semaphore, #tpu.memory_space<semaphore_mem>>)
      %slice3A_414 = vector.extract_strided_slice %shift_right_logical3A_68 {offsets = [14], sizes = [1], strides = [1]} : vector<16xi32> to vector<1xi32>
      %squeeze3A_415 = vector.extract %slice3A_414[0] : i32 from vector<1xi32>
      %add3A_416 = arith.constant 14 : i32
      %add3A_417 = arith.addi %mul3A_56, %add3A_416 : i32
      %dma_start3A_418 = arith.constant 0 : i32
      %dma_start3A_419 = tpu.memref_slice %arg10[%add3A_417, %dma_start3A_418] : memref<256x128xf32, #tpu.memory_space<vmem>> -> memref<1x128xf32, #tpu.memory_space<vmem>>
      %dma_start3A_420 = arith.constant 0 : i32
      %dma_start3A_421 = tpu.memref_slice %arg5[%squeeze3A_415, %dma_start3A_420] : memref<25000x128xf32, #tpu.memory_space<hbm>> -> memref<1x128xf32, #tpu.memory_space<hbm>>
      %dma_start3A_422 = arith.constant 0 : i32
      %dma_start3A_423 = tpu.memref_slice %arg10[%add3A_417, %dma_start3A_422] : memref<256x128xf32, #tpu.memory_space<vmem>> -> memref<1x128xf32, #tpu.memory_space<vmem>>
      %dma_start3A_424 = arith.constant 0 : i32
      %dma_start3A_425 = tpu.memref_slice %arg5[%squeeze3A_415, %dma_start3A_424] : memref<25000x128xf32, #tpu.memory_space<hbm>> -> memref<1x128xf32, #tpu.memory_space<hbm>>
      tpu.enqueue_dma source(%dma_start3A_425 : memref<1x128xf32, #tpu.memory_space<hbm>>) target(%dma_start3A_423 : memref<1x128xf32, #tpu.memory_space<vmem>>) target_semaphore(%arg12 : memref<!tpu.dma_semaphore, #tpu.memory_space<semaphore_mem>>)
      %slice3A_426 = vector.extract_strided_slice %shift_right_logical3A_61 {offsets = [15], sizes = [1], strides = [1]} : vector<16xi32> to vector<1xi32>
      %squeeze3A_427 = vector.extract %slice3A_426[0] : i32 from vector<1xi32>
      %add3A_428 = arith.constant 15 : i32
      %add3A_429 = arith.addi %mul3A_56, %add3A_428 : i32
      %dma_start3A_430 = arith.constant 0 : i32
      %dma_start3A_431 = tpu.memref_slice %arg9[%add3A_429, %dma_start3A_430] : memref<256x128xf32, #tpu.memory_space<vmem>> -> memref<1x128xf32, #tpu.memory_space<vmem>>
      %dma_start3A_432 = arith.constant 0 : i32
      %dma_start3A_433 = tpu.memref_slice %arg4[%squeeze3A_427, %dma_start3A_432] : memref<250000x128xf32, #tpu.memory_space<hbm>> -> memref<1x128xf32, #tpu.memory_space<hbm>>
      %dma_start3A_434 = arith.constant 0 : i32
      %dma_start3A_435 = tpu.memref_slice %arg9[%add3A_429, %dma_start3A_434] : memref<256x128xf32, #tpu.memory_space<vmem>> -> memref<1x128xf32, #tpu.memory_space<vmem>>
      %dma_start3A_436 = arith.constant 0 : i32
      %dma_start3A_437 = tpu.memref_slice %arg4[%squeeze3A_427, %dma_start3A_436] : memref<250000x128xf32, #tpu.memory_space<hbm>> -> memref<1x128xf32, #tpu.memory_space<hbm>>
      tpu.enqueue_dma source(%dma_start3A_437 : memref<1x128xf32, #tpu.memory_space<hbm>>) target(%dma_start3A_435 : memref<1x128xf32, #tpu.memory_space<vmem>>) target_semaphore(%arg12 : memref<!tpu.dma_semaphore, #tpu.memory_space<semaphore_mem>>)
      %slice3A_438 = vector.extract_strided_slice %shift_right_logical3A_68 {offsets = [15], sizes = [1], strides = [1]} : vector<16xi32> to vector<1xi32>
      %squeeze3A_439 = vector.extract %slice3A_438[0] : i32 from vector<1xi32>
      %add3A_440 = arith.constant 15 : i32
      %add3A_441 = arith.addi %mul3A_56, %add3A_440 : i32
      %dma_start3A_442 = arith.constant 0 : i32
      %dma_start3A_443 = tpu.memref_slice %arg10[%add3A_441, %dma_start3A_442] : memref<256x128xf32, #tpu.memory_space<vmem>> -> memref<1x128xf32, #tpu.memory_space<vmem>>
      %dma_start3A_444 = arith.constant 0 : i32
      %dma_start3A_445 = tpu.memref_slice %arg5[%squeeze3A_439, %dma_start3A_444] : memref<25000x128xf32, #tpu.memory_space<hbm>> -> memref<1x128xf32, #tpu.memory_space<hbm>>
      %dma_start3A_446 = arith.constant 0 : i32
      %dma_start3A_447 = tpu.memref_slice %arg10[%add3A_441, %dma_start3A_446] : memref<256x128xf32, #tpu.memory_space<vmem>> -> memref<1x128xf32, #tpu.memory_space<vmem>>
      %dma_start3A_448 = arith.constant 0 : i32
      %dma_start3A_449 = tpu.memref_slice %arg5[%squeeze3A_439, %dma_start3A_448] : memref<25000x128xf32, #tpu.memory_space<hbm>> -> memref<1x128xf32, #tpu.memory_space<hbm>>
      tpu.enqueue_dma source(%dma_start3A_449 : memref<1x128xf32, #tpu.memory_space<hbm>>) target(%dma_start3A_447 : memref<1x128xf32, #tpu.memory_space<vmem>>) target_semaphore(%arg12 : memref<!tpu.dma_semaphore, #tpu.memory_space<semaphore_mem>>)
      %scan3A_450 = arith.constant 0 : i32
      scf.yield %scan3A_450 : i32
    }
    %scan3A_33 = arith.constant 16 : i32
    %dma_wait3A_34 = arith.constant 0 : i32
    %dma_wait3A_35 = arith.constant 0 : i32
    %dma_wait3A_36 = tpu.memref_slice %arg4[%dma_wait3A_34, %dma_wait3A_35] : memref<250000x128xf32, #tpu.memory_space<hbm>> -> memref<256x128xf32, #tpu.memory_space<hbm>>
    %dma_wait3A_37 = arith.constant 0 : i32
    %dma_wait3A_38 = arith.constant 0 : i32
    %dma_wait3A_39 = tpu.memref_slice %arg4[%dma_wait3A_37, %dma_wait3A_38] : memref<250000x128xf32, #tpu.memory_space<hbm>> -> memref<256x128xf32, #tpu.memory_space<hbm>>
    tpu.wait_dma2 semaphore(%arg12 : memref<!tpu.dma_semaphore, #tpu.memory_space<semaphore_mem>>) src(%dma_wait3A_39 : memref<256x128xf32, #tpu.memory_space<hbm>>) dst(%arg9 : memref<256x128xf32, #tpu.memory_space<vmem>>)
    %dma_wait3A_40 = arith.constant 0 : i32
    %dma_wait3A_41 = arith.constant 0 : i32
    %dma_wait3A_42 = tpu.memref_slice %arg5[%dma_wait3A_40, %dma_wait3A_41] : memref<25000x128xf32, #tpu.memory_space<hbm>> -> memref<256x128xf32, #tpu.memory_space<hbm>>
    %dma_wait3A_43 = arith.constant 0 : i32
    %dma_wait3A_44 = arith.constant 0 : i32
    %dma_wait3A_45 = tpu.memref_slice %arg5[%dma_wait3A_43, %dma_wait3A_44] : memref<25000x128xf32, #tpu.memory_space<hbm>> -> memref<256x128xf32, #tpu.memory_space<hbm>>
    tpu.wait_dma2 semaphore(%arg12 : memref<!tpu.dma_semaphore, #tpu.memory_space<semaphore_mem>>) src(%dma_wait3A_45 : memref<256x128xf32, #tpu.memory_space<hbm>>) dst(%arg10 : memref<256x128xf32, #tpu.memory_space<vmem>>)
    %scan3A_46 = arith.constant 0 : i32
    %scan3A_47 = arith.constant 0 : i32
    %scan3A_48 = arith.constant 16 : i32
    %scan3A_49 = arith.addi %scan3A_47, %scan3A_48 : i32
    %scan3A_50 = arith.constant 1 : i32
    %scan3A_51 = scf.for %scan3A_53 = %scan3A_47 to %scan3A_49 step %scan3A_50 iter_args(%scan3A_54 = %scan3A_46) -> (i32)  : i32 {
      %mul3A_55 = arith.constant 16 : i32
      %mul3A_56 = arith.muli %scan3A_53, %mul3A_55 : i32
      %add3A_57 = arith.constant 256 : i32
      %add3A_58 = arith.addi %add3A_57, %mul3A_56 : i32
      %get3A = arith.index_cast %add3A_58 : i32 to index
      %get3A_59 = tpu.vector_load %arg7[%get3A] {strides = array<i32>} : memref<512xi32, #tpu.memory_space<vmem>>, vector<16xi32>,
      %add3A_60 = arith.constant 256 : i32
      %add3A_61 = arith.addi %add3A_60, %mul3A_56 : i32
      %get3A_62 = arith.index_cast %add3A_61 : i32 to index
      %get3A_63 = tpu.vector_load %arg8[%get3A_62] {strides = array<i32>} : memref<512xi32, #tpu.memory_space<vmem>>, vector<16xi32>,
      %and3A = arith.constant 3 : i32
      %and3A_64 = vector.broadcast %and3A : i32 to vector<16xi32>
      %and3A_65 = arith.andi %get3A_59, %and3A_64 : vector<16xi32>
      %mul3A_66 = arith.constant 32 : i32
      %mul3A_67 = vector.broadcast %mul3A_66 : i32 to vector<16xi32>
      %mul3A_68 = arith.muli %and3A_65, %mul3A_67 : vector<16xi32>
      %and3A_69 = arith.constant 3 : i32
      %and3A_70 = vector.broadcast %and3A_69 : i32 to vector<16xi32>
      %and3A_71 = arith.andi %get3A_63, %and3A_70 : vector<16xi32>
      %mul3A_72 = arith.constant 32 : i32
      %mul3A_73 = vector.broadcast %mul3A_72 : i32 to vector<16xi32>
      %mul3A_74 = arith.muli %and3A_71, %mul3A_73 : vector<16xi32>
      %add3A_75 = vector.broadcast %mul3A_56 : i32 to vector<16xi32>
      %add3A_76 = arith.addi %add3A_75, %iota3A : vector<16xi32>
      %broadcast_in_dim3A = arith.constant 0.000000e+00 : f32
      %broadcast_in_dim3A_77 = vector.broadcast %broadcast_in_dim3A : f32 to vector<16xf32>
      %and3A_78 = arith.constant 31 : i32
      %and3A_79 = vector.broadcast %and3A_78 : i32 to vector<16xi32>
      %and3A_80 = arith.andi %iota3A, %and3A_79 : vector<16xi32>
      %add3A_81 = arith.addi %mul3A_68, %and3A_80 : vector<16xi32>
      %gather3A = tpu.vector_load_idx %arg9[%add3A_76, %add3A_81] : memref<256x128xf32, #tpu.memory_space<vmem>>[vector<16xi32>, vector<16xi32>], vector<16xf32>,
      %add3A_82 = arith.addi %mul3A_74, %and3A_80 : vector<16xi32>
      %gather3A_83 = tpu.vector_load_idx %arg10[%add3A_76, %add3A_82] : memref<256x128xf32, #tpu.memory_space<vmem>>[vector<16xi32>, vector<16xi32>], vector<16xf32>,
      %mul3A_84 = arith.mulf %gather3A, %gather3A_83 : vector<16xf32>
      %add3A_85 = arith.addf %broadcast_in_dim3A_77, %mul3A_84 : vector<16xf32>
      %add3A_86 = arith.constant 1 : i32
      %add3A_87 = vector.broadcast %add3A_86 : i32 to vector<16xi32>
      %add3A_88 = arith.addi %and3A_80, %add3A_87 : vector<16xi32>
      %and3A_89 = arith.constant 31 : i32
      %and3A_90 = vector.broadcast %and3A_89 : i32 to vector<16xi32>
      %and3A_91 = arith.andi %add3A_88, %and3A_90 : vector<16xi32>
      %add3A_92 = arith.addi %mul3A_68, %and3A_91 : vector<16xi32>
      %gather3A_93 = tpu.vector_load_idx %arg9[%add3A_76, %add3A_92] : memref<256x128xf32, #tpu.memory_space<vmem>>[vector<16xi32>, vector<16xi32>], vector<16xf32>,
      %add3A_94 = arith.addi %mul3A_74, %and3A_91 : vector<16xi32>
      %gather3A_95 = tpu.vector_load_idx %arg10[%add3A_76, %add3A_94] : memref<256x128xf32, #tpu.memory_space<vmem>>[vector<16xi32>, vector<16xi32>], vector<16xf32>,
      %mul3A_96 = arith.mulf %gather3A_93, %gather3A_95 : vector<16xf32>
      %add3A_97 = arith.addf %add3A_85, %mul3A_96 : vector<16xf32>
      %add3A_98 = arith.constant 1 : i32
      %add3A_99 = vector.broadcast %add3A_98 : i32 to vector<16xi32>
      %add3A_100 = arith.addi %and3A_91, %add3A_99 : vector<16xi32>
      %and3A_101 = arith.constant 31 : i32
      %and3A_102 = vector.broadcast %and3A_101 : i32 to vector<16xi32>
      %and3A_103 = arith.andi %add3A_100, %and3A_102 : vector<16xi32>
      %add3A_104 = arith.addi %mul3A_68, %and3A_103 : vector<16xi32>
      %gather3A_105 = tpu.vector_load_idx %arg9[%add3A_76, %add3A_104] : memref<256x128xf32, #tpu.memory_space<vmem>>[vector<16xi32>, vector<16xi32>], vector<16xf32>,
      %add3A_106 = arith.addi %mul3A_74, %and3A_103 : vector<16xi32>
      %gather3A_107 = tpu.vector_load_idx %arg10[%add3A_76, %add3A_106] : memref<256x128xf32, #tpu.memory_space<vmem>>[vector<16xi32>, vector<16xi32>], vector<16xf32>,
      %mul3A_108 = arith.mulf %gather3A_105, %gather3A_107 : vector<16xf32>
      %add3A_109 = arith.addf %add3A_97, %mul3A_108 : vector<16xf32>
      %add3A_110 = arith.constant 1 : i32
      %add3A_111 = vector.broadcast %add3A_110 : i32 to vector<16xi32>
      %add3A_112 = arith.addi %and3A_103, %add3A_111 : vector<16xi32>
      %and3A_113 = arith.constant 31 : i32
      %and3A_114 = vector.broadcast %and3A_113 : i32 to vector<16xi32>
      %and3A_115 = arith.andi %add3A_112, %and3A_114 : vector<16xi32>
      %add3A_116 = arith.addi %mul3A_68, %and3A_115 : vector<16xi32>
      %gather3A_117 = tpu.vector_load_idx %arg9[%add3A_76, %add3A_116] : memref<256x128xf32, #tpu.memory_space<vmem>>[vector<16xi32>, vector<16xi32>], vector<16xf32>,
      %add3A_118 = arith.addi %mul3A_74, %and3A_115 : vector<16xi32>
      %gather3A_119 = tpu.vector_load_idx %arg10[%add3A_76, %add3A_118] : memref<256x128xf32, #tpu.memory_space<vmem>>[vector<16xi32>, vector<16xi32>], vector<16xf32>,
      %mul3A_120 = arith.mulf %gather3A_117, %gather3A_119 : vector<16xf32>
      %add3A_121 = arith.addf %add3A_109, %mul3A_120 : vector<16xf32>
      %add3A_122 = arith.constant 1 : i32
      %add3A_123 = vector.broadcast %add3A_122 : i32 to vector<16xi32>
      %add3A_124 = arith.addi %and3A_115, %add3A_123 : vector<16xi32>
      %and3A_125 = arith.constant 31 : i32
      %and3A_126 = vector.broadcast %and3A_125 : i32 to vector<16xi32>
      %and3A_127 = arith.andi %add3A_124, %and3A_126 : vector<16xi32>
      %add3A_128 = arith.addi %mul3A_68, %and3A_127 : vector<16xi32>
      %gather3A_129 = tpu.vector_load_idx %arg9[%add3A_76, %add3A_128] : memref<256x128xf32, #tpu.memory_space<vmem>>[vector<16xi32>, vector<16xi32>], vector<16xf32>,
      %add3A_130 = arith.addi %mul3A_74, %and3A_127 : vector<16xi32>
      %gather3A_131 = tpu.vector_load_idx %arg10[%add3A_76, %add3A_130] : memref<256x128xf32, #tpu.memory_space<vmem>>[vector<16xi32>, vector<16xi32>], vector<16xf32>,
      %mul3A_132 = arith.mulf %gather3A_129, %gather3A_131 : vector<16xf32>
      %add3A_133 = arith.addf %add3A_121, %mul3A_132 : vector<16xf32>
      %add3A_134 = arith.constant 1 : i32
      %add3A_135 = vector.broadcast %add3A_134 : i32 to vector<16xi32>
      %add3A_136 = arith.addi %and3A_127, %add3A_135 : vector<16xi32>
      %and3A_137 = arith.constant 31 : i32
      %and3A_138 = vector.broadcast %and3A_137 : i32 to vector<16xi32>
      %and3A_139 = arith.andi %add3A_136, %and3A_138 : vector<16xi32>
      %add3A_140 = arith.addi %mul3A_68, %and3A_139 : vector<16xi32>
      %gather3A_141 = tpu.vector_load_idx %arg9[%add3A_76, %add3A_140] : memref<256x128xf32, #tpu.memory_space<vmem>>[vector<16xi32>, vector<16xi32>], vector<16xf32>,
      %add3A_142 = arith.addi %mul3A_74, %and3A_139 : vector<16xi32>
      %gather3A_143 = tpu.vector_load_idx %arg10[%add3A_76, %add3A_142] : memref<256x128xf32, #tpu.memory_space<vmem>>[vector<16xi32>, vector<16xi32>], vector<16xf32>,
      %mul3A_144 = arith.mulf %gather3A_141, %gather3A_143 : vector<16xf32>
      %add3A_145 = arith.addf %add3A_133, %mul3A_144 : vector<16xf32>
      %add3A_146 = arith.constant 1 : i32
      %add3A_147 = vector.broadcast %add3A_146 : i32 to vector<16xi32>
      %add3A_148 = arith.addi %and3A_139, %add3A_147 : vector<16xi32>
      %and3A_149 = arith.constant 31 : i32
      %and3A_150 = vector.broadcast %and3A_149 : i32 to vector<16xi32>
      %and3A_151 = arith.andi %add3A_148, %and3A_150 : vector<16xi32>
      %add3A_152 = arith.addi %mul3A_68, %and3A_151 : vector<16xi32>
      %gather3A_153 = tpu.vector_load_idx %arg9[%add3A_76, %add3A_152] : memref<256x128xf32, #tpu.memory_space<vmem>>[vector<16xi32>, vector<16xi32>], vector<16xf32>,
      %add3A_154 = arith.addi %mul3A_74, %and3A_151 : vector<16xi32>
      %gather3A_155 = tpu.vector_load_idx %arg10[%add3A_76, %add3A_154] : memref<256x128xf32, #tpu.memory_space<vmem>>[vector<16xi32>, vector<16xi32>], vector<16xf32>,
      %mul3A_156 = arith.mulf %gather3A_153, %gather3A_155 : vector<16xf32>
      %add3A_157 = arith.addf %add3A_145, %mul3A_156 : vector<16xf32>
      %add3A_158 = arith.constant 1 : i32
      %add3A_159 = vector.broadcast %add3A_158 : i32 to vector<16xi32>
      %add3A_160 = arith.addi %and3A_151, %add3A_159 : vector<16xi32>
      %and3A_161 = arith.constant 31 : i32
      %and3A_162 = vector.broadcast %and3A_161 : i32 to vector<16xi32>
      %and3A_163 = arith.andi %add3A_160, %and3A_162 : vector<16xi32>
      %add3A_164 = arith.addi %mul3A_68, %and3A_163 : vector<16xi32>
      %gather3A_165 = tpu.vector_load_idx %arg9[%add3A_76, %add3A_164] : memref<256x128xf32, #tpu.memory_space<vmem>>[vector<16xi32>, vector<16xi32>], vector<16xf32>,
      %add3A_166 = arith.addi %mul3A_74, %and3A_163 : vector<16xi32>
      %gather3A_167 = tpu.vector_load_idx %arg10[%add3A_76, %add3A_166] : memref<256x128xf32, #tpu.memory_space<vmem>>[vector<16xi32>, vector<16xi32>], vector<16xf32>,
      %mul3A_168 = arith.mulf %gather3A_165, %gather3A_167 : vector<16xf32>
      %add3A_169 = arith.addf %add3A_157, %mul3A_168 : vector<16xf32>
      %add3A_170 = arith.constant 1 : i32
      %add3A_171 = vector.broadcast %add3A_170 : i32 to vector<16xi32>
      %add3A_172 = arith.addi %and3A_163, %add3A_171 : vector<16xi32>
      %and3A_173 = arith.constant 31 : i32
      %and3A_174 = vector.broadcast %and3A_173 : i32 to vector<16xi32>
      %and3A_175 = arith.andi %add3A_172, %and3A_174 : vector<16xi32>
      %add3A_176 = arith.addi %mul3A_68, %and3A_175 : vector<16xi32>
      %gather3A_177 = tpu.vector_load_idx %arg9[%add3A_76, %add3A_176] : memref<256x128xf32, #tpu.memory_space<vmem>>[vector<16xi32>, vector<16xi32>], vector<16xf32>,
      %add3A_178 = arith.addi %mul3A_74, %and3A_175 : vector<16xi32>
      %gather3A_179 = tpu.vector_load_idx %arg10[%add3A_76, %add3A_178] : memref<256x128xf32, #tpu.memory_space<vmem>>[vector<16xi32>, vector<16xi32>], vector<16xf32>,
      %mul3A_180 = arith.mulf %gather3A_177, %gather3A_179 : vector<16xf32>
      %add3A_181 = arith.addf %add3A_169, %mul3A_180 : vector<16xf32>
      %add3A_182 = arith.constant 1 : i32
      %add3A_183 = vector.broadcast %add3A_182 : i32 to vector<16xi32>
      %add3A_184 = arith.addi %and3A_175, %add3A_183 : vector<16xi32>
      %and3A_185 = arith.constant 31 : i32
      %and3A_186 = vector.broadcast %and3A_185 : i32 to vector<16xi32>
      %and3A_187 = arith.andi %add3A_184, %and3A_186 : vector<16xi32>
      %add3A_188 = arith.addi %mul3A_68, %and3A_187 : vector<16xi32>
      %gather3A_189 = tpu.vector_load_idx %arg9[%add3A_76, %add3A_188] : memref<256x128xf32, #tpu.memory_space<vmem>>[vector<16xi32>, vector<16xi32>], vector<16xf32>,
      %add3A_190 = arith.addi %mul3A_74, %and3A_187 : vector<16xi32>
      %gather3A_191 = tpu.vector_load_idx %arg10[%add3A_76, %add3A_190] : memref<256x128xf32, #tpu.memory_space<vmem>>[vector<16xi32>, vector<16xi32>], vector<16xf32>,
      %mul3A_192 = arith.mulf %gather3A_189, %gather3A_191 : vector<16xf32>
      %add3A_193 = arith.addf %add3A_181, %mul3A_192 : vector<16xf32>
      %add3A_194 = arith.constant 1 : i32
      %add3A_195 = vector.broadcast %add3A_194 : i32 to vector<16xi32>
      %add3A_196 = arith.addi %and3A_187, %add3A_195 : vector<16xi32>
      %and3A_197 = arith.constant 31 : i32
      %and3A_198 = vector.broadcast %and3A_197 : i32 to vector<16xi32>
      %and3A_199 = arith.andi %add3A_196, %and3A_198 : vector<16xi32>
      %add3A_200 = arith.addi %mul3A_68, %and3A_199 : vector<16xi32>
      %gather3A_201 = tpu.vector_load_idx %arg9[%add3A_76, %add3A_200] : memref<256x128xf32, #tpu.memory_space<vmem>>[vector<16xi32>, vector<16xi32>], vector<16xf32>,
      %add3A_202 = arith.addi %mul3A_74, %and3A_199 : vector<16xi32>
      %gather3A_203 = tpu.vector_load_idx %arg10[%add3A_76, %add3A_202] : memref<256x128xf32, #tpu.memory_space<vmem>>[vector<16xi32>, vector<16xi32>], vector<16xf32>,
      %mul3A_204 = arith.mulf %gather3A_201, %gather3A_203 : vector<16xf32>
      %add3A_205 = arith.addf %add3A_193, %mul3A_204 : vector<16xf32>
      %add3A_206 = arith.constant 1 : i32
      %add3A_207 = vector.broadcast %add3A_206 : i32 to vector<16xi32>
      %add3A_208 = arith.addi %and3A_199, %add3A_207 : vector<16xi32>
      %and3A_209 = arith.constant 31 : i32
      %and3A_210 = vector.broadcast %and3A_209 : i32 to vector<16xi32>
      %and3A_211 = arith.andi %add3A_208, %and3A_210 : vector<16xi32>
      %add3A_212 = arith.addi %mul3A_68, %and3A_211 : vector<16xi32>
      %gather3A_213 = tpu.vector_load_idx %arg9[%add3A_76, %add3A_212] : memref<256x128xf32, #tpu.memory_space<vmem>>[vector<16xi32>, vector<16xi32>], vector<16xf32>,
      %add3A_214 = arith.addi %mul3A_74, %and3A_211 : vector<16xi32>
      %gather3A_215 = tpu.vector_load_idx %arg10[%add3A_76, %add3A_214] : memref<256x128xf32, #tpu.memory_space<vmem>>[vector<16xi32>, vector<16xi32>], vector<16xf32>,
      %mul3A_216 = arith.mulf %gather3A_213, %gather3A_215 : vector<16xf32>
      %add3A_217 = arith.addf %add3A_205, %mul3A_216 : vector<16xf32>
      %add3A_218 = arith.constant 1 : i32
      %add3A_219 = vector.broadcast %add3A_218 : i32 to vector<16xi32>
      %add3A_220 = arith.addi %and3A_211, %add3A_219 : vector<16xi32>
      %and3A_221 = arith.constant 31 : i32
      %and3A_222 = vector.broadcast %and3A_221 : i32 to vector<16xi32>
      %and3A_223 = arith.andi %add3A_220, %and3A_222 : vector<16xi32>
      %add3A_224 = arith.addi %mul3A_68, %and3A_223 : vector<16xi32>
      %gather3A_225 = tpu.vector_load_idx %arg9[%add3A_76, %add3A_224] : memref<256x128xf32, #tpu.memory_space<vmem>>[vector<16xi32>, vector<16xi32>], vector<16xf32>,
      %add3A_226 = arith.addi %mul3A_74, %and3A_223 : vector<16xi32>
      %gather3A_227 = tpu.vector_load_idx %arg10[%add3A_76, %add3A_226] : memref<256x128xf32, #tpu.memory_space<vmem>>[vector<16xi32>, vector<16xi32>], vector<16xf32>,
      %mul3A_228 = arith.mulf %gather3A_225, %gather3A_227 : vector<16xf32>
      %add3A_229 = arith.addf %add3A_217, %mul3A_228 : vector<16xf32>
      %add3A_230 = arith.constant 1 : i32
      %add3A_231 = vector.broadcast %add3A_230 : i32 to vector<16xi32>
      %add3A_232 = arith.addi %and3A_223, %add3A_231 : vector<16xi32>
      %and3A_233 = arith.constant 31 : i32
      %and3A_234 = vector.broadcast %and3A_233 : i32 to vector<16xi32>
      %and3A_235 = arith.andi %add3A_232, %and3A_234 : vector<16xi32>
      %add3A_236 = arith.addi %mul3A_68, %and3A_235 : vector<16xi32>
      %gather3A_237 = tpu.vector_load_idx %arg9[%add3A_76, %add3A_236] : memref<256x128xf32, #tpu.memory_space<vmem>>[vector<16xi32>, vector<16xi32>], vector<16xf32>,
      %add3A_238 = arith.addi %mul3A_74, %and3A_235 : vector<16xi32>
      %gather3A_239 = tpu.vector_load_idx %arg10[%add3A_76, %add3A_238] : memref<256x128xf32, #tpu.memory_space<vmem>>[vector<16xi32>, vector<16xi32>], vector<16xf32>,
      %mul3A_240 = arith.mulf %gather3A_237, %gather3A_239 : vector<16xf32>
      %add3A_241 = arith.addf %add3A_229, %mul3A_240 : vector<16xf32>
      %add3A_242 = arith.constant 1 : i32
      %add3A_243 = vector.broadcast %add3A_242 : i32 to vector<16xi32>
      %add3A_244 = arith.addi %and3A_235, %add3A_243 : vector<16xi32>
      %and3A_245 = arith.constant 31 : i32
      %and3A_246 = vector.broadcast %and3A_245 : i32 to vector<16xi32>
      %and3A_247 = arith.andi %add3A_244, %and3A_246 : vector<16xi32>
      %add3A_248 = arith.addi %mul3A_68, %and3A_247 : vector<16xi32>
      %gather3A_249 = tpu.vector_load_idx %arg9[%add3A_76, %add3A_248] : memref<256x128xf32, #tpu.memory_space<vmem>>[vector<16xi32>, vector<16xi32>], vector<16xf32>,
      %add3A_250 = arith.addi %mul3A_74, %and3A_247 : vector<16xi32>
      %gather3A_251 = tpu.vector_load_idx %arg10[%add3A_76, %add3A_250] : memref<256x128xf32, #tpu.memory_space<vmem>>[vector<16xi32>, vector<16xi32>], vector<16xf32>,
      %mul3A_252 = arith.mulf %gather3A_249, %gather3A_251 : vector<16xf32>
      %add3A_253 = arith.addf %add3A_241, %mul3A_252 : vector<16xf32>
      %add3A_254 = arith.constant 1 : i32
      %add3A_255 = vector.broadcast %add3A_254 : i32 to vector<16xi32>
      %add3A_256 = arith.addi %and3A_247, %add3A_255 : vector<16xi32>
      %and3A_257 = arith.constant 31 : i32
      %and3A_258 = vector.broadcast %and3A_257 : i32 to vector<16xi32>
      %and3A_259 = arith.andi %add3A_256, %and3A_258 : vector<16xi32>
      %add3A_260 = arith.addi %mul3A_68, %and3A_259 : vector<16xi32>
      %gather3A_261 = tpu.vector_load_idx %arg9[%add3A_76, %add3A_260] : memref<256x128xf32, #tpu.memory_space<vmem>>[vector<16xi32>, vector<16xi32>], vector<16xf32>,
      %add3A_262 = arith.addi %mul3A_74, %and3A_259 : vector<16xi32>
      %gather3A_263 = tpu.vector_load_idx %arg10[%add3A_76, %add3A_262] : memref<256x128xf32, #tpu.memory_space<vmem>>[vector<16xi32>, vector<16xi32>], vector<16xf32>,
      %mul3A_264 = arith.mulf %gather3A_261, %gather3A_263 : vector<16xf32>
      %add3A_265 = arith.addf %add3A_253, %mul3A_264 : vector<16xf32>
      %add3A_266 = arith.constant 1 : i32
      %add3A_267 = vector.broadcast %add3A_266 : i32 to vector<16xi32>
      %add3A_268 = arith.addi %and3A_259, %add3A_267 : vector<16xi32>
      %and3A_269 = arith.constant 31 : i32
      %and3A_270 = vector.broadcast %and3A_269 : i32 to vector<16xi32>
      %and3A_271 = arith.andi %add3A_268, %and3A_270 : vector<16xi32>
      %add3A_272 = arith.addi %mul3A_68, %and3A_271 : vector<16xi32>
      %gather3A_273 = tpu.vector_load_idx %arg9[%add3A_76, %add3A_272] : memref<256x128xf32, #tpu.memory_space<vmem>>[vector<16xi32>, vector<16xi32>], vector<16xf32>,
      %add3A_274 = arith.addi %mul3A_74, %and3A_271 : vector<16xi32>
      %gather3A_275 = tpu.vector_load_idx %arg10[%add3A_76, %add3A_274] : memref<256x128xf32, #tpu.memory_space<vmem>>[vector<16xi32>, vector<16xi32>], vector<16xf32>,
      %mul3A_276 = arith.mulf %gather3A_273, %gather3A_275 : vector<16xf32>
      %add3A_277 = arith.addf %add3A_265, %mul3A_276 : vector<16xf32>
      %add3A_278 = arith.constant 1 : i32
      %add3A_279 = vector.broadcast %add3A_278 : i32 to vector<16xi32>
      %add3A_280 = arith.addi %and3A_271, %add3A_279 : vector<16xi32>
      %and3A_281 = arith.constant 31 : i32
      %and3A_282 = vector.broadcast %and3A_281 : i32 to vector<16xi32>
      %and3A_283 = arith.andi %add3A_280, %and3A_282 : vector<16xi32>
      %add3A_284 = arith.addi %mul3A_68, %and3A_283 : vector<16xi32>
      %gather3A_285 = tpu.vector_load_idx %arg9[%add3A_76, %add3A_284] : memref<256x128xf32, #tpu.memory_space<vmem>>[vector<16xi32>, vector<16xi32>], vector<16xf32>,
      %add3A_286 = arith.addi %mul3A_74, %and3A_283 : vector<16xi32>
      %gather3A_287 = tpu.vector_load_idx %arg10[%add3A_76, %add3A_286] : memref<256x128xf32, #tpu.memory_space<vmem>>[vector<16xi32>, vector<16xi32>], vector<16xf32>,
      %mul3A_288 = arith.mulf %gather3A_285, %gather3A_287 : vector<16xf32>
      %add3A_289 = arith.addf %add3A_277, %mul3A_288 : vector<16xf32>
      %add3A_290 = arith.constant 1 : i32
      %add3A_291 = vector.broadcast %add3A_290 : i32 to vector<16xi32>
      %add3A_292 = arith.addi %and3A_283, %add3A_291 : vector<16xi32>
      %and3A_293 = arith.constant 31 : i32
      %and3A_294 = vector.broadcast %and3A_293 : i32 to vector<16xi32>
      %and3A_295 = arith.andi %add3A_292, %and3A_294 : vector<16xi32>
      %add3A_296 = arith.addi %mul3A_68, %and3A_295 : vector<16xi32>
      %gather3A_297 = tpu.vector_load_idx %arg9[%add3A_76, %add3A_296] : memref<256x128xf32, #tpu.memory_space<vmem>>[vector<16xi32>, vector<16xi32>], vector<16xf32>,
      %add3A_298 = arith.addi %mul3A_74, %and3A_295 : vector<16xi32>
      %gather3A_299 = tpu.vector_load_idx %arg10[%add3A_76, %add3A_298] : memref<256x128xf32, #tpu.memory_space<vmem>>[vector<16xi32>, vector<16xi32>], vector<16xf32>,
      %mul3A_300 = arith.mulf %gather3A_297, %gather3A_299 : vector<16xf32>
      %add3A_301 = arith.addf %add3A_289, %mul3A_300 : vector<16xf32>
      %add3A_302 = arith.constant 1 : i32
      %add3A_303 = vector.broadcast %add3A_302 : i32 to vector<16xi32>
      %add3A_304 = arith.addi %and3A_295, %add3A_303 : vector<16xi32>
      %and3A_305 = arith.constant 31 : i32
      %and3A_306 = vector.broadcast %and3A_305 : i32 to vector<16xi32>
      %and3A_307 = arith.andi %add3A_304, %and3A_306 : vector<16xi32>
      %add3A_308 = arith.addi %mul3A_68, %and3A_307 : vector<16xi32>
      %gather3A_309 = tpu.vector_load_idx %arg9[%add3A_76, %add3A_308] : memref<256x128xf32, #tpu.memory_space<vmem>>[vector<16xi32>, vector<16xi32>], vector<16xf32>,
      %add3A_310 = arith.addi %mul3A_74, %and3A_307 : vector<16xi32>
      %gather3A_311 = tpu.vector_load_idx %arg10[%add3A_76, %add3A_310] : memref<256x128xf32, #tpu.memory_space<vmem>>[vector<16xi32>, vector<16xi32>], vector<16xf32>,
      %mul3A_312 = arith.mulf %gather3A_309, %gather3A_311 : vector<16xf32>
      %add3A_313 = arith.addf %add3A_301, %mul3A_312 : vector<16xf32>
      %add3A_314 = arith.constant 1 : i32
      %add3A_315 = vector.broadcast %add3A_314 : i32 to vector<16xi32>
      %add3A_316 = arith.addi %and3A_307, %add3A_315 : vector<16xi32>
      %and3A_317 = arith.constant 31 : i32
      %and3A_318 = vector.broadcast %and3A_317 : i32 to vector<16xi32>
      %and3A_319 = arith.andi %add3A_316, %and3A_318 : vector<16xi32>
      %add3A_320 = arith.addi %mul3A_68, %and3A_319 : vector<16xi32>
      %gather3A_321 = tpu.vector_load_idx %arg9[%add3A_76, %add3A_320] : memref<256x128xf32, #tpu.memory_space<vmem>>[vector<16xi32>, vector<16xi32>], vector<16xf32>,
      %add3A_322 = arith.addi %mul3A_74, %and3A_319 : vector<16xi32>
      %gather3A_323 = tpu.vector_load_idx %arg10[%add3A_76, %add3A_322] : memref<256x128xf32, #tpu.memory_space<vmem>>[vector<16xi32>, vector<16xi32>], vector<16xf32>,
      %mul3A_324 = arith.mulf %gather3A_321, %gather3A_323 : vector<16xf32>
      %add3A_325 = arith.addf %add3A_313, %mul3A_324 : vector<16xf32>
      %add3A_326 = arith.constant 1 : i32
      %add3A_327 = vector.broadcast %add3A_326 : i32 to vector<16xi32>
      %add3A_328 = arith.addi %and3A_319, %add3A_327 : vector<16xi32>
      %and3A_329 = arith.constant 31 : i32
      %and3A_330 = vector.broadcast %and3A_329 : i32 to vector<16xi32>
      %and3A_331 = arith.andi %add3A_328, %and3A_330 : vector<16xi32>
      %add3A_332 = arith.addi %mul3A_68, %and3A_331 : vector<16xi32>
      %gather3A_333 = tpu.vector_load_idx %arg9[%add3A_76, %add3A_332] : memref<256x128xf32, #tpu.memory_space<vmem>>[vector<16xi32>, vector<16xi32>], vector<16xf32>,
      %add3A_334 = arith.addi %mul3A_74, %and3A_331 : vector<16xi32>
      %gather3A_335 = tpu.vector_load_idx %arg10[%add3A_76, %add3A_334] : memref<256x128xf32, #tpu.memory_space<vmem>>[vector<16xi32>, vector<16xi32>], vector<16xf32>,
      %mul3A_336 = arith.mulf %gather3A_333, %gather3A_335 : vector<16xf32>
      %add3A_337 = arith.addf %add3A_325, %mul3A_336 : vector<16xf32>
      %add3A_338 = arith.constant 1 : i32
      %add3A_339 = vector.broadcast %add3A_338 : i32 to vector<16xi32>
      %add3A_340 = arith.addi %and3A_331, %add3A_339 : vector<16xi32>
      %and3A_341 = arith.constant 31 : i32
      %and3A_342 = vector.broadcast %and3A_341 : i32 to vector<16xi32>
      %and3A_343 = arith.andi %add3A_340, %and3A_342 : vector<16xi32>
      %add3A_344 = arith.addi %mul3A_68, %and3A_343 : vector<16xi32>
      %gather3A_345 = tpu.vector_load_idx %arg9[%add3A_76, %add3A_344] : memref<256x128xf32, #tpu.memory_space<vmem>>[vector<16xi32>, vector<16xi32>], vector<16xf32>,
      %add3A_346 = arith.addi %mul3A_74, %and3A_343 : vector<16xi32>
      %gather3A_347 = tpu.vector_load_idx %arg10[%add3A_76, %add3A_346] : memref<256x128xf32, #tpu.memory_space<vmem>>[vector<16xi32>, vector<16xi32>], vector<16xf32>,
      %mul3A_348 = arith.mulf %gather3A_345, %gather3A_347 : vector<16xf32>
      %add3A_349 = arith.addf %add3A_337, %mul3A_348 : vector<16xf32>
      %add3A_350 = arith.constant 1 : i32
      %add3A_351 = vector.broadcast %add3A_350 : i32 to vector<16xi32>
      %add3A_352 = arith.addi %and3A_343, %add3A_351 : vector<16xi32>
      %and3A_353 = arith.constant 31 : i32
      %and3A_354 = vector.broadcast %and3A_353 : i32 to vector<16xi32>
      %and3A_355 = arith.andi %add3A_352, %and3A_354 : vector<16xi32>
      %add3A_356 = arith.addi %mul3A_68, %and3A_355 : vector<16xi32>
      %gather3A_357 = tpu.vector_load_idx %arg9[%add3A_76, %add3A_356] : memref<256x128xf32, #tpu.memory_space<vmem>>[vector<16xi32>, vector<16xi32>], vector<16xf32>,
      %add3A_358 = arith.addi %mul3A_74, %and3A_355 : vector<16xi32>
      %gather3A_359 = tpu.vector_load_idx %arg10[%add3A_76, %add3A_358] : memref<256x128xf32, #tpu.memory_space<vmem>>[vector<16xi32>, vector<16xi32>], vector<16xf32>,
      %mul3A_360 = arith.mulf %gather3A_357, %gather3A_359 : vector<16xf32>
      %add3A_361 = arith.addf %add3A_349, %mul3A_360 : vector<16xf32>
      %add3A_362 = arith.constant 1 : i32
      %add3A_363 = vector.broadcast %add3A_362 : i32 to vector<16xi32>
      %add3A_364 = arith.addi %and3A_355, %add3A_363 : vector<16xi32>
      %and3A_365 = arith.constant 31 : i32
      %and3A_366 = vector.broadcast %and3A_365 : i32 to vector<16xi32>
      %and3A_367 = arith.andi %add3A_364, %and3A_366 : vector<16xi32>
      %add3A_368 = arith.addi %mul3A_68, %and3A_367 : vector<16xi32>
      %gather3A_369 = tpu.vector_load_idx %arg9[%add3A_76, %add3A_368] : memref<256x128xf32, #tpu.memory_space<vmem>>[vector<16xi32>, vector<16xi32>], vector<16xf32>,
      %add3A_370 = arith.addi %mul3A_74, %and3A_367 : vector<16xi32>
      %gather3A_371 = tpu.vector_load_idx %arg10[%add3A_76, %add3A_370] : memref<256x128xf32, #tpu.memory_space<vmem>>[vector<16xi32>, vector<16xi32>], vector<16xf32>,
      %mul3A_372 = arith.mulf %gather3A_369, %gather3A_371 : vector<16xf32>
      %add3A_373 = arith.addf %add3A_361, %mul3A_372 : vector<16xf32>
      %add3A_374 = arith.constant 1 : i32
      %add3A_375 = vector.broadcast %add3A_374 : i32 to vector<16xi32>
      %add3A_376 = arith.addi %and3A_367, %add3A_375 : vector<16xi32>
      %and3A_377 = arith.constant 31 : i32
      %and3A_378 = vector.broadcast %and3A_377 : i32 to vector<16xi32>
      %and3A_379 = arith.andi %add3A_376, %and3A_378 : vector<16xi32>
      %add3A_380 = arith.addi %mul3A_68, %and3A_379 : vector<16xi32>
      %gather3A_381 = tpu.vector_load_idx %arg9[%add3A_76, %add3A_380] : memref<256x128xf32, #tpu.memory_space<vmem>>[vector<16xi32>, vector<16xi32>], vector<16xf32>,
      %add3A_382 = arith.addi %mul3A_74, %and3A_379 : vector<16xi32>
      %gather3A_383 = tpu.vector_load_idx %arg10[%add3A_76, %add3A_382] : memref<256x128xf32, #tpu.memory_space<vmem>>[vector<16xi32>, vector<16xi32>], vector<16xf32>,
      %mul3A_384 = arith.mulf %gather3A_381, %gather3A_383 : vector<16xf32>
      %add3A_385 = arith.addf %add3A_373, %mul3A_384 : vector<16xf32>
      %add3A_386 = arith.constant 1 : i32
      %add3A_387 = vector.broadcast %add3A_386 : i32 to vector<16xi32>
      %add3A_388 = arith.addi %and3A_379, %add3A_387 : vector<16xi32>
      %and3A_389 = arith.constant 31 : i32
      %and3A_390 = vector.broadcast %and3A_389 : i32 to vector<16xi32>
      %and3A_391 = arith.andi %add3A_388, %and3A_390 : vector<16xi32>
      %add3A_392 = arith.addi %mul3A_68, %and3A_391 : vector<16xi32>
      %gather3A_393 = tpu.vector_load_idx %arg9[%add3A_76, %add3A_392] : memref<256x128xf32, #tpu.memory_space<vmem>>[vector<16xi32>, vector<16xi32>], vector<16xf32>,
      %add3A_394 = arith.addi %mul3A_74, %and3A_391 : vector<16xi32>
      %gather3A_395 = tpu.vector_load_idx %arg10[%add3A_76, %add3A_394] : memref<256x128xf32, #tpu.memory_space<vmem>>[vector<16xi32>, vector<16xi32>], vector<16xf32>,
      %mul3A_396 = arith.mulf %gather3A_393, %gather3A_395 : vector<16xf32>
      %add3A_397 = arith.addf %add3A_385, %mul3A_396 : vector<16xf32>
      %add3A_398 = arith.constant 1 : i32
      %add3A_399 = vector.broadcast %add3A_398 : i32 to vector<16xi32>
      %add3A_400 = arith.addi %and3A_391, %add3A_399 : vector<16xi32>
      %and3A_401 = arith.constant 31 : i32
      %and3A_402 = vector.broadcast %and3A_401 : i32 to vector<16xi32>
      %and3A_403 = arith.andi %add3A_400, %and3A_402 : vector<16xi32>
      %add3A_404 = arith.addi %mul3A_68, %and3A_403 : vector<16xi32>
      %gather3A_405 = tpu.vector_load_idx %arg9[%add3A_76, %add3A_404] : memref<256x128xf32, #tpu.memory_space<vmem>>[vector<16xi32>, vector<16xi32>], vector<16xf32>,
      %add3A_406 = arith.addi %mul3A_74, %and3A_403 : vector<16xi32>
      %gather3A_407 = tpu.vector_load_idx %arg10[%add3A_76, %add3A_406] : memref<256x128xf32, #tpu.memory_space<vmem>>[vector<16xi32>, vector<16xi32>], vector<16xf32>,
      %mul3A_408 = arith.mulf %gather3A_405, %gather3A_407 : vector<16xf32>
      %add3A_409 = arith.addf %add3A_397, %mul3A_408 : vector<16xf32>
      %add3A_410 = arith.constant 1 : i32
      %add3A_411 = vector.broadcast %add3A_410 : i32 to vector<16xi32>
      %add3A_412 = arith.addi %and3A_403, %add3A_411 : vector<16xi32>
      %and3A_413 = arith.constant 31 : i32
      %and3A_414 = vector.broadcast %and3A_413 : i32 to vector<16xi32>
      %and3A_415 = arith.andi %add3A_412, %and3A_414 : vector<16xi32>
      %add3A_416 = arith.addi %mul3A_68, %and3A_415 : vector<16xi32>
      %gather3A_417 = tpu.vector_load_idx %arg9[%add3A_76, %add3A_416] : memref<256x128xf32, #tpu.memory_space<vmem>>[vector<16xi32>, vector<16xi32>], vector<16xf32>,
      %add3A_418 = arith.addi %mul3A_74, %and3A_415 : vector<16xi32>
      %gather3A_419 = tpu.vector_load_idx %arg10[%add3A_76, %add3A_418] : memref<256x128xf32, #tpu.memory_space<vmem>>[vector<16xi32>, vector<16xi32>], vector<16xf32>,
      %mul3A_420 = arith.mulf %gather3A_417, %gather3A_419 : vector<16xf32>
      %add3A_421 = arith.addf %add3A_409, %mul3A_420 : vector<16xf32>
      %add3A_422 = arith.constant 1 : i32
      %add3A_423 = vector.broadcast %add3A_422 : i32 to vector<16xi32>
      %add3A_424 = arith.addi %and3A_415, %add3A_423 : vector<16xi32>
      %and3A_425 = arith.constant 31 : i32
      %and3A_426 = vector.broadcast %and3A_425 : i32 to vector<16xi32>
      %and3A_427 = arith.andi %add3A_424, %and3A_426 : vector<16xi32>
      %add3A_428 = arith.addi %mul3A_68, %and3A_427 : vector<16xi32>
      %gather3A_429 = tpu.vector_load_idx %arg9[%add3A_76, %add3A_428] : memref<256x128xf32, #tpu.memory_space<vmem>>[vector<16xi32>, vector<16xi32>], vector<16xf32>,
      %add3A_430 = arith.addi %mul3A_74, %and3A_427 : vector<16xi32>
      %gather3A_431 = tpu.vector_load_idx %arg10[%add3A_76, %add3A_430] : memref<256x128xf32, #tpu.memory_space<vmem>>[vector<16xi32>, vector<16xi32>], vector<16xf32>,
      %mul3A_432 = arith.mulf %gather3A_429, %gather3A_431 : vector<16xf32>
      %add3A_433 = arith.addf %add3A_421, %mul3A_432 : vector<16xf32>
      %add3A_434 = arith.constant 1 : i32
      %add3A_435 = vector.broadcast %add3A_434 : i32 to vector<16xi32>
      %add3A_436 = arith.addi %and3A_427, %add3A_435 : vector<16xi32>
      %and3A_437 = arith.constant 31 : i32
      %and3A_438 = vector.broadcast %and3A_437 : i32 to vector<16xi32>
      %and3A_439 = arith.andi %add3A_436, %and3A_438 : vector<16xi32>
      %add3A_440 = arith.addi %mul3A_68, %and3A_439 : vector<16xi32>
      %gather3A_441 = tpu.vector_load_idx %arg9[%add3A_76, %add3A_440] : memref<256x128xf32, #tpu.memory_space<vmem>>[vector<16xi32>, vector<16xi32>], vector<16xf32>,
      %add3A_442 = arith.addi %mul3A_74, %and3A_439 : vector<16xi32>
      %gather3A_443 = tpu.vector_load_idx %arg10[%add3A_76, %add3A_442] : memref<256x128xf32, #tpu.memory_space<vmem>>[vector<16xi32>, vector<16xi32>], vector<16xf32>,
      %mul3A_444 = arith.mulf %gather3A_441, %gather3A_443 : vector<16xf32>
      %add3A_445 = arith.addf %add3A_433, %mul3A_444 : vector<16xf32>
      %add3A_446 = arith.constant 1 : i32
      %add3A_447 = vector.broadcast %add3A_446 : i32 to vector<16xi32>
      %add3A_448 = arith.addi %and3A_439, %add3A_447 : vector<16xi32>
      %and3A_449 = arith.constant 31 : i32
      %and3A_450 = vector.broadcast %and3A_449 : i32 to vector<16xi32>
      %and3A_451 = arith.andi %add3A_448, %and3A_450 : vector<16xi32>
      %add3A_452 = arith.addi %mul3A_68, %and3A_451 : vector<16xi32>
      %gather3A_453 = tpu.vector_load_idx %arg9[%add3A_76, %add3A_452] : memref<256x128xf32, #tpu.memory_space<vmem>>[vector<16xi32>, vector<16xi32>], vector<16xf32>,
      %add3A_454 = arith.addi %mul3A_74, %and3A_451 : vector<16xi32>
      %gather3A_455 = tpu.vector_load_idx %arg10[%add3A_76, %add3A_454] : memref<256x128xf32, #tpu.memory_space<vmem>>[vector<16xi32>, vector<16xi32>], vector<16xf32>,
      %mul3A_456 = arith.mulf %gather3A_453, %gather3A_455 : vector<16xf32>
      %add3A_457 = arith.addf %add3A_445, %mul3A_456 : vector<16xf32>
      %add3A_458 = arith.constant 1 : i32
      %add3A_459 = vector.broadcast %add3A_458 : i32 to vector<16xi32>
      %add3A_460 = arith.addi %and3A_451, %add3A_459 : vector<16xi32>
      %and3A_461 = arith.constant 31 : i32
      %and3A_462 = vector.broadcast %and3A_461 : i32 to vector<16xi32>
      %and3A_463 = arith.andi %add3A_460, %and3A_462 : vector<16xi32>
      %add3A_464 = arith.constant 256 : i32
      %add3A_465 = arith.addi %add3A_464, %mul3A_56 : i32
      %swap3A = arith.index_cast %add3A_465 : i32 to index
      %swap3A_466 = tpu.vector_load %arg11[%swap3A] {strides = array<i32>} : memref<512xf32, #tpu.memory_space<vmem>>, vector<16xf32>,
      tpu.vector_store %arg11[%swap3A], %add3A_457 {strides = array<i32>} : memref<512xf32, #tpu.memory_space<vmem>>, vector<16xf32>,
      %scan3A_467 = arith.constant 0 : i32
      scf.yield %scan3A_467 : i32
    }
    %scan3A_52 = arith.constant 16 : i32
    "tpu.region"() ({
      %run_scoped3A = tpu.sem_alloc : memref<!tpu.dma_semaphore, #tpu.memory_space<semaphore_mem>>
      %dma_start3A = tpu.memref_slice %arg6[%mul3A_2] : memref<16384xf32, #tpu.memory_space<hbm>> -> memref<512xf32, #tpu.memory_space<hbm>>
      %dma_start3A_53 = tpu.memref_slice %arg6[%mul3A_2] : memref<16384xf32, #tpu.memory_space<hbm>> -> memref<512xf32, #tpu.memory_space<hbm>>
      tpu.enqueue_dma source(%arg11 : memref<512xf32, #tpu.memory_space<vmem>>) target(%dma_start3A_53 : memref<512xf32, #tpu.memory_space<hbm>>) target_semaphore(%run_scoped3A : memref<!tpu.dma_semaphore, #tpu.memory_space<semaphore_mem>>)
      %dma_wait3A_54 = tpu.memref_slice %arg6[%mul3A_2] : memref<16384xf32, #tpu.memory_space<hbm>> -> memref<512xf32, #tpu.memory_space<hbm>>
      %dma_wait3A_55 = tpu.memref_slice %arg6[%mul3A_2] : memref<16384xf32, #tpu.memory_space<hbm>> -> memref<512xf32, #tpu.memory_space<hbm>>
      tpu.wait_dma2 semaphore(%run_scoped3A : memref<!tpu.dma_semaphore, #tpu.memory_space<semaphore_mem>>) src(%arg11 : memref<512xf32, #tpu.memory_space<vmem>>) dst(%dma_wait3A_55 : memref<512xf32, #tpu.memory_space<hbm>>)
      tpu.yield
    }) : () -> ()
    return
  }
}

</mosaic_0001>

<sc_bundles>
// kernel: kernel.3.cloned.1.call-start
scs
__scs_entry_jumppad:
0x0: {  	(pc) =	sbr.rel $0x88, $3  }
0x1: {  	(tag) =	ssettag $0x0;
	lr =	simm.s32 $0x1  }
0x2: {  	[smem:$0x3F9D] =	sst lr;
	_ =	strace $0xD0000000  }
0x3: {  	_ = 	snop  }
0x4: {  	_ = 	snop  }
0x5: {  	_ = 	snop  }
0x6: {  	_ = 	snop  }
0x7: {  	_ = 	snop  }
__scs_overlays_trampoline_lowered:
0x8: {  	[smem:$0x3FAC] =	sst s0  }
0x9: {  	[smem:$0x3FAD] =	sst s1  }
0xa: {  	[smem:$0x3FAE] =	sst s2  }
0xb: {  	[smem:$0x3FAF] =	sst s3  }
0xc: {  	[smem:$0x3FB0] =	sst s4  }
0xd: {  	[smem:$0x3FB1] =	sst s5  }
0xe: {  	[smem:$0x3FB2] =	sst s6  }
0xf: {  	[smem:$0x3FB3] =	sst s7  }
0x10: {  	[smem:$0x3FB4] =	sst s8  }
0x11: {  	[smem:$0x3FB5] =	sst s9;
	s0 =	simm.s32 @!p0 $0x0  }
0x12: {  	s1 =	sld [smem:$0x3F9B];
	s0 =	simm.s32 @p0 $0x1  }
0x13: {  	[smem:$0x3FB6] =	sst s0;
	s0 =	simm.s32 @!p1 $0x0  }
0x14: {  	s2 =	sld [smem:$0x3F9A];
	s0 =	simm.s32 @p1 $0x1  }
0x15: {  	[smem:$0x3FB7] =	sst s0;
	s0 =	simm.s32 @!p2 $0x0  }
0x16: {  	s3 =	sld [smem:$0x3FDB];
	s0 =	simm.s32 @p2 $0x1  }
0x17: {  	s4 =	simm.s32 $0x1BF5;
	[smem:$0x3FB9] =	sst s0  }
0x18: {  	s0 =	sld [smem:$0x3F9C];
	_ =	swait.ge [sflag:s4], $0x0  }
0x19: {  	s7 =	sld [smem:$0x3F9D]  }
0x1a: {  	s8 =	sadd.s32 $0xFFFFE003, lr  }
0x1b: {  	s9 =	sadd.s32 $0xFFFFFEF7, lr;
	s5 =	simm.s32 $0xFFFFFFFF;
	p2 =	slt.u32 s8, $0xFFFFF086  }
0x1c: {  	p1 =	slt.u32 s9, $0xF7A;
	s5 =	simm.s32 @!p2 $0x0  }
0x1d: {  	s5 =	simm.s32 @p1 $0x1;
	p0 =	seq.s32 s7, s2  }
0x1e: {  	s7 =	smul.u32 @!p0 $0xF7A, s2;
	p2 =	seq.s32 @!p0 s5, $0x0  }
0x1f: {  	s9 =	smul.u32 $0xF7A, s1;
	s8 =	simm.s32 @!p0 $0x1BF5;
	p2 =	por !p2, p0  }
0x20: {  	[sflag:s8] =	ssyncset.s32 @!p0 $0xFFFFF086;
	s6 =	sadd.s32 @!p0 s3, s7;
	s7 =	simm.s32 @!p0 $0x108  }
0x21: {  	s3 =	sadd.s32 s3, s9;
	s6 =	sadd.s32 @!p0 $0x88, s6;
	s7 =	simm.s32 @p2 $0x1082  }
0x22: {  	[simem:s7], [sflag:s8] =	dma.local @!p0 [hbm:s6], $0xF7A  }
0x23: {  	s9 =	sor.u32 $0xD0000000, s2;
	s6 =	simm.s32 $0x108;
	_ =	swait.ge @!p0 [sflag:s8], $0x0  }
0x24: {  	s3 =	sadd.s32 $0x88, s3;
	s6 =	simm.s32 @!p1 $0x1082;
	[sflag:s4] =	ssyncset.s32 $0xFFFFF086  }
0x25: {  	[simem:s6], [sflag:s4] =	dma.local [hbm:s3], $0xF7A  }
0x26: {  	[smem:$0x3F9D] =	sst s1;
	(tag) =	ssettag s2;
	_ =	strace s9  }
0x27: {  	s1 =	sld [smem:$0x3FAD]  }
0x28: {  	s2 =	sld [smem:$0x3FAE]  }
0x29: {  	s4 =	sld [smem:$0x3FB0]  }
0x2a: {  	p0 =	seq.s32 s5, $0x0;
	s5 =	sld [smem:$0x3FB1]  }
0x2b: {  	s6 =	sld [smem:$0x3FB2]  }
0x2c: {  	s7 =	sld [smem:$0x3FB3]  }
0x2d: {  	s3 =	simm.s32 $0x108;
	s8 =	sld [smem:$0x3FB4]  }
0x2e: {  	s3 =	simm.s32 @!p0 $0x1082;
	s9 =	sld [smem:$0x3FB5]  }
0x2f: {  	lr =	sadd.s32 s0, s3;
	s0 =	sld [smem:$0x3FAC]  }
0x30: {  	s3 =	sld [smem:$0x3FAF]  }
0x31: {  	[smem:$0x3FB8] =	sst s10  }
0x32: {  	s10 =	sld [smem:$0x3FB6];
	_ =	sdelay $0x3  }
0x33: {  	p0 =	seq.s32 s10, $0x1;
	s10 =	sld [smem:$0x3FB8];
	_ =	sdelay $0x3  }
0x34: {  	[smem:$0x3FB8] =	sst s10  }
0x35: {  	s10 =	sld [smem:$0x3FB7];
	_ =	sdelay $0x3  }
0x36: {  	p1 =	seq.s32 s10, $0x1;
	s10 =	sld [smem:$0x3FB8];
	_ =	sdelay $0x3  }
0x37: {  	[smem:$0x3FB8] =	sst s10  }
0x38: {  	s10 =	sld [smem:$0x3FB9]  }
0x39: {  	_ = 	snop;
	(pc) =	sbr.ind lr, $3  }
0x3a: {  	_ = 	snop  }
0x3b: {  	_ = 	snop  }
0x3c: {  	p2 =	seq.s32 s10, $0x1;
	s10 =	sld [smem:$0x3FB8]  }
0x3d: {  	_ =	shalt  }
0x3e: {  	_ =	shalt  }
0x3f: {  	_ =	shalt  }
0x40: {  	_ =	shalt  }
0x41: {  	_ =	shalt  }
0x42: {  	_ =	shalt  }
0x43: {  	_ =	shalt  }
0x44: {  	_ =	shalt  }
0x45: {  	_ =	shalt  }
0x46: {  	_ =	shalt  }
0x47: {  	_ =	shalt  }
0x48: {  	_ =	shalt  }
0x49: {  	_ =	shalt  }
0x4a: {  	_ =	shalt  }
0x4b: {  	_ =	shalt  }
0x4c: {  	_ =	shalt  }
0x4d: {  	_ =	shalt  }
0x4e: {  	_ =	shalt  }
0x4f: {  	_ =	shalt  }
0x50: {  	_ =	shalt  }
0x51: {  	_ =	shalt  }
0x52: {  	_ =	shalt  }
0x53: {  	_ =	shalt  }
0x54: {  	_ =	shalt  }
0x55: {  	_ =	shalt  }
0x56: {  	_ =	shalt  }
0x57: {  	_ =	shalt  }
0x58: {  	_ =	shalt  }
0x59: {  	_ =	shalt  }
0x5a: {  	_ =	shalt  }
0x5b: {  	_ =	shalt  }
0x5c: {  	_ =	shalt  }
0x5d: {  	_ =	shalt  }
0x5e: {  	_ =	shalt  }
0x5f: {  	_ =	shalt  }
0x60: {  	_ =	shalt  }
0x61: {  	_ =	shalt  }
0x62: {  	_ =	shalt  }
0x63: {  	_ =	shalt  }
0x64: {  	_ =	shalt  }
0x65: {  	_ =	shalt  }
0x66: {  	_ =	shalt  }
0x67: {  	_ =	shalt  }
0x68: {  	_ =	shalt  }
0x69: {  	_ =	shalt  }
0x6a: {  	_ =	shalt  }
0x6b: {  	_ =	shalt  }
0x6c: {  	_ =	shalt  }
0x6d: {  	_ =	shalt  }
0x6e: {  	_ =	shalt  }
0x6f: {  	_ =	shalt  }
0x70: {  	_ =	shalt  }
0x71: {  	_ =	shalt  }
0x72: {  	_ =	shalt  }
0x73: {  	_ =	shalt  }
0x74: {  	_ =	shalt  }
0x75: {  	_ =	shalt  }
0x76: {  	_ =	shalt  }
0x77: {  	_ =	shalt  }
0x78: {  	_ =	shalt  }
0x79: {  	_ =	shalt  }
0x7a: {  	_ =	shalt  }
0x7b: {  	_ =	shalt  }
0x7c: {  	_ =	shalt  }
0x7d: {  	_ =	shalt  }
0x7e: {  	_ =	shalt  }
0x7f: {  	_ =	shalt  }
0x80: {  	_ =	shalt  }
0x81: {  	_ =	shalt  }
0x82: {  	_ =	shalt  }
0x83: {  	_ =	shalt  }
0x84: {  	_ =	shalt  }
0x85: {  	_ =	shalt  }
0x86: {  	_ =	shalt  }
0x87: {  	_ =	shalt  }
.Lfunc_end0:
.L_simem_size_0:
called_computation_lowered:
.L_overlay_start_0:
0x88: {  	s2 =	sld [smem:$0x3FD9]  }
0x89: {  	s3 =	sld [smem:$0x3FFE];
	_ =	sdelay $0x1  }
0x8a: {  	s1 =	srdreg.scid  }
0x8b: {  	s0 =	sand.u32 $0x1, s1  }
0x8c: {  	s17 =	sshll.u32 s0, $0xA;
	s2 =	sadd.s32 s3, s2  }
0x8d: {  	s2 =	sadd.s32 s2, s17  }
0x8e: {  	[smem:$0x3FC4] =	sst s2  }
0x8f: {  	_ = 	snop  }
0x90: {  	s2 =	sld [smem:$0x3FC9]  }
0x91: {  	s18 =	sld [smem:$0x3FC8]  }
0x92: {  	s4 =	sld [smem:$0x3FD0];
	(tm) =	ssettm $0x1  }
0x93: {  	s5 =	sld [smem:$0x3FFB];
	_ =	sdelay $0x3  }
0x94: {  	_ =	strace s5  }
0x95: {  	s5 =	sld [smem:$0x3FFC];
	_ =	sdelay $0x3  }
0x96: {  	_ =	strace s5  }
0x97: {  	s5 =	sld [smem:$0x3FFD];
	_ =	sdelay $0x3  }
0x98: {  	_ =	strace s5  }
0x99: {  	_ =	strace $0x8FFFFFFF  }
0x9a: {  	s19 =	sld [smem:$0x3FDB];
	_ =	sdelay $0x1  }
0x9b: {  	s6 =	simm.s32 $_scs_section_size  }
0x9c: {  	s7 =	simm.s32 $_size__tile_overlayer_lowered;
	s8 =	simm.s32 $_tile_overlayer_lowered  }
0x9d: {  	s22 =	simm.s32 $0x1BFF;
	s21 =	sshll.u32 s8, $0x1;
	s5 =	sadd.s32 s6, s19  }
0x9e: {  	s9 =	simm.s32 $0x0;
	s20 =	sshll.u32 s7, $0x1;
	s7 =	sadd.s32 s21, s5  }
0x9f: {  	[timem:s9], [sflag:s22] =	dma.local [hbm:s7], s20  }
0xa0: {  	_ =	swait.ge [sflag:s22], s20  }
0xa1: {  	s6 =	ssub.s32 $0x0, s20;
	[sflag:s22] =	ssyncset.done $0x0  }
0xa2: {  	[sflag:s22] =	ssyncadd.s32 s6;
	_ =	sdelay $0x1  }
0xa3: {  	s23 =	simm.s32 $0x1B8B  }
0xa4: {  	_ =	swait.ge [sflag:s23], $0x1  }
0xa5: {  	[sflag:s23] =	ssyncset.done $0x0  }
0xa6: {  	s25 =	simm.s32 $0x1B8E;
	s24 =	sld [smem:$0x3FFE];
	[sflag:s23] =	ssyncadd.s32 $0xFFFFFFFF  }
0xa7: {  	s26 =	simm.s32 $execute0_lowered;
	[smem:$0x3FD2] =	sst s25  }
0xa8: {  	s7 =	sshll.u32 s26, $0x1;
	_ =	strace $0x80000046;
	[dreg:$0x1] =	wrdreg $0xFFFFFFFF  }
0xa9: {  	s28 =	simm.s32 $_size_execute0_lowered;
	s5 =	sadd.s32 s5, s7;
	[dreg:$0x0] =	wrdreg $0x0  }
0xaa: {  	s7 =	sshll.u32 s28, $0x1;
	[dreg:$0x2] =	wrdreg s5  }
0xab: {  	[dreg:$0x3] =	wrdreg s7  }
0xac: {  	[dreg:$0x4] =	wrdreg $0xC0  }
0xad: {  	_ =	task [dreg:s9], $0x5FFFF  }
0xae: {  	[dreg:$0x1] =	wrdreg $0xFFFFFFFF  }
0xaf: {  	[dreg:$0x0] =	wrdreg $0x60  }
0xb0: {  	[dreg:$0x2] =	wrdreg s2  }
0xb1: {  	[dreg:$0x3] =	wrdreg s18  }
0xb2: {  	[dreg:$0x4] =	wrdreg s24  }
0xb3: {  	[dreg:$0x5] =	wrdreg s4  }
0xb4: {  	[dreg:$0x6] =	wrdreg $0x9  }
0xb5: {  	_ =	task.clear_ibuf [dreg:s9], $0x7FFFF;
	_ =	strace $0x90000046  }
0xb6: {  	s29 =	simm.s32 $0x9;
	_ =	strace $0x80000048  }
0xb7: {  	_ =	swait.ge [sflag:s29], $0x1  }
0xb8: {  	[sflag:s29] =	ssyncadd.s32 $0xFFFFFFFF  }
0xb9: {  	_ =	strace $0x90000048  }
0xba: {  	_ =	sfence  }
0xbb: {  	s30 =	sld [smem:$0x0];
	_ =	sdelay $0x2  }
0xbc: {  	s31 =	sshll.u32 s1, $0xD;
	s1 =	sshrl.u32 s1, $0x2  }
0xbd: {  	s3 =	sand.u32 $0x4000, s31;
	s1 =	sadd.s32 s1, s30  }
0xbe: {  	s0 =	sor.u32 s3, s0;
	s1 =	sshll.u32 s1, $0x11  }
0xbf: {  	s0 =	sor.u32 s1, s0  }
0xc0: {  	s0 =	sadd.s32 $0x8F2B, s0  }
0xc1: {  	[sflag:s0] =	ssyncadd.remote.s32 $0x1  }
0xc2: {  	_ =	sfence.sel $0xFFFF  }
0xc3: {  	[dreg:$0x0] =	wrdreg $0xFFFFFFFF;
	(pc) =	sbr.abs _section_cstart, $3  }
0xc4: {  	[dreg:$0x1] =	wrdreg $0xFFFFFFFF  }
0xc5: {  	_ =	task.clear_ibuf [dreg:s9], $0x2FFFF;
	_ =	strace $0x9FFFFFFF  }
0xc6: {  	(tm) =	ssettm $0x7FFFFFFF  }
0xc7: {  	_ =	shalt  }
tec
execute0_lowered:
.L_overlay_start_1:
0x0: {  	(tag) =	ssettag $0x1  }
0x1: {  	v0 =	vlaneseq.u32;
	v17 =	vimm.s32 $0x14131211;
	v18 =	vimm.s32 $0x18171615  }
0x2: {  	v19 =	vimm.s32 $0x1C1B1A19;
	v21 =	vimm.s32 $0x19181716;
	vm0 =	vcmask $0x1F10  }
0x3: {  	v22 =	vimm.s32 $0x1D1C1B1A;
	v24 =	vimm.s32 $0x16151413;
	v26 =	vimm.s32 $0x1A191817  }
0x4: {  	v29 =	vimm.s32 $0x201001F;
	v30 =	vimm.s32 $0x3020100;
	v31 =	vimm.s32 $0x1F1E1D1C  }
0x5: {  	v32 =	vimm.s32 $0x17161514;
	v33 =	vimm.s32 $0x1B1A1918;
	v53 =	vimm.s32 $0x4030201  }
0x6: {  	v54 =	vimm.s32 $0x5040302;
	v38 =	vimm.s32 $0x6050403;
	v55 =	vimm.s32 $0x98765432  }
0x7: {  	v56 =	vimm.s32 $0xA9876543;
	v57 =	vimm.s32 $0x32107654;
	v59 =	vimm.s32 $0x43218765  }
0x8: {  	v60 =	vimm.s32 $0x54329876;
	v61 =	vimm.s32 $0x6543A987;
	vm15 =	vcmask $0x2F10  }
0x9: {  	vm1 =	vcmask $0x3F30;
	v1 =	vmul.u32 $0x80, v0;
	v2 =	vadd.s32 $0x1, v0  }
0xa: {  	v3 =	vadd.s32 $0x2, v0;
	v4 =	vadd.s32 $0x3, v0;
	v5 =	vadd.s32 $0x4, v0  }
0xb: {  	v6 =	vadd.s32 $0x5, v0;
	v7 =	vadd.s32 $0x6, v0;
	v8 =	vadd.s32 $0x7, v0  }
0xc: {  	v9 =	vadd.s32 $0x8, v0;
	v10 =	vadd.s32 $0x9, v0;
	v11 =	vadd.s32 $0xA, v0  }
0xd: {  	v12 =	vadd.s32 $0xB, v0;
	v13 =	vadd.s32 $0xC, v0;
	v14 =	vadd.s32 $0xD, v0  }
0xe: {  	v15 =	vadd.s32 $0xE, v0;
	v17 =	vunpack.c.0.s8.s32 v17;
	v20 =	vunpack.c.0.s8.s32 v18  }
0xf: {  	v19 =	vunpack.c.0.s8.s32 v19;
	v18 =	vimm.s32 $0x1F1E1D;
	v21 =	vunpack.c.0.s8.s32 v21  }
0x10: {  	v22 =	vunpack.c.0.s8.s32 v22;
	v27 =	vunpack.c.0.s8.s32 v18;
	v18 =	vimm.s32 $0x15141312  }
0x11: {  	v29 =	vunpack.c.0.s8.s32 v29;
	v30 =	vunpack.c.0.s8.s32 v30;
	v18 =	vunpack.c.0.s8.s32 v18  }
0x12: {  	v31 =	vunpack.c.0.s8.s32 v31;
	v32 =	vunpack.c.0.s8.s32 v32;
	v33 =	vunpack.c.0.s8.s32 v33  }
0x13: {  	v17 =	vsel vm0, v20, v17;
	v23 =	vsel vm0, v21, v18;
	v18 =	vimm.s32 $0x1001F1E  }
0x14: {  	v37 =	vsel vm0, v19, v20;
	v25 =	vsel vm0, v27, v19;
	v28 =	vunpack.c.0.s8.s32 v18  }
0x15: {  	v18 =	vunpack.c.0.s8.s32 v24;
	v24 =	vunpack.c.0.s8.s32 v26;
	v26 =	vimm.s32 $0x1E1D1C1B  }
0x16: {  	v17 =	vcombine.low v17, v25;
	v26 =	vunpack.c.0.s8.s32 v26;
	v34 =	vsel vm0, v28, v22  }
0x17: {  	v35 =	vsel vm0, v24, v18;
	v18 =	vsel vm0, v30, v31;
	v30 =	vsel vm0, v33, v32  }
0x18: {  	v32 =	vunpack.c.0.s8.s32 v54;
	v22 =	vsel vm0, v22, v21;
	v36 =	vsel vm0, v29, v26  }
0x19: {  	v18 =	vcombine.low v30, v18;
	v30 =	vunpack.c.0.s8.s32 v53;
	v19 =	vcombine.low v23, v34  }
0x1a: {  	v23 =	vunpack.c.0.s8.s32 v38;
	v24 =	vsel vm0, v26, v24;
	v26 =	vimm.s32 $0x76543210  }
0x1b: {  	v20 =	vcombine.low v35, v36;
	v32 =	vsel vm0, v32, v28;
	v30 =	vsel vm0, v30, v27  }
0x1c: {  	v26 =	vunpack.c.l.s4.s8 v26;
	v21 =	vcombine.low v37, v30;
	v30 =	vimm.s32 $0x87654321  }
0x1d: {  	v22 =	vcombine.low v22, v32;
	v23 =	vsel vm0, v23, v29;
	v30 =	vunpack.c.l.s4.s8 v30  }
0x1e: {  	v32 =	vunpack.c.l.s4.s8 v55;
	v23 =	vcombine.low v24, v23;
	v26 =	vunpack.c.0.s8.s32 v26  }
0x1f: {  	v24 =	vsel vm0, v31, v33;
	v33 =	vunpack.c.l.s4.s8 v56;
	v30 =	vunpack.c.0.s8.s32 v30  }
0x20: {  	v35 =	vunpack.c.l.s4.s8 v61;
	v32 =	vunpack.c.0.s8.s32 v32;
	v24 =	vcombine.low v24, v26  }
0x21: {  	v58 =	vunpack.c.0.s8.s32 v33;
	v26 =	vand.u32 $0xF, v30;
	v30 =	vunpack.c.l.s4.s8 v57  }
0x22: {  	s0 =	rddreg [dreg:$0x0];
	v33 =	vunpack.c.l.s4.s8 v59;
	v25 =	vcombine.low v25, v26;
	v26 =	vand.u32 $0xF, v32  }
0x23: {  	s2 =	rddreg [dreg:$0x1];
	v26 =	vcombine.low v34, v26;
	v30 =	vunpack.c.0.s8.s32 v30;
	v34 =	vunpack.c.l.s4.s8 v60  }
0x24: {  	s4 =	rddreg [dreg:$0x2];
	s3 =	srdreg.scid;
	v16 =	vadd.s32 $0xF, v0;
	v35 =	vunpack.c.0.s8.s32 v35;
	v33 =	vunpack.c.0.s8.s32 v33  }
0x25: {  	s1 =	simm.s32 $0x0;
	s7 =	stileid.u32;
	s3 =	sand.u32 $0x1, s3;
	v32 =	vand.u32 $0xF, v58;
	v30 =	vand.u32 $0xF, v30;
	v34 =	vunpack.c.0.s8.s32 v34  }
0x26: {  	[smem:$0x7FF] =	sst s1;
	s7 =	sshll.u32 s7, $0x7;
	s8 =	sshll.u32 s3, $0x6;
	v33 =	vand.u32 $0xF, v33;
	v30 =	vsel vm15, v30, v31;
	v31 =	vimm.s32 $0xB0A0908  }
0x27: {  	s5 =	rddreg [dreg:$0x3];
	_ =	strace $0x80000047;
	s7 =	sor.u32 s8, s7;
	v33 =	vsel vm15, v33, v27;
	v31 =	vunpack.c.0.s8.s32 v31;
	v27 =	vand.u32 $0xF, v34  }
0x28: {  	s6 =	ssub.s32 $0x2, s3;
	s3 =	sadd.s32 $0xF42A00, s4;
	s0 =	sadd.s32 s0, s7;
	v34 =	vsel vm15, v27, v28;
	v27 =	vimm.s32 $0xC0B0A09;
	v28 =	vand.u32 $0xF, v35  }
0x29: {  	s9 =	sshrl.u32 s6, $0x1;
	s29 =	sadd.s32 s2, s7;
	[dreg:$0x15] =	wrdreg s0;
	v35 =	vsel vm15, v28, v29;
	v28 =	vimm.s32 $0xD0C0B0A;
	v29 =	vimm.s32 $0xE0D0C0B  }
0x2a: {  	s6 =	ssub.s32 s6, s9;
	s30 =	sadd.s32 s5, s7;
	[dreg:$0x16] =	wrdreg s29;
	v62 =	vunpack.c.0.s8.s32 v27;
	v63 =	vunpack.c.0.s8.s32 v28;
	v39 =	vunpack.c.0.s8.s32 v29  }
0x2b: {  	s4 =	sadd.s32 $0x187000, s4;
	[dreg:$0x17] =	wrdreg s30;
	s31 =	smax.u32 s6, $0x1;
	v27 =	vcombine.low v36, v32;
	v28 =	vor.u32 $0x10, v0;
	v29 =	vsel vm1, v31, v30  }
0x2c: {  	s5 =	simm.s32 $0x2;
	s2 =	simm.s32 $0x0;
	[dreg:$0x18] =	wrdreg s31;
	v30 =	vsel vm1, v62, v33;
	v31 =	vsel vm1, v63, v34;
	v32 =	vsel vm1, v39, v35  }
.LBB2_1:
0x2d: {  	[dreg:$0x19] =	wrdreg s2  }
0x2e: {  	s0 =	rddreg [dreg:$0x15]  }
0x2f: {  	[tilespmem:s1], [sflag:$0x2] =	stream.linear.gather [hbm4b:s0+s1], $0x200, $0x38;
	[tilespmem:$0x10600] =	vst v63  }
0x30: {  	_ =	swait.ge [sflag:s5], $0x200  }
0x31: {  	[sflag:s5] =	ssyncset.done $0x0  }
0x32: {  	s23 =	simm.s32 $0x200;
	s24 =	rddreg [dreg:$0x16];
	[sflag:s5] =	ssyncadd.s32 $0xFFFFFE00  }
0x33: {  	[tilespmem:s23], [sflag:$0x2] =	stream.linear.gather [hbm4b:s24+s1], $0x200, $0x38;
	[tilespmem:$0x10600] =	vst v63  }
0x34: {  	_ =	swait.ge [sflag:s5], $0x200  }
0x35: {  	[sflag:s5] =	ssyncset.done $0x0  }
0x36: {  	[sflag:s5] =	ssyncadd.s32 $0xFFFFFE00  }
0x37: {  	v33 =	vld [tilespmem:s23+$0x0]  }
0x38: {  	v34 =	vld [tilespmem:s1+$0x0];
	_ =	sdelay $0x3  }
0x39: {  	v33 =	vshrl.u32 v33, $0x2  }
0x3a: {  	v34 =	vshrl.u32 v34, $0x2;
	v33 =	vshll.u32 v33, $0x4  }
0x3b: {  	v34 =	vshll.u32 v34, $0x4;
	(v2sf) =	vpush v33, $0x0  }
0x3c: {  	(v2sf) =	vpush v34, $0x0  }
0x3d: {  	(v2sf) =	vpush v34, $0x1  }
0x3e: {  	(v2sf) =	vpush v33, $0x1;
	_ =	sdelay $0x1  }
0x3f: {  	(v2sf) =	vpush v34, $0x2;
	_ =	sdelay $0x3  }
0x40: {  	(v2sf) =	vpush v33, $0x2;
	_ =	sdelay $0x1  }
0x41: {  	s15 =	simm.s32 $0x2000;
	(v2sf) =	vpush v34, $0x3  }
0x42: {  	s16 =	simm.s32 $0x0;
	s25 =	simm.s32 $0x8400;
	s6 =	simm.s32 $0x680  }
0x43: {  	s2 =	simm.s32 $0x880;
	s8 =	simm.s32 $0x400;
	s9 =	simm.s32 $0x600  }
0x44: {  	s11 =	simm.s32 $0x580;
	s28 =	simm.s32 $0x8580;
	s30 =	simm.s32 $0x480  }
0x45: {  	s13 =	simm.s32 $0x500;
	s19 =	simm.s32 $0x8500;
	s7 =	spop (v2sf);
	(v2sf) =	vpush v33, $0x3  }
0x46: {  	s22 =	simm.s32 $0x8600;
	s0 =	simm.s32 $0x8900;
	s26 =	spop (v2sf)  }
0x47: {  	(v2sf) =	vpush v34, $0x4;
	s7 =	sand.u32 $0x1FFFFFF0, s7;
	s10 =	sand.u32 $0x1FFFFFF0, s26;
	s29 =	spop (v2sf)  }
0x48: {  	(v2sf) =	vpush v33, $0x4;
	s7 =	sadd.s32 s4, s7;
	s10 =	sadd.s32 s3, s10;
	s12 =	spop (v2sf)  }
0x49: {  	[tilespmem:s8], [sflag:$0x1] =	stream.linear.gather [hbm4b:s10+s1], $0x80, $0x38;
	[tilespmem:$0x10600] =	vst v63  }
0x4a: {  	s10 =	sand.u32 $0x1FFFFFF0, s29;
	s31 =	sand.u32 $0x1FFFFFF0, s12;
	s12 =	spop (v2sf)  }
0x4b: {  	(v2sf) =	vpush v34, $0x5;
	[tilespmem:s25], [sflag:$0x1] =	stream.linear.gather [hbm4b:s7+s1], $0x80, $0x38;
	[tilespmem:$0x10600] =	vst v63  }
0x4c: {  	s5 =	simm.s32 $0x8980;
	s10 =	sadd.s32 s3, s10;
	s14 =	sand.u32 $0x1FFFFFF0, s12  }
0x4d: {  	(v2sf) =	vpush v33, $0x5;
	[tilespmem:s30], [sflag:$0x1] =	stream.linear.gather [hbm4b:s10+s1], $0x80, $0x38;
	[tilespmem:$0x10600] =	vst v63  }
0x4e: {  	s17 =	spop (v2sf);
	s7 =	sadd.s32 s4, s31;
	s10 =	simm.s32 $0x8480  }
0x4f: {  	(v2sf) =	vpush v34, $0x6;
	[tilespmem:s10], [sflag:$0x1] =	stream.linear.gather [hbm4b:s7+s1], $0x80, $0x38;
	[tilespmem:$0x10600] =	vst v63  }
0x50: {  	s18 =	spop (v2sf);
	s10 =	sand.u32 $0x1FFFFFF0, s17;
	s7 =	sadd.s32 s3, s14  }
0x51: {  	(v2sf) =	vpush v33, $0x6;
	[tilespmem:s13], [sflag:$0x1] =	stream.linear.gather [hbm4b:s7+s1], $0x80, $0x38;
	[tilespmem:$0x10600] =	vst v63  }
0x52: {  	s20 =	sand.u32 $0x1FFFFFF0, s18;
	s18 =	simm.s32 $0x8700;
	s10 =	sadd.s32 s4, s10  }
0x53: {  	[tilespmem:s19], [sflag:$0x1] =	stream.linear.gather [hbm4b:s10+s1], $0x80, $0x38;
	[tilespmem:$0x10600] =	vst v63  }
0x54: {  	s30 =	simm.s32 $0x700;
	s7 =	sadd.s32 s3, s20;
	s21 =	spop (v2sf)  }
0x55: {  	(v2sf) =	vpush v34, $0x7;
	[tilespmem:s11], [sflag:$0x1] =	stream.linear.gather [hbm4b:s7+s1], $0x80, $0x38;
	[tilespmem:$0x10600] =	vst v63  }
0x56: {  	s13 =	simm.s32 $0xA00;
	s10 =	sand.u32 $0x1FFFFFF0, s21;
	s23 =	spop (v2sf)  }
0x57: {  	s20 =	simm.s32 $0x8A00;
	(v2sf) =	vpush v33, $0x7;
	s24 =	spop (v2sf);
	s10 =	sadd.s32 s4, s10  }
0x58: {  	(v2sf) =	vpush v34, $0x8;
	[tilespmem:s28], [sflag:$0x1] =	stream.linear.gather [hbm4b:s10+s1], $0x80, $0x38;
	[tilespmem:$0x10600] =	vst v63  }
0x59: {  	s11 =	sand.u32 $0x1FFFFFF0, s23;
	s23 =	simm.s32 $0x780;
	s25 =	sand.u32 $0x1FFFFFF0, s24  }
0x5a: {  	s26 =	sadd.s32 s3, s11;
	s28 =	simm.s32 $0x8680;
	s29 =	spop (v2sf);
	(v2sf) =	vpush v33, $0x8  }
0x5b: {  	(v2sf) =	vpush v34, $0x9;
	[tilespmem:s9], [sflag:$0x1] =	stream.linear.gather [hbm4b:s26+s1], $0x80, $0x38;
	[tilespmem:$0x10600] =	vst v63  }
0x5c: {  	s8 =	sadd.s32 s4, s25;
	s31 =	sand.u32 $0x1FFFFFF0, s29;
	s11 =	spop (v2sf)  }
0x5d: {  	[tilespmem:s22], [sflag:$0x1] =	stream.linear.gather [hbm4b:s8+s1], $0x80, $0x38;
	[tilespmem:$0x10600] =	vst v63  }
0x5e: {  	s10 =	sand.u32 $0x1FFFFFF0, s11;
	s12 =	spop (v2sf);
	s8 =	sadd.s32 s3, s31  }
0x5f: {  	(v2sf) =	vpush v33, $0x9;
	[tilespmem:s6], [sflag:$0x1] =	stream.linear.gather [hbm4b:s8+s1], $0x80, $0x38;
	[tilespmem:$0x10600] =	vst v63  }
0x60: {  	s14 =	sand.u32 $0x1FFFFFF0, s12;
	s10 =	sadd.s32 s4, s10;
	s17 =	spop (v2sf)  }
0x61: {  	(v2sf) =	vpush v34, $0xA;
	[tilespmem:s28], [sflag:$0x1] =	stream.linear.gather [hbm4b:s10+s1], $0x80, $0x38;
	[tilespmem:$0x10600] =	vst v63  }
0x62: {  	s25 =	simm.s32 $0x8780;
	s19 =	sand.u32 $0x1FFFFFF0, s17;
	s8 =	sadd.s32 s3, s14  }
0x63: {  	(v2sf) =	vpush v33, $0xA;
	[tilespmem:s30], [sflag:$0x1] =	stream.linear.gather [hbm4b:s8+s1], $0x80, $0x38;
	[tilespmem:$0x10600] =	vst v63  }
0x64: {  	s11 =	simm.s32 $0x8880;
	s8 =	sadd.s32 s4, s19;
	s21 =	spop (v2sf)  }
0x65: {  	[tilespmem:s18], [sflag:$0x1] =	stream.linear.gather [hbm4b:s8+s1], $0x80, $0x38;
	[tilespmem:$0x10600] =	vst v63  }
0x66: {  	s17 =	simm.s32 $0x10;
	s9 =	sand.u32 $0x1FFFFFF0, s21;
	s22 =	spop (v2sf)  }
0x67: {  	s6 =	simm.s32 $0x980;
	(v2sf) =	vpush v34, $0xB;
	s9 =	sadd.s32 s3, s9;
	s26 =	spop (v2sf)  }
0x68: {  	[tilespmem:s23], [sflag:$0x1] =	stream.linear.gather [hbm4b:s9+s1], $0x80, $0x38;
	[tilespmem:$0x10600] =	vst v63  }
0x69: {  	s28 =	simm.s32 $0x800;
	s24 =	sand.u32 $0x1FFFFFF0, s22;
	(v2sf) =	vpush v33, $0xB;
	s30 =	spop (v2sf)  }
0x6a: {  	s8 =	sadd.s32 s4, s24;
	(v2sf) =	vpush v34, $0xC;
	s29 =	sand.u32 $0x1FFFFFF0, s26;
	s31 =	spop (v2sf)  }
0x6b: {  	[tilespmem:s25], [sflag:$0x1] =	stream.linear.gather [hbm4b:s8+s1], $0x80, $0x38;
	[tilespmem:$0x10600] =	vst v63  }
0x6c: {  	s9 =	sand.u32 $0x1FFFFFF0, s30;
	(v2sf) =	vpush v33, $0xC;
	s8 =	sadd.s32 s3, s29;
	s10 =	sand.u32 $0x1FFFFFF0, s31  }
0x6d: {  	(v2sf) =	vpush v34, $0xD;
	[tilespmem:s28], [sflag:$0x1] =	stream.linear.gather [hbm4b:s8+s1], $0x80, $0x38;
	[tilespmem:$0x10600] =	vst v63  }
0x6e: {  	s9 =	sadd.s32 s4, s9;
	s12 =	spop (v2sf);
	s8 =	simm.s32 $0x8800  }
0x6f: {  	(v2sf) =	vpush v33, $0xD;
	[tilespmem:s8], [sflag:$0x1] =	stream.linear.gather [hbm4b:s9+s1], $0x80, $0x38;
	[tilespmem:$0x10600] =	vst v63  }
0x70: {  	s18 =	sand.u32 $0x1FFFFFF0, s12;
	s19 =	spop (v2sf);
	s8 =	sadd.s32 s3, s10  }
0x71: {  	[tilespmem:s2], [sflag:$0x1] =	stream.linear.gather [hbm4b:s8+s1], $0x80, $0x38;
	[tilespmem:$0x10600] =	vst v63  }
0x72: {  	s21 =	spop (v2sf);
	s9 =	sand.u32 $0x1FFFFFF0, s19;
	s8 =	sadd.s32 s4, s18  }
0x73: {  	[tilespmem:s11], [sflag:$0x1] =	stream.linear.gather [hbm4b:s8+s1], $0x80, $0x38;
	[tilespmem:$0x10600] =	vst v63  }
0x74: {  	s14 =	simm.s32 $0x900;
	s22 =	sand.u32 $0x1FFFFFF0, s21;
	s23 =	sadd.s32 s3, s9  }
0x75: {  	[tilespmem:s14], [sflag:$0x1] =	stream.linear.gather [hbm4b:s23+s1], $0x80, $0x38;
	[tilespmem:$0x10600] =	vst v63  }
0x76: {  	s21 =	simm.s32 $0x8B00;
	s7 =	sadd.s32 s4, s22;
	s24 =	spop (v2sf)  }
0x77: {  	[tilespmem:s0], [sflag:$0x1] =	stream.linear.gather [hbm4b:s7+s1], $0x80, $0x38;
	[tilespmem:$0x10600] =	vst v63  }
0x78: {  	s22 =	simm.s32 $0xB00;
	s25 =	sand.u32 $0x1FFFFFF0, s24;
	s26 =	spop (v2sf)  }
0x79: {  	s0 =	sadd.s32 s3, s25;
	s2 =	sand.u32 $0x1FFFFFF0, s26;
	s28 =	spop (v2sf)  }
0x7a: {  	[tilespmem:s6], [sflag:$0x1] =	stream.linear.gather [hbm4b:s0+s1], $0x80, $0x38;
	[tilespmem:$0x10600] =	vst v63  }
0x7b: {  	(v2sf) =	vpush v34, $0xE;
	s18 =	simm.s32 $0x210;
	s29 =	spop (v2sf);
	s2 =	sadd.s32 s4, s2  }
0x7c: {  	(v2sf) =	vpush v33, $0xE;
	s30 =	sand.u32 $0x1FFFFFF0, s28;
	s0 =	sand.u32 $0x1FFFFFF0, s29;
	s31 =	spop (v2sf)  }
0x7d: {  	(v2sf) =	vpush v34, $0xF;
	[tilespmem:s5], [sflag:$0x1] =	stream.linear.gather [hbm4b:s2+s1], $0x80, $0x38;
	[tilespmem:$0x10600] =	vst v63  }
0x7e: {  	(v2sf) =	vpush v33, $0xF;
	s6 =	sadd.s32 s3, s30;
	s2 =	sand.u32 $0x1FFFFFF0, s31;
	s5 =	spop (v2sf)  }
.LBB2_2:
0x7f: {  	_ =	sdelay $0x3  }
0x80: {  	[tilespmem:s13], [sflag:$0x1] =	stream.linear.gather [hbm4b:s6+s1], $0x80, $0x38;
	[tilespmem:$0x10600] =	vst v63  }
0x81: {  	s0 =	sadd.s32 s4, s0  }
0x82: {  	[tilespmem:s20], [sflag:$0x1] =	stream.linear.gather [hbm4b:s0+s1], $0x80, $0x38;
	[tilespmem:$0x10600] =	vst v63  }
0x83: {  	s19 =	sadd.s32 $0xA80, s16;
	s23 =	sadd.s32 s3, s2;
	s24 =	sand.u32 $0x1FFFFFF0, s5  }
0x84: {  	[tilespmem:s19], [sflag:$0x1] =	stream.linear.gather [hbm4b:s23+s1], $0x80, $0x38;
	[tilespmem:$0x10600] =	vst v63  }
0x85: {  	s26 =	sadd.s32 $0x8A80, s16;
	s2 =	sadd.s32 s4, s24  }
0x86: {  	[tilespmem:s26], [sflag:$0x1] =	stream.linear.gather [hbm4b:s2+s1], $0x80, $0x38;
	[tilespmem:$0x10600] =	vst v63  }
0x87: {  	s7 =	spop (v2sf)  }
0x88: {  	s25 =	sand.u32 $0x1FFFFFF0, s7;
	s28 =	spop (v2sf)  }
0x89: {  	s29 =	sadd.s32 s3, s25;
	s30 =	sand.u32 $0x1FFFFFF0, s28;
	s31 =	spop (v2sf)  }
0x8a: {  	[tilespmem:s22], [sflag:$0x1] =	stream.linear.gather [hbm4b:s29+s1], $0x80, $0x38;
	[tilespmem:$0x10600] =	vst v63  }
0x8b: {  	s2 =	sadd.s32 s4, s30;
	s5 =	sand.u32 $0x1FFFFFF0, s31;
	s6 =	spop (v2sf)  }
0x8c: {  	[tilespmem:s21], [sflag:$0x1] =	stream.linear.gather [hbm4b:s2+s1], $0x80, $0x38;
	[tilespmem:$0x10600] =	vst v63  }
0x8d: {  	s7 =	sadd.s32 $0xB80, s16;
	s2 =	sadd.s32 s3, s5;
	s5 =	sand.u32 $0x1FFFFFF0, s6  }
0x8e: {  	[tilespmem:s7], [sflag:$0x1] =	stream.linear.gather [hbm4b:s2+s1], $0x80, $0x38;
	[tilespmem:$0x10600] =	vst v63  }
0x8f: {  	s8 =	sadd.s32 $0x8B80, s16;
	s9 =	sadd.s32 s4, s5  }
0x90: {  	[tilespmem:s8], [sflag:$0x1] =	stream.linear.gather [hbm4b:s9+s1], $0x80, $0x38;
	[tilespmem:$0x10600] =	vst v63  }
0x91: {  	v33 =	vld [tilespmem:s18+$0x0]  }
0x92: {  	v34 =	vld [tilespmem:s17+$0x0];
	_ =	sdelay $0x3  }
0x93: {  	v33 =	vshrl.u32 v33, $0x2  }
0x94: {  	v34 =	vshrl.u32 v34, $0x2;
	v33 =	vshll.u32 v33, $0x4  }
0x95: {  	v34 =	vshll.u32 v34, $0x4;
	(v2sf) =	vpush v33, $0x0  }
0x96: {  	s10 =	smov.u32 s15;
	(v2sf) =	vpush v34, $0x0  }
0x97: {  	s16 =	sshra.s32 s10, $0x2;
	(v2sf) =	vpush v34, $0x1  }
0x98: {  	p0 =	sne.s32 s15, $0x1E000;
	s15 =	sadd.s32 $0x2000, s15;
	s19 =	sadd.s32 $0x8400, s16;
	(v2sf) =	vpush v33, $0x1  }
0x99: {  	s0 =	sadd.s32 $0x680, s16;
	s11 =	sadd.s32 $0x880, s16;
	s24 =	sadd.s32 $0x400, s16  }
0x9a: {  	s12 =	sadd.s32 $0x8900, s16;
	s14 =	sadd.s32 $0x580, s16;
	s10 =	sadd.s32 $0x8580, s16;
	(v2sf) =	vpush v34, $0x2  }
0x9b: {  	s13 =	sadd.s32 $0x8980, s16;
	s20 =	sadd.s32 $0xA00, s16;
	[dreg:$0xb] =	wrdreg s11  }
0x9c: {  	s23 =	sadd.s32 $0x8480, s16;
	s25 =	sadd.s32 $0x900, s16;
	[dreg:$0x7] =	wrdreg s12;
	(v2sf) =	vpush v33, $0x2  }
0x9d: {  	s26 =	sadd.s32 $0x8800, s16;
	[dreg:$0x5] =	wrdreg s13;
	s12 =	sadd.s32 $0x500, s16  }
0x9e: {  	[dreg:$0x13] =	wrdreg s20;
	s11 =	sadd.s32 $0x8500, s16;
	s20 =	sadd.s32 $0x8A00, s16;
	(v2sf) =	vpush v34, $0x3  }
0x9f: {  	s22 =	sadd.s32 $0x8880, s16;
	[dreg:$0xd] =	wrdreg s25;
	s13 =	sadd.s32 $0x780, s16  }
0xa0: {  	[dreg:$0x11] =	wrdreg s26;
	s25 =	sadd.s32 $0x480, s16;
	s31 =	sadd.s32 $0x800, s16;
	(v2sf) =	vpush v33, $0x3  }
0xa1: {  	[dreg:$0xf] =	wrdreg s22;
	s22 =	sadd.s32 $0xB00, s16;
	s21 =	sadd.s32 $0x980, s16  }
0xa2: {  	s6 =	sadd.s32 $0x700, s16;
	[dreg:$0x9] =	wrdreg s21;
	s5 =	sadd.s32 $0x8700, s16;
	(v2sf) =	vpush v34, $0x4  }
0xa3: {  	s21 =	sadd.s32 $0x8B00, s16;
	s7 =	sadd.s32 $0x8680, s16;
	s2 =	sadd.s32 $0x8780, s16  }
0xa4: {  	s8 =	sadd.s32 $0x600, s16;
	s9 =	sadd.s32 $0x8600, s16;
	s28 =	spop (v2sf);
	(v2sf) =	vpush v33, $0x4  }
0xa5: {  	s17 =	sadd.s32 $0x10, s17;
	s18 =	sadd.s32 $0x10, s18;
	s29 =	spop (v2sf)  }
0xa6: {  	s26 =	sand.u32 $0x1FFFFFF0, s28;
	s28 =	sand.u32 $0x1FFFFFF0, s29;
	s29 =	spop (v2sf);
	(v2sf) =	vpush v34, $0x5  }
0xa7: {  	s28 =	sadd.s32 s3, s28;
	s29 =	sand.u32 $0x1FFFFFF0, s29;
	s30 =	spop (v2sf)  }
0xa8: {  	(v2sf) =	vpush v33, $0x5;
	[tilespmem:s24], [sflag:$0x1] =	stream.linear.gather [hbm4b:s28+s1], $0x80, $0x38;
	[tilespmem:$0x10600] =	vst v63  }
0xa9: {  	s24 =	sadd.s32 s4, s26;
	s26 =	sand.u32 $0x1FFFFFF0, s30;
	s30 =	spop (v2sf);
	(v2sf) =	vpush v34, $0x6  }
0xaa: {  	[tilespmem:s19], [sflag:$0x1] =	stream.linear.gather [hbm4b:s24+s1], $0x80, $0x38;
	[tilespmem:$0x10600] =	vst v63  }
0xab: {  	s29 =	sadd.s32 s3, s29;
	s24 =	sand.u32 $0x1FFFFFF0, s30;
	s30 =	spop (v2sf);
	(v2sf) =	vpush v33, $0x6  }
0xac: {  	[tilespmem:s25], [sflag:$0x1] =	stream.linear.gather [hbm4b:s29+s1], $0x80, $0x38;
	[tilespmem:$0x10600] =	vst v63  }
0xad: {  	s26 =	sadd.s32 s4, s26;
	s29 =	sand.u32 $0x1FFFFFF0, s30;
	s30 =	spop (v2sf);
	(v2sf) =	vpush v34, $0x7  }
0xae: {  	[tilespmem:s23], [sflag:$0x1] =	stream.linear.gather [hbm4b:s26+s1], $0x80, $0x38;
	[tilespmem:$0x10600] =	vst v63  }
0xaf: {  	s24 =	sadd.s32 s3, s24;
	s28 =	sadd.s32 s4, s29;
	s26 =	spop (v2sf);
	(v2sf) =	vpush v33, $0x7  }
0xb0: {  	[tilespmem:s12], [sflag:$0x1] =	stream.linear.gather [hbm4b:s24+s1], $0x80, $0x38;
	[tilespmem:$0x10600] =	vst v63  }
0xb1: {  	s23 =	sand.u32 $0x1FFFFFF0, s30;
	s29 =	sand.u32 $0x1FFFFFF0, s26;
	s30 =	spop (v2sf);
	(v2sf) =	vpush v34, $0x8  }
0xb2: {  	[tilespmem:s11], [sflag:$0x1] =	stream.linear.gather [hbm4b:s28+s1], $0x80, $0x38;
	[tilespmem:$0x10600] =	vst v63  }
0xb3: {  	s23 =	sadd.s32 s3, s23;
	s25 =	sand.u32 $0x1FFFFFF0, s30;
	s26 =	spop (v2sf)  }
0xb4: {  	[tilespmem:s14], [sflag:$0x1] =	stream.linear.gather [hbm4b:s23+s1], $0x80, $0x38;
	[tilespmem:$0x10600] =	vst v63  }
0xb5: {  	s28 =	sadd.s32 s4, s29;
	(v2sf) =	vpush v33, $0x8;
	s29 =	sand.u32 $0x1FFFFFF0, s26;
	s30 =	spop (v2sf)  }
0xb6: {  	[tilespmem:s10], [sflag:$0x1] =	stream.linear.gather [hbm4b:s28+s1], $0x80, $0x38;
	[tilespmem:$0x10600] =	vst v63  }
0xb7: {  	s12 =	sadd.s32 s3, s25;
	(v2sf) =	vpush v34, $0x9;
	s24 =	sadd.s32 s4, s29;
	s23 =	spop (v2sf)  }
0xb8: {  	s19 =	sand.u32 $0x1FFFFFF0, s30;
	(v2sf) =	vpush v33, $0x9;
	s25 =	sand.u32 $0x1FFFFFF0, s23;
	s26 =	spop (v2sf)  }
0xb9: {  	[tilespmem:s8], [sflag:$0x1] =	stream.linear.gather [hbm4b:s12+s1], $0x80, $0x38;
	[tilespmem:$0x10600] =	vst v63  }
0xba: {  	s28 =	sadd.s32 s3, s19;
	s29 =	sand.u32 $0x1FFFFFF0, s26;
	s30 =	spop (v2sf)  }
0xbb: {  	(v2sf) =	vpush v34, $0xA;
	[tilespmem:s9], [sflag:$0x1] =	stream.linear.gather [hbm4b:s24+s1], $0x80, $0x38;
	[tilespmem:$0x10600] =	vst v63  }
0xbc: {  	s10 =	sadd.s32 s4, s25;
	s14 =	sadd.s32 s3, s29;
	s12 =	spop (v2sf)  }
0xbd: {  	(v2sf) =	vpush v33, $0xA;
	[tilespmem:s0], [sflag:$0x1] =	stream.linear.gather [hbm4b:s28+s1], $0x80, $0x38;
	[tilespmem:$0x10600] =	vst v63  }
0xbe: {  	s11 =	sand.u32 $0x1FFFFFF0, s30;
	s19 =	sand.u32 $0x1FFFFFF0, s12;
	s23 =	spop (v2sf)  }
0xbf: {  	(v2sf) =	vpush v34, $0xB;
	[tilespmem:s7], [sflag:$0x1] =	stream.linear.gather [hbm4b:s10+s1], $0x80, $0x38;
	[tilespmem:$0x10600] =	vst v63  }
0xc0: {  	s24 =	sadd.s32 s4, s11;
	s28 =	sadd.s32 s3, s19;
	s26 =	spop (v2sf)  }
0xc1: {  	[tilespmem:s6], [sflag:$0x1] =	stream.linear.gather [hbm4b:s14+s1], $0x80, $0x38;
	[tilespmem:$0x10600] =	vst v63  }
0xc2: {  	s25 =	sand.u32 $0x1FFFFFF0, s23;
	s23 =	rddreg [dreg:$0x11];
	s29 =	sand.u32 $0x1FFFFFF0, s26  }
0xc3: {  	(v2sf) =	vpush v33, $0xB;
	[tilespmem:s5], [sflag:$0x1] =	stream.linear.gather [hbm4b:s24+s1], $0x80, $0x38;
	[tilespmem:$0x10600] =	vst v63  }
0xc4: {  	s6 =	sadd.s32 s4, s25;
	s10 =	sadd.s32 s3, s29;
	s30 =	spop (v2sf)  }
0xc5: {  	(v2sf) =	vpush v34, $0xC;
	[tilespmem:s13], [sflag:$0x1] =	stream.linear.gather [hbm4b:s28+s1], $0x80, $0x38;
	[tilespmem:$0x10600] =	vst v63  }
0xc6: {  	s8 =	sand.u32 $0x1FFFFFF0, s30;
	s13 =	rddreg [dreg:$0x13];
	s9 =	spop (v2sf)  }
0xc7: {  	(v2sf) =	vpush v33, $0xC;
	s14 =	sadd.s32 s4, s8;
	s28 =	rddreg [dreg:$0xb];
	s12 =	spop (v2sf)  }
0xc8: {  	[tilespmem:s2], [sflag:$0x1] =	stream.linear.gather [hbm4b:s6+s1], $0x80, $0x38;
	[tilespmem:$0x10600] =	vst v63  }
0xc9: {  	(v2sf) =	vpush v34, $0xD;
	s8 =	rddreg [dreg:$0xf];
	s11 =	sand.u32 $0x1FFFFFF0, s9;
	s5 =	sand.u32 $0x1FFFFFF0, s12  }
0xca: {  	s19 =	spop (v2sf);
	s24 =	sadd.s32 s3, s11;
	s12 =	rddreg [dreg:$0xd]  }
0xcb: {  	(v2sf) =	vpush v33, $0xD;
	[tilespmem:s31], [sflag:$0x1] =	stream.linear.gather [hbm4b:s10+s1], $0x80, $0x38;
	[tilespmem:$0x10600] =	vst v63  }
0xcc: {  	s25 =	sand.u32 $0x1FFFFFF0, s19;
	s29 =	sadd.s32 s4, s5;
	s26 =	spop (v2sf)  }
0xcd: {  	[tilespmem:s23], [sflag:$0x1] =	stream.linear.gather [hbm4b:s14+s1], $0x80, $0x38;
	[tilespmem:$0x10600] =	vst v63  }
0xce: {  	s9 =	sadd.s32 s3, s25;
	s30 =	sand.u32 $0x1FFFFFF0, s26;
	s31 =	spop (v2sf)  }
0xcf: {  	[tilespmem:s28], [sflag:$0x1] =	stream.linear.gather [hbm4b:s24+s1], $0x80, $0x38;
	[tilespmem:$0x10600] =	vst v63  }
0xd0: {  	s14 =	sadd.s32 s4, s30;
	s10 =	sand.u32 $0x1FFFFFF0, s31;
	s31 =	rddreg [dreg:$0x5]  }
0xd1: {  	[tilespmem:s8], [sflag:$0x1] =	stream.linear.gather [hbm4b:s29+s1], $0x80, $0x38;
	[tilespmem:$0x10600] =	vst v63  }
0xd2: {  	s11 =	spop (v2sf);
	s24 =	rddreg [dreg:$0x7];
	s25 =	sadd.s32 s3, s10  }
0xd3: {  	[tilespmem:s12], [sflag:$0x1] =	stream.linear.gather [hbm4b:s9+s1], $0x80, $0x38;
	[tilespmem:$0x10600] =	vst v63  }
0xd4: {  	s19 =	sand.u32 $0x1FFFFFF0, s11;
	s23 =	spop (v2sf);
	s29 =	rddreg [dreg:$0x9]  }
0xd5: {  	[tilespmem:s24], [sflag:$0x1] =	stream.linear.gather [hbm4b:s14+s1], $0x80, $0x38;
	[tilespmem:$0x10600] =	vst v63  }
.Ltmp0:
0xd6: {  	s26 =	sand.u32 $0x1FFFFFF0, s23;
	s28 =	spop (v2sf);
	(pc) =	sbr.rel @p0 .LBB2_2-.Ltmp0, $4  }
0xd7: {  	(v2sf) =	vpush v34, $0xE;
	[tilespmem:s29], [sflag:$0x1] =	stream.linear.gather [hbm4b:s25+s1], $0x80, $0x38;
	[tilespmem:$0x10600] =	vst v63  }
0xd8: {  	(v2sf) =	vpush v33, $0xE;
	s5 =	sadd.s32 s4, s19;
	s6 =	sadd.s32 s3, s26;
	s30 =	spop (v2sf)  }
0xd9: {  	(v2sf) =	vpush v34, $0xF;
	[tilespmem:s31], [sflag:$0x1] =	stream.linear.gather [hbm4b:s5+s1], $0x80, $0x38;
	[tilespmem:$0x10600] =	vst v63  }
0xda: {  	(v2sf) =	vpush v33, $0xF;
	s0 =	sand.u32 $0x1FFFFFF0, s28;
	s2 =	sand.u32 $0x1FFFFFF0, s30;
	s5 =	spop (v2sf)  }
0xdb: {  	_ =	sdelay $0x3  }
0xdc: {  	[tilespmem:s13], [sflag:$0x1] =	stream.linear.gather [hbm4b:s6+s1], $0x80, $0x38;
	[tilespmem:$0x10600] =	vst v63  }
0xdd: {  	s0 =	sadd.s32 s4, s0  }
0xde: {  	[tilespmem:s20], [sflag:$0x1] =	stream.linear.gather [hbm4b:s0+s1], $0x80, $0x38;
	[tilespmem:$0x10600] =	vst v63  }
0xdf: {  	s12 =	sadd.s32 $0xA80, s16;
	s13 =	sadd.s32 s3, s2;
	s14 =	sand.u32 $0x1FFFFFF0, s5  }
0xe0: {  	[tilespmem:s12], [sflag:$0x1] =	stream.linear.gather [hbm4b:s13+s1], $0x80, $0x38;
	[tilespmem:$0x10600] =	vst v63  }
0xe1: {  	s17 =	sadd.s32 $0x8A80, s16;
	s2 =	sadd.s32 s4, s14  }
0xe2: {  	[tilespmem:s17], [sflag:$0x1] =	stream.linear.gather [hbm4b:s2+s1], $0x80, $0x38;
	[tilespmem:$0x10600] =	vst v63  }
0xe3: {  	s7 =	spop (v2sf)  }
0xe4: {  	s15 =	sand.u32 $0x1FFFFFF0, s7;
	s18 =	spop (v2sf)  }
0xe5: {  	s19 =	sadd.s32 s3, s15;
	s20 =	sand.u32 $0x1FFFFFF0, s18;
	s23 =	spop (v2sf)  }
0xe6: {  	[tilespmem:s22], [sflag:$0x1] =	stream.linear.gather [hbm4b:s19+s1], $0x80, $0x38;
	[tilespmem:$0x10600] =	vst v63  }
0xe7: {  	s24 =	sadd.s32 s4, s20;
	s25 =	sand.u32 $0x1FFFFFF0, s23;
	s26 =	spop (v2sf)  }
0xe8: {  	[tilespmem:s21], [sflag:$0x1] =	stream.linear.gather [hbm4b:s24+s1], $0x80, $0x38;
	[tilespmem:$0x10600] =	vst v63  }
0xe9: {  	s28 =	sadd.s32 $0xB80, s16;
	s2 =	sadd.s32 s3, s25;
	s5 =	sand.u32 $0x1FFFFFF0, s26  }
0xea: {  	[tilespmem:s28], [sflag:$0x1] =	stream.linear.gather [hbm4b:s2+s1], $0x80, $0x38;
	[tilespmem:$0x10600] =	vst v63  }
0xeb: {  	s29 =	sadd.s32 $0x8B80, s16;
	s31 =	simm.s32 $0x1;
	s30 =	sadd.s32 s4, s5  }
0xec: {  	[tilespmem:s29], [sflag:$0x1] =	stream.linear.gather [hbm4b:s30+s1], $0x80, $0x38;
	[tilespmem:$0x10600] =	vst v63  }
0xed: {  	_ =	swait.ge [sflag:s31], $0x8000  }
0xee: {  	[sflag:s31] =	ssyncset.done $0x0  }
0xef: {  	[sflag:s31] =	ssyncadd.s32 $0xFFFF8000  }
0xf0: {  	s16 =	simm.s32 $0x200;
	s0 =	simm.s32 $0x400;
	_ =	swait.ge [sflag:s31], $0x8000  }
0xf1: {  	s17 =	simm.s32 $0x10400;
	s15 =	simm.s32 $0x0;
	[sflag:s31] =	ssyncset.done $0x0  }
0xf2: {  	s18 =	simm.s32 $0x0;
	s2 =	simm.s32 $0x8400;
	[sflag:s31] =	ssyncadd.s32 $0xFFFF8000  }
.LBB2_4:
0xf3: {  	v33 =	vld [tilespmem:s15+$0x0]  }
0xf4: {  	v34 =	vld [tilespmem:s16+$0x0];
	_ =	sdelay $0x2  }
0xf5: {  	v35 =	vmov s18  }
0xf6: {  	v35 =	vshll.u32 v35, $0x7;
	v33 =	vshll.u32 v33, $0x5  }
0xf7: {  	v35 =	vor.u32 v1, v35;
	v34 =	vshll.u32 v34, $0x5;
	v33 =	vand.u32 $0x60, v33  }
0xf8: {  	v36 =	vand.u32 $0x60, v34;
	v34 =	vor.u32 v35, v33  }
0xf9: {  	v33 =	vor.u32 v35, v36;
	v37 =	vor.u32 v0, v34  }
0xfa: {  	v35 =	vor.u32 v0, v33  }
0xfb: {  	v51 =	vor.u32 v2, v34  }
0xfc: {  	v38 =	vor.u32 v2, v33  }
0xfd: {  	v39 =	vor.u32 v3, v34  }
0xfe: {  	v40 =	vor.u32 v3, v33;
	v37 =	vld.idx.msk [tilespmem:v37+s0+$0x0], $0xffff  }
0xff: {  	v41 =	vor.u32 v4, v34;
	v35 =	vld.idx.msk [tilespmem:v35+s2+$0x0], $0xffff  }
0x100: {  	v42 =	vor.u32 v4, v33;
	v36 =	vld.idx.msk [tilespmem:v51+s0+$0x0], $0xffff  }
0x101: {  	v43 =	vor.u32 v5, v34;
	v38 =	vld.idx.msk [tilespmem:v38+s2+$0x0], $0xffff  }
0x102: {  	v44 =	vor.u32 v5, v33;
	v39 =	vld.idx.msk [tilespmem:v39+s0+$0x0], $0xffff  }
0x103: {  	v45 =	vor.u32 v6, v34;
	v40 =	vld.idx.msk [tilespmem:v40+s2+$0x0], $0xffff  }
0x104: {  	v53 =	vor.u32 v6, v33;
	v52 =	vld.idx.msk [tilespmem:v41+s0+$0x0], $0xffff;
	v35 =	vmul.f32 v35, v37  }
0x105: {  	v46 =	vor.u32 v7, v34;
	v42 =	vld.idx.msk [tilespmem:v42+s2+$0x0], $0xffff  }
0x106: {  	v55 =	vor.u32 v7, v33;
	v54 =	vld.idx.msk [tilespmem:v43+s0+$0x0], $0xffff;
	v36 =	vmul.f32 v38, v36;
	v35 =	vadd.f32 $0.0e+00, v35  }
0x107: {  	v47 =	vor.u32 v8, v34;
	v44 =	vld.idx.msk [tilespmem:v44+s2+$0x0], $0xffff  }
0x108: {  	v58 =	vor.u32 v8, v33;
	v57 =	vld.idx.msk [tilespmem:v45+s0+$0x0], $0xffff;
	v56 =	vmul.f32 v40, v39;
	v35 =	vadd.f32 v36, v35  }
0x109: {  	v59 =	vor.u32 v9, v34;
	v41 =	vld.idx.msk [tilespmem:v53+s2+$0x0], $0xffff  }
0x10a: {  	v62 =	vor.u32 v9, v33;
	v61 =	vld.idx.msk [tilespmem:v46+s0+$0x0], $0xffff;
	v60 =	vmul.f32 v42, v52;
	v35 =	vadd.f32 v56, v35  }
0x10b: {  	v63 =	vor.u32 v10, v34;
	v43 =	vld.idx.msk [tilespmem:v55+s2+$0x0], $0xffff  }
0x10c: {  	v50 =	vor.u32 v10, v33;
	v49 =	vld.idx.msk [tilespmem:v47+s0+$0x0], $0xffff;
	v48 =	vmul.f32 v44, v54;
	v35 =	vadd.f32 v60, v35  }
0x10d: {  	v40 =	vld.idx.msk [tilespmem:v58+s2+$0x0], $0xffff;
	v54 =	vor.u32 v11, v33  }
0x10e: {  	v51 =	vor.u32 v11, v34;
	v53 =	vld.idx.msk [tilespmem:v59+s0+$0x0], $0xffff;
	v52 =	vmul.f32 v41, v57;
	v35 =	vadd.f32 v48, v35  }
0x10f: {  	v42 =	vld.idx.msk [tilespmem:v62+s2+$0x0], $0xffff;
	v58 =	vor.u32 v12, v33  }
0x110: {  	v55 =	vor.u32 v12, v34;
	v57 =	vld.idx.msk [tilespmem:v63+s0+$0x0], $0xffff;
	v56 =	vmul.f32 v43, v61;
	v35 =	vadd.f32 v52, v35  }
0x111: {  	v44 =	vld.idx.msk [tilespmem:v50+s2+$0x0], $0xffff;
	v62 =	vor.u32 v13, v33  }
0x112: {  	v59 =	vor.u32 v13, v34;
	v41 =	vld.idx.msk [tilespmem:v54+s2+$0x0], $0xffff;
	v60 =	vmul.f32 v40, v49;
	v35 =	vadd.f32 v56, v35  }
0x113: {  	v50 =	vor.u32 v14, v33;
	v61 =	vld.idx.msk [tilespmem:v51+s0+$0x0], $0xffff  }
0x114: {  	v63 =	vor.u32 v14, v34;
	v43 =	vld.idx.msk [tilespmem:v58+s2+$0x0], $0xffff;
	v48 =	vmul.f32 v42, v53;
	v35 =	vadd.f32 v60, v35  }
0x115: {  	v54 =	vor.u32 v15, v33;
	v49 =	vld.idx.msk [tilespmem:v55+s0+$0x0], $0xffff  }
0x116: {  	v51 =	vor.u32 v15, v34;
	v40 =	vld.idx.msk [tilespmem:v62+s2+$0x0], $0xffff;
	v52 =	vmul.f32 v44, v57;
	v35 =	vadd.f32 v48, v35  }
0x117: {  	v58 =	vor.u32 v16, v33;
	v53 =	vld.idx.msk [tilespmem:v59+s0+$0x0], $0xffff  }
0x118: {  	v55 =	vor.u32 v16, v34;
	v42 =	vld.idx.msk [tilespmem:v50+s2+$0x0], $0xffff;
	v56 =	vmul.f32 v41, v61;
	v35 =	vadd.f32 v52, v35  }
0x119: {  	v62 =	vor.u32 v28, v33;
	v57 =	vld.idx.msk [tilespmem:v63+s0+$0x0], $0xffff  }
0x11a: {  	v59 =	vor.u32 v28, v34;
	v44 =	vld.idx.msk [tilespmem:v54+s2+$0x0], $0xffff;
	v60 =	vmul.f32 v43, v49;
	v35 =	vadd.f32 v56, v35  }
0x11b: {  	v50 =	vor.u32 v17, v33;
	v61 =	vld.idx.msk [tilespmem:v51+s0+$0x0], $0xffff  }
0x11c: {  	v63 =	vor.u32 v17, v34;
	v41 =	vld.idx.msk [tilespmem:v58+s2+$0x0], $0xffff;
	v48 =	vmul.f32 v40, v53;
	v35 =	vadd.f32 v60, v35  }
0x11d: {  	v54 =	vor.u32 v19, v33;
	v49 =	vld.idx.msk [tilespmem:v55+s0+$0x0], $0xffff  }
0x11e: {  	v51 =	vor.u32 v19, v34;
	v43 =	vld.idx.msk [tilespmem:v62+s2+$0x0], $0xffff;
	v52 =	vmul.f32 v42, v57;
	v35 =	vadd.f32 v48, v35  }
0x11f: {  	v58 =	vor.u32 v20, v33;
	v53 =	vld.idx.msk [tilespmem:v59+s0+$0x0], $0xffff  }
0x120: {  	v55 =	vor.u32 v20, v34;
	v40 =	vld.idx.msk [tilespmem:v50+s2+$0x0], $0xffff;
	v56 =	vmul.f32 v44, v61;
	v35 =	vadd.f32 v52, v35  }
0x121: {  	v62 =	vor.u32 v18, v33;
	v57 =	vld.idx.msk [tilespmem:v63+s0+$0x0], $0xffff  }
0x122: {  	v59 =	vor.u32 v18, v34;
	v42 =	vld.idx.msk [tilespmem:v54+s2+$0x0], $0xffff;
	v60 =	vmul.f32 v41, v49;
	v35 =	vadd.f32 v56, v35  }
0x123: {  	v50 =	vor.u32 v21, v33;
	v61 =	vld.idx.msk [tilespmem:v51+s0+$0x0], $0xffff  }
0x124: {  	v63 =	vor.u32 v21, v34;
	v44 =	vld.idx.msk [tilespmem:v58+s2+$0x0], $0xffff;
	v48 =	vmul.f32 v43, v53;
	v35 =	vadd.f32 v60, v35  }
0x125: {  	v54 =	vor.u32 v22, v33;
	v49 =	vld.idx.msk [tilespmem:v55+s0+$0x0], $0xffff  }
0x126: {  	v51 =	vor.u32 v22, v34;
	v41 =	vld.idx.msk [tilespmem:v62+s2+$0x0], $0xffff;
	v52 =	vmul.f32 v40, v57;
	v35 =	vadd.f32 v48, v35  }
0x127: {  	v58 =	vor.u32 v23, v33;
	v53 =	vld.idx.msk [tilespmem:v59+s0+$0x0], $0xffff  }
0x128: {  	v55 =	vor.u32 v23, v34;
	v43 =	vld.idx.msk [tilespmem:v50+s2+$0x0], $0xffff;
	v56 =	vmul.f32 v42, v61;
	v35 =	vadd.f32 v52, v35  }
0x129: {  	v62 =	vor.u32 v24, v33;
	v57 =	vld.idx.msk [tilespmem:v63+s0+$0x0], $0xffff  }
0x12a: {  	v59 =	vor.u32 v24, v34;
	v40 =	vld.idx.msk [tilespmem:v54+s2+$0x0], $0xffff;
	v60 =	vmul.f32 v44, v49;
	v35 =	vadd.f32 v56, v35  }
0x12b: {  	v50 =	vor.u32 v25, v33;
	v61 =	vld.idx.msk [tilespmem:v51+s0+$0x0], $0xffff  }
0x12c: {  	v63 =	vor.u32 v25, v34;
	v42 =	vld.idx.msk [tilespmem:v58+s2+$0x0], $0xffff;
	v48 =	vmul.f32 v41, v53;
	v35 =	vadd.f32 v60, v35  }
0x12d: {  	v54 =	vor.u32 v26, v33;
	v49 =	vld.idx.msk [tilespmem:v55+s0+$0x0], $0xffff  }
0x12e: {  	v51 =	vor.u32 v26, v34;
	v44 =	vld.idx.msk [tilespmem:v62+s2+$0x0], $0xffff;
	v52 =	vmul.f32 v43, v57;
	v35 =	vadd.f32 v48, v35  }
0x12f: {  	v58 =	vor.u32 v27, v33;
	v53 =	vld.idx.msk [tilespmem:v59+s0+$0x0], $0xffff  }
0x130: {  	v55 =	vor.u32 v27, v34;
	v41 =	vld.idx.msk [tilespmem:v50+s2+$0x0], $0xffff;
	v56 =	vmul.f32 v40, v61;
	v35 =	vadd.f32 v52, v35  }
0x131: {  	v62 =	vor.u32 v29, v33;
	v57 =	vld.idx.msk [tilespmem:v63+s0+$0x0], $0xffff  }
0x132: {  	v59 =	vor.u32 v29, v34;
	v43 =	vld.idx.msk [tilespmem:v54+s2+$0x0], $0xffff;
	v60 =	vmul.f32 v42, v49;
	v35 =	vadd.f32 v56, v35  }
0x133: {  	v50 =	vor.u32 v30, v33;
	v61 =	vld.idx.msk [tilespmem:v51+s0+$0x0], $0xffff  }
0x134: {  	v63 =	vor.u32 v30, v34;
	v40 =	vld.idx.msk [tilespmem:v58+s2+$0x0], $0xffff;
	v48 =	vmul.f32 v44, v53;
	v35 =	vadd.f32 v60, v35  }
0x135: {  	v51 =	vor.u32 v31, v34;
	v49 =	vld.idx.msk [tilespmem:v55+s0+$0x0], $0xffff  }
0x136: {  	v54 =	vor.u32 v31, v33;
	v42 =	vld.idx.msk [tilespmem:v62+s2+$0x0], $0xffff;
	v52 =	vmul.f32 v41, v57;
	v35 =	vadd.f32 v48, v35  }
0x137: {  	v33 =	vor.u32 v32, v33;
	v53 =	vld.idx.msk [tilespmem:v59+s0+$0x0], $0xffff  }
0x138: {  	v34 =	vor.u32 v32, v34;
	v55 =	vmul.f32 v43, v61;
	v57 =	vld.idx.msk [tilespmem:v50+s2+$0x0], $0xffff;
	v35 =	vadd.f32 v52, v35  }
0x139: {  	v56 =	vld.idx.msk [tilespmem:v63+s0+$0x0], $0xffff  }
0x13a: {  	v59 =	vld.idx.msk [tilespmem:v51+s0+$0x0], $0xffff;
	v58 =	vmul.f32 v40, v49;
	v35 =	vadd.f32 v55, v35  }
0x13b: {  	v60 =	vld.idx.msk [tilespmem:v54+s2+$0x0], $0xffff  }
0x13c: {  	v33 =	vld.idx.msk [tilespmem:v33+s2+$0x0], $0xffff;
	v61 =	vmul.f32 v42, v53;
	v35 =	vadd.f32 v58, v35  }
0x13d: {  	v34 =	vld.idx.msk [tilespmem:v34+s0+$0x0], $0xffff  }
0x13e: {  	v62 =	vmul.f32 v57, v56;
	v35 =	vadd.f32 v61, v35;
	_ =	sdelay $0x1  }
0x13f: {  	v63 =	vmul.f32 v60, v59;
	v35 =	vadd.f32 v62, v35  }
0x140: {  	p0 =	sne.s32 s18, $0xF0  }
.Ltmp1:
0x141: {  	v33 =	vmul.f32 v33, v34;
	v35 =	vadd.f32 v63, v35;
	(pc) =	sbr.rel @p0 .LBB2_4-.Ltmp1, $4  }
0x142: {  	_ = 	snop  }
0x143: {  	v33 =	vadd.f32 v33, v35  }
0x144: {  	s15 =	sadd.s32 $0x10, s15  }
0x145: {  	s16 =	sadd.s32 $0x10, s16;
	s18 =	sadd.s32 $0x10, s18;
	[tilespmem:s17+$0x0] =	vst v33;
	s17 =	sadd.s32 $0x10, s17  }
0x146: {  	s0 =	simm.s32 $0x300  }
0x147: {  	s2 =	simm.s32 $0x100;
	v33 =	vld [tilespmem:s0+$0x0]  }
0x148: {  	v34 =	vld [tilespmem:s2+$0x0];
	_ =	sdelay $0x3  }
0x149: {  	v33 =	vshrl.u32 v33, $0x2  }
0x14a: {  	v34 =	vshrl.u32 v34, $0x2;
	v33 =	vshll.u32 v33, $0x4  }
0x14b: {  	v34 =	vshll.u32 v34, $0x4;
	(v2sf) =	vpush v33, $0x0  }
0x14c: {  	(v2sf) =	vpush v34, $0x0  }
0x14d: {  	(v2sf) =	vpush v34, $0x1  }
0x14e: {  	(v2sf) =	vpush v33, $0x1;
	_ =	sdelay $0x1  }
0x14f: {  	(v2sf) =	vpush v34, $0x2;
	_ =	sdelay $0x1  }
0x150: {  	(v2sf) =	vpush v33, $0x2;
	_ =	sdelay $0x1  }
0x151: {  	(v2sf) =	vpush v34, $0x3;
	_ =	sdelay $0x1  }
0x152: {  	s15 =	simm.s32 $0x2000  }
0x153: {  	s16 =	simm.s32 $0x0;
	s5 =	simm.s32 $0x8400;
	s6 =	simm.s32 $0x680  }
0x154: {  	s8 =	simm.s32 $0x400;
	s9 =	simm.s32 $0x600;
	s11 =	simm.s32 $0x580  }
0x155: {  	s28 =	simm.s32 $0x8580;
	s30 =	simm.s32 $0x480;
	s13 =	simm.s32 $0x500  }
0x156: {  	s19 =	simm.s32 $0x8500;
	s22 =	simm.s32 $0x8600;
	s7 =	spop (v2sf);
	(v2sf) =	vpush v33, $0x3  }
0x157: {  	s2 =	simm.s32 $0x880;
	s0 =	simm.s32 $0x8900;
	s26 =	spop (v2sf)  }
0x158: {  	(v2sf) =	vpush v34, $0x4;
	s7 =	sand.u32 $0x1FFFFFF0, s7;
	s10 =	sand.u32 $0x1FFFFFF0, s26;
	s29 =	spop (v2sf)  }
0x159: {  	(v2sf) =	vpush v33, $0x4;
	s7 =	sadd.s32 s4, s7;
	s10 =	sadd.s32 s3, s10;
	s12 =	spop (v2sf)  }
0x15a: {  	[tilespmem:s8], [sflag:$0x1] =	stream.linear.gather [hbm4b:s10+s1], $0x80, $0x38;
	[tilespmem:$0x10600] =	vst v63  }
0x15b: {  	s10 =	sand.u32 $0x1FFFFFF0, s29;
	s31 =	sand.u32 $0x1FFFFFF0, s12;
	s12 =	spop (v2sf)  }
0x15c: {  	(v2sf) =	vpush v34, $0x5;
	[tilespmem:s5], [sflag:$0x1] =	stream.linear.gather [hbm4b:s7+s1], $0x80, $0x38;
	[tilespmem:$0x10600] =	vst v63  }
0x15d: {  	s10 =	sadd.s32 s3, s10;
	s14 =	sand.u32 $0x1FFFFFF0, s12;
	s17 =	spop (v2sf)  }
0x15e: {  	(v2sf) =	vpush v33, $0x5;
	[tilespmem:s30], [sflag:$0x1] =	stream.linear.gather [hbm4b:s10+s1], $0x80, $0x38;
	[tilespmem:$0x10600] =	vst v63  }
0x15f: {  	s7 =	sadd.s32 s4, s31;
	s18 =	spop (v2sf);
	s10 =	simm.s32 $0x8480  }
0x160: {  	(v2sf) =	vpush v34, $0x6;
	[tilespmem:s10], [sflag:$0x1] =	stream.linear.gather [hbm4b:s7+s1], $0x80, $0x38;
	[tilespmem:$0x10600] =	vst v63  }
0x161: {  	s5 =	simm.s32 $0x8980;
	s10 =	sand.u32 $0x1FFFFFF0, s17;
	s7 =	sadd.s32 s3, s14  }
0x162: {  	(v2sf) =	vpush v33, $0x6;
	[tilespmem:s13], [sflag:$0x1] =	stream.linear.gather [hbm4b:s7+s1], $0x80, $0x38;
	[tilespmem:$0x10600] =	vst v63  }
0x163: {  	s20 =	sand.u32 $0x1FFFFFF0, s18;
	s18 =	simm.s32 $0x8700;
	s10 =	sadd.s32 s4, s10  }
0x164: {  	[tilespmem:s19], [sflag:$0x1] =	stream.linear.gather [hbm4b:s10+s1], $0x80, $0x38;
	[tilespmem:$0x10600] =	vst v63  }
0x165: {  	s30 =	simm.s32 $0x700;
	s7 =	sadd.s32 s3, s20;
	s21 =	spop (v2sf)  }
0x166: {  	(v2sf) =	vpush v34, $0x7;
	[tilespmem:s11], [sflag:$0x1] =	stream.linear.gather [hbm4b:s7+s1], $0x80, $0x38;
	[tilespmem:$0x10600] =	vst v63  }
0x167: {  	s13 =	simm.s32 $0xA00;
	s10 =	sand.u32 $0x1FFFFFF0, s21;
	s23 =	spop (v2sf)  }
0x168: {  	s20 =	simm.s32 $0x8A00;
	(v2sf) =	vpush v33, $0x7;
	s24 =	spop (v2sf);
	s10 =	sadd.s32 s4, s10  }
0x169: {  	(v2sf) =	vpush v34, $0x8;
	[tilespmem:s28], [sflag:$0x1] =	stream.linear.gather [hbm4b:s10+s1], $0x80, $0x38;
	[tilespmem:$0x10600] =	vst v63  }
0x16a: {  	s11 =	sand.u32 $0x1FFFFFF0, s23;
	s23 =	simm.s32 $0x780;
	s25 =	sand.u32 $0x1FFFFFF0, s24  }
0x16b: {  	s26 =	sadd.s32 s3, s11;
	s28 =	simm.s32 $0x8680;
	s29 =	spop (v2sf);
	(v2sf) =	vpush v33, $0x8  }
0x16c: {  	(v2sf) =	vpush v34, $0x9;
	[tilespmem:s9], [sflag:$0x1] =	stream.linear.gather [hbm4b:s26+s1], $0x80, $0x38;
	[tilespmem:$0x10600] =	vst v63  }
0x16d: {  	s8 =	sadd.s32 s4, s25;
	s31 =	sand.u32 $0x1FFFFFF0, s29;
	s11 =	spop (v2sf)  }
0x16e: {  	[tilespmem:s22], [sflag:$0x1] =	stream.linear.gather [hbm4b:s8+s1], $0x80, $0x38;
	[tilespmem:$0x10600] =	vst v63  }
0x16f: {  	s10 =	sand.u32 $0x1FFFFFF0, s11;
	s12 =	spop (v2sf);
	s8 =	sadd.s32 s3, s31  }
0x170: {  	(v2sf) =	vpush v33, $0x9;
	[tilespmem:s6], [sflag:$0x1] =	stream.linear.gather [hbm4b:s8+s1], $0x80, $0x38;
	[tilespmem:$0x10600] =	vst v63  }
0x171: {  	s14 =	sand.u32 $0x1FFFFFF0, s12;
	s10 =	sadd.s32 s4, s10;
	s17 =	spop (v2sf)  }
0x172: {  	(v2sf) =	vpush v34, $0xA;
	[tilespmem:s28], [sflag:$0x1] =	stream.linear.gather [hbm4b:s10+s1], $0x80, $0x38;
	[tilespmem:$0x10600] =	vst v63  }
0x173: {  	s25 =	simm.s32 $0x8780;
	s19 =	sand.u32 $0x1FFFFFF0, s17;
	s8 =	sadd.s32 s3, s14  }
0x174: {  	(v2sf) =	vpush v33, $0xA;
	[tilespmem:s30], [sflag:$0x1] =	stream.linear.gather [hbm4b:s8+s1], $0x80, $0x38;
	[tilespmem:$0x10600] =	vst v63  }
0x175: {  	s11 =	simm.s32 $0x8880;
	s8 =	sadd.s32 s4, s19;
	s21 =	spop (v2sf)  }
0x176: {  	[tilespmem:s18], [sflag:$0x1] =	stream.linear.gather [hbm4b:s8+s1], $0x80, $0x38;
	[tilespmem:$0x10600] =	vst v63  }
0x177: {  	s17 =	simm.s32 $0x110;
	s9 =	sand.u32 $0x1FFFFFF0, s21;
	s22 =	spop (v2sf)  }
0x178: {  	s6 =	simm.s32 $0x980;
	(v2sf) =	vpush v34, $0xB;
	s9 =	sadd.s32 s3, s9;
	s26 =	spop (v2sf)  }
0x179: {  	[tilespmem:s23], [sflag:$0x1] =	stream.linear.gather [hbm4b:s9+s1], $0x80, $0x38;
	[tilespmem:$0x10600] =	vst v63  }
0x17a: {  	s28 =	simm.s32 $0x800;
	s24 =	sand.u32 $0x1FFFFFF0, s22;
	(v2sf) =	vpush v33, $0xB;
	s30 =	spop (v2sf)  }
0x17b: {  	s8 =	sadd.s32 s4, s24;
	(v2sf) =	vpush v34, $0xC;
	s29 =	sand.u32 $0x1FFFFFF0, s26;
	s31 =	spop (v2sf)  }
0x17c: {  	[tilespmem:s25], [sflag:$0x1] =	stream.linear.gather [hbm4b:s8+s1], $0x80, $0x38;
	[tilespmem:$0x10600] =	vst v63  }
0x17d: {  	s9 =	sand.u32 $0x1FFFFFF0, s30;
	(v2sf) =	vpush v33, $0xC;
	s8 =	sadd.s32 s3, s29;
	s10 =	sand.u32 $0x1FFFFFF0, s31  }
0x17e: {  	(v2sf) =	vpush v34, $0xD;
	[tilespmem:s28], [sflag:$0x1] =	stream.linear.gather [hbm4b:s8+s1], $0x80, $0x38;
	[tilespmem:$0x10600] =	vst v63  }
0x17f: {  	s9 =	sadd.s32 s4, s9;
	s12 =	spop (v2sf);
	s8 =	simm.s32 $0x8800  }
0x180: {  	(v2sf) =	vpush v33, $0xD;
	[tilespmem:s8], [sflag:$0x1] =	stream.linear.gather [hbm4b:s9+s1], $0x80, $0x38;
	[tilespmem:$0x10600] =	vst v63  }
0x181: {  	s18 =	sand.u32 $0x1FFFFFF0, s12;
	s19 =	spop (v2sf);
	s8 =	sadd.s32 s3, s10  }
0x182: {  	[tilespmem:s2], [sflag:$0x1] =	stream.linear.gather [hbm4b:s8+s1], $0x80, $0x38;
	[tilespmem:$0x10600] =	vst v63  }
0x183: {  	s21 =	spop (v2sf);
	s9 =	sand.u32 $0x1FFFFFF0, s19;
	s8 =	sadd.s32 s4, s18  }
0x184: {  	[tilespmem:s11], [sflag:$0x1] =	stream.linear.gather [hbm4b:s8+s1], $0x80, $0x38;
	[tilespmem:$0x10600] =	vst v63  }
0x185: {  	s14 =	simm.s32 $0x900;
	s22 =	sand.u32 $0x1FFFFFF0, s21;
	s23 =	sadd.s32 s3, s9  }
0x186: {  	[tilespmem:s14], [sflag:$0x1] =	stream.linear.gather [hbm4b:s23+s1], $0x80, $0x38;
	[tilespmem:$0x10600] =	vst v63  }
0x187: {  	s21 =	simm.s32 $0x8B00;
	s7 =	sadd.s32 s4, s22;
	s24 =	spop (v2sf)  }
0x188: {  	[tilespmem:s0], [sflag:$0x1] =	stream.linear.gather [hbm4b:s7+s1], $0x80, $0x38;
	[tilespmem:$0x10600] =	vst v63  }
0x189: {  	s22 =	simm.s32 $0xB00;
	s25 =	sand.u32 $0x1FFFFFF0, s24;
	s26 =	spop (v2sf)  }
0x18a: {  	s0 =	sadd.s32 s3, s25;
	s2 =	sand.u32 $0x1FFFFFF0, s26;
	s28 =	spop (v2sf)  }
0x18b: {  	[tilespmem:s6], [sflag:$0x1] =	stream.linear.gather [hbm4b:s0+s1], $0x80, $0x38;
	[tilespmem:$0x10600] =	vst v63  }
0x18c: {  	(v2sf) =	vpush v34, $0xE;
	s18 =	simm.s32 $0x310;
	s29 =	spop (v2sf);
	s2 =	sadd.s32 s4, s2  }
0x18d: {  	(v2sf) =	vpush v33, $0xE;
	s30 =	sand.u32 $0x1FFFFFF0, s28;
	s0 =	sand.u32 $0x1FFFFFF0, s29;
	s31 =	spop (v2sf)  }
0x18e: {  	(v2sf) =	vpush v34, $0xF;
	[tilespmem:s5], [sflag:$0x1] =	stream.linear.gather [hbm4b:s2+s1], $0x80, $0x38;
	[tilespmem:$0x10600] =	vst v63  }
0x18f: {  	(v2sf) =	vpush v33, $0xF;
	s6 =	sadd.s32 s3, s30;
	s2 =	sand.u32 $0x1FFFFFF0, s31;
	s5 =	spop (v2sf)  }
.LBB2_6:
0x190: {  	_ =	sdelay $0x3  }
0x191: {  	[tilespmem:s13], [sflag:$0x1] =	stream.linear.gather [hbm4b:s6+s1], $0x80, $0x38;
	[tilespmem:$0x10600] =	vst v63  }
0x192: {  	s0 =	sadd.s32 s4, s0  }
0x193: {  	[tilespmem:s20], [sflag:$0x1] =	stream.linear.gather [hbm4b:s0+s1], $0x80, $0x38;
	[tilespmem:$0x10600] =	vst v63  }
0x194: {  	s19 =	sadd.s32 $0xA80, s16;
	s23 =	sadd.s32 s3, s2;
	s24 =	sand.u32 $0x1FFFFFF0, s5  }
0x195: {  	[tilespmem:s19], [sflag:$0x1] =	stream.linear.gather [hbm4b:s23+s1], $0x80, $0x38;
	[tilespmem:$0x10600] =	vst v63  }
0x196: {  	s26 =	sadd.s32 $0x8A80, s16;
	s2 =	sadd.s32 s4, s24  }
0x197: {  	[tilespmem:s26], [sflag:$0x1] =	stream.linear.gather [hbm4b:s2+s1], $0x80, $0x38;
	[tilespmem:$0x10600] =	vst v63  }
0x198: {  	s7 =	spop (v2sf)  }
0x199: {  	s25 =	sand.u32 $0x1FFFFFF0, s7;
	s28 =	spop (v2sf)  }
0x19a: {  	s29 =	sadd.s32 s3, s25;
	s30 =	sand.u32 $0x1FFFFFF0, s28;
	s31 =	spop (v2sf)  }
0x19b: {  	[tilespmem:s22], [sflag:$0x1] =	stream.linear.gather [hbm4b:s29+s1], $0x80, $0x38;
	[tilespmem:$0x10600] =	vst v63  }
0x19c: {  	s2 =	sadd.s32 s4, s30;
	s5 =	sand.u32 $0x1FFFFFF0, s31;
	s6 =	spop (v2sf)  }
0x19d: {  	[tilespmem:s21], [sflag:$0x1] =	stream.linear.gather [hbm4b:s2+s1], $0x80, $0x38;
	[tilespmem:$0x10600] =	vst v63  }
0x19e: {  	s7 =	sadd.s32 $0xB80, s16;
	s2 =	sadd.s32 s3, s5;
	s5 =	sand.u32 $0x1FFFFFF0, s6  }
0x19f: {  	[tilespmem:s7], [sflag:$0x1] =	stream.linear.gather [hbm4b:s2+s1], $0x80, $0x38;
	[tilespmem:$0x10600] =	vst v63  }
0x1a0: {  	s8 =	sadd.s32 $0x8B80, s16;
	s9 =	sadd.s32 s4, s5  }
0x1a1: {  	[tilespmem:s8], [sflag:$0x1] =	stream.linear.gather [hbm4b:s9+s1], $0x80, $0x38;
	[tilespmem:$0x10600] =	vst v63  }
0x1a2: {  	v33 =	vld [tilespmem:s18+$0x0]  }
0x1a3: {  	v34 =	vld [tilespmem:s17+$0x0];
	_ =	sdelay $0x3  }
0x1a4: {  	v33 =	vshrl.u32 v33, $0x2  }
0x1a5: {  	v34 =	vshrl.u32 v34, $0x2;
	v33 =	vshll.u32 v33, $0x4  }
0x1a6: {  	v34 =	vshll.u32 v34, $0x4;
	(v2sf) =	vpush v33, $0x0  }
0x1a7: {  	s10 =	smov.u32 s15;
	(v2sf) =	vpush v34, $0x0  }
0x1a8: {  	s16 =	sshra.s32 s10, $0x2;
	(v2sf) =	vpush v34, $0x1  }
0x1a9: {  	p0 =	sne.s32 s15, $0x1E000;
	s15 =	sadd.s32 $0x2000, s15;
	s19 =	sadd.s32 $0x8400, s16;
	(v2sf) =	vpush v33, $0x1  }
0x1aa: {  	s0 =	sadd.s32 $0x680, s16;
	s11 =	sadd.s32 $0x880, s16;
	s24 =	sadd.s32 $0x400, s16  }
0x1ab: {  	s12 =	sadd.s32 $0x8900, s16;
	s14 =	sadd.s32 $0x580, s16;
	s10 =	sadd.s32 $0x8580, s16;
	(v2sf) =	vpush v34, $0x2  }
0x1ac: {  	s13 =	sadd.s32 $0x8980, s16;
	s20 =	sadd.s32 $0xA00, s16;
	[dreg:$0xc] =	wrdreg s11  }
0x1ad: {  	s23 =	sadd.s32 $0x8480, s16;
	s25 =	sadd.s32 $0x900, s16;
	[dreg:$0x8] =	wrdreg s12;
	(v2sf) =	vpush v33, $0x2  }
0x1ae: {  	s26 =	sadd.s32 $0x8800, s16;
	[dreg:$0x6] =	wrdreg s13;
	s12 =	sadd.s32 $0x500, s16  }
0x1af: {  	[dreg:$0x14] =	wrdreg s20;
	s11 =	sadd.s32 $0x8500, s16;
	s20 =	sadd.s32 $0x8A00, s16;
	(v2sf) =	vpush v34, $0x3  }
0x1b0: {  	s22 =	sadd.s32 $0x8880, s16;
	[dreg:$0xe] =	wrdreg s25;
	s13 =	sadd.s32 $0x780, s16  }
0x1b1: {  	[dreg:$0x12] =	wrdreg s26;
	s25 =	sadd.s32 $0x480, s16;
	s31 =	sadd.s32 $0x800, s16;
	(v2sf) =	vpush v33, $0x3  }
0x1b2: {  	[dreg:$0x10] =	wrdreg s22;
	s22 =	sadd.s32 $0xB00, s16;
	s21 =	sadd.s32 $0x980, s16  }
0x1b3: {  	s6 =	sadd.s32 $0x700, s16;
	[dreg:$0xa] =	wrdreg s21;
	s5 =	sadd.s32 $0x8700, s16;
	(v2sf) =	vpush v34, $0x4  }
0x1b4: {  	s21 =	sadd.s32 $0x8B00, s16;
	s7 =	sadd.s32 $0x8680, s16;
	s2 =	sadd.s32 $0x8780, s16  }
0x1b5: {  	s8 =	sadd.s32 $0x600, s16;
	s9 =	sadd.s32 $0x8600, s16;
	s28 =	spop (v2sf);
	(v2sf) =	vpush v33, $0x4  }
0x1b6: {  	s17 =	sadd.s32 $0x10, s17;
	s18 =	sadd.s32 $0x10, s18;
	s29 =	spop (v2sf)  }
0x1b7: {  	s26 =	sand.u32 $0x1FFFFFF0, s28;
	s28 =	sand.u32 $0x1FFFFFF0, s29;
	s29 =	spop (v2sf);
	(v2sf) =	vpush v34, $0x5  }
0x1b8: {  	s28 =	sadd.s32 s3, s28;
	s29 =	sand.u32 $0x1FFFFFF0, s29;
	s30 =	spop (v2sf)  }
0x1b9: {  	(v2sf) =	vpush v33, $0x5;
	[tilespmem:s24], [sflag:$0x1] =	stream.linear.gather [hbm4b:s28+s1], $0x80, $0x38;
	[tilespmem:$0x10600] =	vst v63  }
0x1ba: {  	s24 =	sadd.s32 s4, s26;
	s26 =	sand.u32 $0x1FFFFFF0, s30;
	s30 =	spop (v2sf);
	(v2sf) =	vpush v34, $0x6  }
0x1bb: {  	[tilespmem:s19], [sflag:$0x1] =	stream.linear.gather [hbm4b:s24+s1], $0x80, $0x38;
	[tilespmem:$0x10600] =	vst v63  }
0x1bc: {  	s29 =	sadd.s32 s3, s29;
	s24 =	sand.u32 $0x1FFFFFF0, s30;
	s30 =	spop (v2sf);
	(v2sf) =	vpush v33, $0x6  }
0x1bd: {  	[tilespmem:s25], [sflag:$0x1] =	stream.linear.gather [hbm4b:s29+s1], $0x80, $0x38;
	[tilespmem:$0x10600] =	vst v63  }
0x1be: {  	s26 =	sadd.s32 s4, s26;
	s29 =	sand.u32 $0x1FFFFFF0, s30;
	s30 =	spop (v2sf);
	(v2sf) =	vpush v34, $0x7  }
0x1bf: {  	[tilespmem:s23], [sflag:$0x1] =	stream.linear.gather [hbm4b:s26+s1], $0x80, $0x38;
	[tilespmem:$0x10600] =	vst v63  }
0x1c0: {  	s24 =	sadd.s32 s3, s24;
	s28 =	sadd.s32 s4, s29;
	s26 =	spop (v2sf);
	(v2sf) =	vpush v33, $0x7  }
0x1c1: {  	[tilespmem:s12], [sflag:$0x1] =	stream.linear.gather [hbm4b:s24+s1], $0x80, $0x38;
	[tilespmem:$0x10600] =	vst v63  }
0x1c2: {  	s23 =	sand.u32 $0x1FFFFFF0, s30;
	s29 =	sand.u32 $0x1FFFFFF0, s26;
	s30 =	spop (v2sf);
	(v2sf) =	vpush v34, $0x8  }
0x1c3: {  	[tilespmem:s11], [sflag:$0x1] =	stream.linear.gather [hbm4b:s28+s1], $0x80, $0x38;
	[tilespmem:$0x10600] =	vst v63  }
0x1c4: {  	s23 =	sadd.s32 s3, s23;
	s25 =	sand.u32 $0x1FFFFFF0, s30;
	s26 =	spop (v2sf)  }
0x1c5: {  	[tilespmem:s14], [sflag:$0x1] =	stream.linear.gather [hbm4b:s23+s1], $0x80, $0x38;
	[tilespmem:$0x10600] =	vst v63  }
0x1c6: {  	s28 =	sadd.s32 s4, s29;
	(v2sf) =	vpush v33, $0x8;
	s29 =	sand.u32 $0x1FFFFFF0, s26;
	s30 =	spop (v2sf)  }
0x1c7: {  	[tilespmem:s10], [sflag:$0x1] =	stream.linear.gather [hbm4b:s28+s1], $0x80, $0x38;
	[tilespmem:$0x10600] =	vst v63  }
0x1c8: {  	s12 =	sadd.s32 s3, s25;
	(v2sf) =	vpush v34, $0x9;
	s24 =	sadd.s32 s4, s29;
	s23 =	spop (v2sf)  }
0x1c9: {  	s19 =	sand.u32 $0x1FFFFFF0, s30;
	(v2sf) =	vpush v33, $0x9;
	s25 =	sand.u32 $0x1FFFFFF0, s23;
	s26 =	spop (v2sf)  }
0x1ca: {  	[tilespmem:s8], [sflag:$0x1] =	stream.linear.gather [hbm4b:s12+s1], $0x80, $0x38;
	[tilespmem:$0x10600] =	vst v63  }
0x1cb: {  	s28 =	sadd.s32 s3, s19;
	s29 =	sand.u32 $0x1FFFFFF0, s26;
	s30 =	spop (v2sf)  }
0x1cc: {  	(v2sf) =	vpush v34, $0xA;
	[tilespmem:s9], [sflag:$0x1] =	stream.linear.gather [hbm4b:s24+s1], $0x80, $0x38;
	[tilespmem:$0x10600] =	vst v63  }
0x1cd: {  	s10 =	sadd.s32 s4, s25;
	s14 =	sadd.s32 s3, s29;
	s12 =	spop (v2sf)  }
0x1ce: {  	(v2sf) =	vpush v33, $0xA;
	[tilespmem:s0], [sflag:$0x1] =	stream.linear.gather [hbm4b:s28+s1], $0x80, $0x38;
	[tilespmem:$0x10600] =	vst v63  }
0x1cf: {  	s11 =	sand.u32 $0x1FFFFFF0, s30;
	s19 =	sand.u32 $0x1FFFFFF0, s12;
	s23 =	spop (v2sf)  }
0x1d0: {  	(v2sf) =	vpush v34, $0xB;
	[tilespmem:s7], [sflag:$0x1] =	stream.linear.gather [hbm4b:s10+s1], $0x80, $0x38;
	[tilespmem:$0x10600] =	vst v63  }
0x1d1: {  	s24 =	sadd.s32 s4, s11;
	s28 =	sadd.s32 s3, s19;
	s26 =	spop (v2sf)  }
0x1d2: {  	[tilespmem:s6], [sflag:$0x1] =	stream.linear.gather [hbm4b:s14+s1], $0x80, $0x38;
	[tilespmem:$0x10600] =	vst v63  }
0x1d3: {  	s25 =	sand.u32 $0x1FFFFFF0, s23;
	s23 =	rddreg [dreg:$0x12];
	s29 =	sand.u32 $0x1FFFFFF0, s26  }
0x1d4: {  	(v2sf) =	vpush v33, $0xB;
	[tilespmem:s5], [sflag:$0x1] =	stream.linear.gather [hbm4b:s24+s1], $0x80, $0x38;
	[tilespmem:$0x10600] =	vst v63  }
0x1d5: {  	s6 =	sadd.s32 s4, s25;
	s10 =	sadd.s32 s3, s29;
	s30 =	spop (v2sf)  }
0x1d6: {  	(v2sf) =	vpush v34, $0xC;
	[tilespmem:s13], [sflag:$0x1] =	stream.linear.gather [hbm4b:s28+s1], $0x80, $0x38;
	[tilespmem:$0x10600] =	vst v63  }
0x1d7: {  	s8 =	sand.u32 $0x1FFFFFF0, s30;
	s13 =	rddreg [dreg:$0x14];
	s9 =	spop (v2sf)  }
0x1d8: {  	(v2sf) =	vpush v33, $0xC;
	s14 =	sadd.s32 s4, s8;
	s28 =	rddreg [dreg:$0xc];
	s12 =	spop (v2sf)  }
0x1d9: {  	[tilespmem:s2], [sflag:$0x1] =	stream.linear.gather [hbm4b:s6+s1], $0x80, $0x38;
	[tilespmem:$0x10600] =	vst v63  }
0x1da: {  	(v2sf) =	vpush v34, $0xD;
	s8 =	rddreg [dreg:$0x10];
	s11 =	sand.u32 $0x1FFFFFF0, s9;
	s5 =	sand.u32 $0x1FFFFFF0, s12  }
0x1db: {  	s19 =	spop (v2sf);
	s24 =	sadd.s32 s3, s11;
	s12 =	rddreg [dreg:$0xe]  }
0x1dc: {  	(v2sf) =	vpush v33, $0xD;
	[tilespmem:s31], [sflag:$0x1] =	stream.linear.gather [hbm4b:s10+s1], $0x80, $0x38;
	[tilespmem:$0x10600] =	vst v63  }
0x1dd: {  	s25 =	sand.u32 $0x1FFFFFF0, s19;
	s29 =	sadd.s32 s4, s5;
	s26 =	spop (v2sf)  }
0x1de: {  	[tilespmem:s23], [sflag:$0x1] =	stream.linear.gather [hbm4b:s14+s1], $0x80, $0x38;
	[tilespmem:$0x10600] =	vst v63  }
0x1df: {  	s9 =	sadd.s32 s3, s25;
	s30 =	sand.u32 $0x1FFFFFF0, s26;
	s31 =	spop (v2sf)  }
0x1e0: {  	[tilespmem:s28], [sflag:$0x1] =	stream.linear.gather [hbm4b:s24+s1], $0x80, $0x38;
	[tilespmem:$0x10600] =	vst v63  }
0x1e1: {  	s14 =	sadd.s32 s4, s30;
	s10 =	sand.u32 $0x1FFFFFF0, s31;
	s31 =	rddreg [dreg:$0x6]  }
0x1e2: {  	[tilespmem:s8], [sflag:$0x1] =	stream.linear.gather [hbm4b:s29+s1], $0x80, $0x38;
	[tilespmem:$0x10600] =	vst v63  }
0x1e3: {  	s11 =	spop (v2sf);
	s24 =	rddreg [dreg:$0x8];
	s25 =	sadd.s32 s3, s10  }
0x1e4: {  	[tilespmem:s12], [sflag:$0x1] =	stream.linear.gather [hbm4b:s9+s1], $0x80, $0x38;
	[tilespmem:$0x10600] =	vst v63  }
0x1e5: {  	s19 =	sand.u32 $0x1FFFFFF0, s11;
	s23 =	spop (v2sf);
	s29 =	rddreg [dreg:$0xa]  }
0x1e6: {  	[tilespmem:s24], [sflag:$0x1] =	stream.linear.gather [hbm4b:s14+s1], $0x80, $0x38;
	[tilespmem:$0x10600] =	vst v63  }
.Ltmp2:
0x1e7: {  	s26 =	sand.u32 $0x1FFFFFF0, s23;
	s28 =	spop (v2sf);
	(pc) =	sbr.rel @p0 .LBB2_6-.Ltmp2, $4  }
0x1e8: {  	(v2sf) =	vpush v34, $0xE;
	[tilespmem:s29], [sflag:$0x1] =	stream.linear.gather [hbm4b:s25+s1], $0x80, $0x38;
	[tilespmem:$0x10600] =	vst v63  }
0x1e9: {  	(v2sf) =	vpush v33, $0xE;
	s5 =	sadd.s32 s4, s19;
	s6 =	sadd.s32 s3, s26;
	s30 =	spop (v2sf)  }
0x1ea: {  	(v2sf) =	vpush v34, $0xF;
	[tilespmem:s31], [sflag:$0x1] =	stream.linear.gather [hbm4b:s5+s1], $0x80, $0x38;
	[tilespmem:$0x10600] =	vst v63  }
0x1eb: {  	(v2sf) =	vpush v33, $0xF;
	s0 =	sand.u32 $0x1FFFFFF0, s28;
	s2 =	sand.u32 $0x1FFFFFF0, s30;
	s5 =	spop (v2sf)  }
0x1ec: {  	_ =	sdelay $0x3  }
0x1ed: {  	[tilespmem:s13], [sflag:$0x1] =	stream.linear.gather [hbm4b:s6+s1], $0x80, $0x38;
	[tilespmem:$0x10600] =	vst v63  }
0x1ee: {  	s0 =	sadd.s32 s4, s0  }
0x1ef: {  	[tilespmem:s20], [sflag:$0x1] =	stream.linear.gather [hbm4b:s0+s1], $0x80, $0x38;
	[tilespmem:$0x10600] =	vst v63  }
0x1f0: {  	s10 =	sadd.s32 $0xA80, s16;
	s11 =	sadd.s32 s3, s2;
	s12 =	sand.u32 $0x1FFFFFF0, s5  }
0x1f1: {  	[tilespmem:s10], [sflag:$0x1] =	stream.linear.gather [hbm4b:s11+s1], $0x80, $0x38;
	[tilespmem:$0x10600] =	vst v63  }
0x1f2: {  	s14 =	sadd.s32 $0x8A80, s16;
	s2 =	sadd.s32 s4, s12  }
0x1f3: {  	[tilespmem:s14], [sflag:$0x1] =	stream.linear.gather [hbm4b:s2+s1], $0x80, $0x38;
	[tilespmem:$0x10600] =	vst v63  }
0x1f4: {  	s7 =	spop (v2sf)  }
0x1f5: {  	s13 =	sand.u32 $0x1FFFFFF0, s7;
	s15 =	spop (v2sf)  }
0x1f6: {  	s17 =	sadd.s32 s3, s13;
	s18 =	sand.u32 $0x1FFFFFF0, s15;
	s19 =	spop (v2sf)  }
0x1f7: {  	[tilespmem:s22], [sflag:$0x1] =	stream.linear.gather [hbm4b:s17+s1], $0x80, $0x38;
	[tilespmem:$0x10600] =	vst v63  }
0x1f8: {  	s20 =	sadd.s32 s4, s18;
	s22 =	sand.u32 $0x1FFFFFF0, s19;
	s23 =	spop (v2sf)  }
0x1f9: {  	[tilespmem:s21], [sflag:$0x1] =	stream.linear.gather [hbm4b:s20+s1], $0x80, $0x38;
	[tilespmem:$0x10600] =	vst v63  }
0x1fa: {  	s24 =	sadd.s32 $0xB80, s16;
	s2 =	sadd.s32 s3, s22;
	s5 =	sand.u32 $0x1FFFFFF0, s23  }
0x1fb: {  	[tilespmem:s24], [sflag:$0x1] =	stream.linear.gather [hbm4b:s2+s1], $0x80, $0x38;
	[tilespmem:$0x10600] =	vst v63  }
0x1fc: {  	s25 =	sadd.s32 $0x8B80, s16;
	s28 =	simm.s32 $0x1;
	s26 =	sadd.s32 s4, s5  }
0x1fd: {  	[tilespmem:s25], [sflag:$0x1] =	stream.linear.gather [hbm4b:s26+s1], $0x80, $0x38;
	[tilespmem:$0x10600] =	vst v63  }
0x1fe: {  	_ =	swait.ge [sflag:s28], $0x8000  }
0x1ff: {  	[sflag:s28] =	ssyncset.done $0x0  }
0x200: {  	[sflag:s28] =	ssyncadd.s32 $0xFFFF8000  }
0x201: {  	_ =	swait.ge [sflag:s28], $0x8000  }
0x202: {  	[sflag:s28] =	ssyncset.done $0x0  }
0x203: {  	s29 =	simm.s32 $0x100;
	[sflag:s28] =	ssyncadd.s32 $0xFFFF8000  }
0x204: {  	s30 =	simm.s32 $0x300;
	v33 =	vld [tilespmem:s29+$0x0]  }
0x205: {  	v34 =	vld [tilespmem:s30+$0x0];
	_ =	sdelay $0x1  }
0x206: {  	s31 =	simm.s32 $0x0  }
0x207: {  	v35 =	vmov s31  }
0x208: {  	v35 =	vshll.u32 v35, $0x7;
	v33 =	vshll.u32 v33, $0x5  }
0x209: {  	v35 =	vor.u32 v1, v35;
	v34 =	vshll.u32 v34, $0x5;
	v33 =	vand.u32 $0x60, v33  }
0x20a: {  	v34 =	vand.u32 $0x60, v34;
	v33 =	vor.u32 v35, v33  }
0x20b: {  	v34 =	vor.u32 v35, v34;
	v36 =	vor.u32 v0, v33  }
0x20c: {  	v35 =	vor.u32 v0, v34  }
0x20d: {  	v37 =	vor.u32 v2, v33  }
0x20e: {  	v38 =	vor.u32 v2, v34  }
0x20f: {  	s0 =	simm.s32 $0x400;
	v39 =	vor.u32 v3, v33  }
0x210: {  	s2 =	simm.s32 $0x8400;
	v40 =	vor.u32 v3, v34;
	v36 =	vld.idx.msk [tilespmem:v36+s0+$0x0], $0xffff  }
0x211: {  	v41 =	vor.u32 v4, v33;
	v35 =	vld.idx.msk [tilespmem:v35+s2+$0x0], $0xffff  }
0x212: {  	v42 =	vor.u32 v4, v34;
	v37 =	vld.idx.msk [tilespmem:v37+s0+$0x0], $0xffff  }
0x213: {  	v43 =	vor.u32 v5, v33;
	v38 =	vld.idx.msk [tilespmem:v38+s2+$0x0], $0xffff  }
0x214: {  	v44 =	vor.u32 v5, v34;
	v39 =	vld.idx.msk [tilespmem:v39+s0+$0x0], $0xffff  }
0x215: {  	v45 =	vor.u32 v6, v33;
	v40 =	vld.idx.msk [tilespmem:v40+s2+$0x0], $0xffff  }
0x216: {  	v46 =	vor.u32 v6, v34;
	v41 =	vld.idx.msk [tilespmem:v41+s0+$0x0], $0xffff;
	v35 =	vmul.f32 v35, v36  }
0x217: {  	v59 =	vor.u32 v7, v33;
	v58 =	vld.idx.msk [tilespmem:v42+s2+$0x0], $0xffff  }
0x218: {  	v47 =	vor.u32 v7, v34;
	v43 =	vld.idx.msk [tilespmem:v43+s0+$0x0], $0xffff;
	v37 =	vmul.f32 v38, v37;
	v35 =	vadd.f32 $0.0e+00, v35  }
0x219: {  	v61 =	vor.u32 v8, v33;
	v60 =	vld.idx.msk [tilespmem:v44+s2+$0x0], $0xffff  }
0x21a: {  	v48 =	vor.u32 v8, v34;
	v45 =	vld.idx.msk [tilespmem:v45+s0+$0x0], $0xffff;
	v62 =	vmul.f32 v40, v39;
	v35 =	vadd.f32 v37, v35  }
0x21b: {  	v52 =	vor.u32 v9, v34;
	v63 =	vld.idx.msk [tilespmem:v46+s2+$0x0], $0xffff  }
0x21c: {  	v51 =	vor.u32 v9, v33;
	v42 =	vld.idx.msk [tilespmem:v59+s0+$0x0], $0xffff;
	v36 =	vmul.f32 v58, v41;
	v35 =	vadd.f32 v62, v35  }
0x21d: {  	v54 =	vor.u32 v10, v33;
	v53 =	vld.idx.msk [tilespmem:v47+s2+$0x0], $0xffff  }
0x21e: {  	v55 =	vor.u32 v10, v34;
	v44 =	vld.idx.msk [tilespmem:v61+s0+$0x0], $0xffff;
	v56 =	vmul.f32 v60, v43;
	v35 =	vadd.f32 v36, v35  }
0x21f: {  	v57 =	vld.idx.msk [tilespmem:v48+s2+$0x0], $0xffff;
	v58 =	vor.u32 v11, v33  }
0x220: {  	v59 =	vor.u32 v11, v34;
	v61 =	vld.idx.msk [tilespmem:v52+s2+$0x0], $0xffff;
	v60 =	vmul.f32 v63, v45;
	v35 =	vadd.f32 v56, v35  }
0x221: {  	v40 =	vld.idx.msk [tilespmem:v51+s0+$0x0], $0xffff;
	v62 =	vor.u32 v12, v33  }
0x222: {  	v41 =	vld.idx.msk [tilespmem:v54+s0+$0x0], $0xffff;
	v63 =	vor.u32 v12, v34;
	v52 =	vmul.f32 v53, v42;
	v35 =	vadd.f32 v60, v35  }
0x223: {  	v53 =	vld.idx.msk [tilespmem:v55+s2+$0x0], $0xffff;
	v54 =	vor.u32 v13, v33  }
0x224: {  	v55 =	vor.u32 v13, v34;
	v43 =	vld.idx.msk [tilespmem:v58+s0+$0x0], $0xffff;
	v56 =	vmul.f32 v57, v44;
	v35 =	vadd.f32 v52, v35  }
0x225: {  	v58 =	vor.u32 v14, v33;
	v57 =	vld.idx.msk [tilespmem:v59+s2+$0x0], $0xffff  }
0x226: {  	v59 =	vor.u32 v14, v34;
	v45 =	vld.idx.msk [tilespmem:v62+s0+$0x0], $0xffff;
	v60 =	vmul.f32 v61, v40;
	v35 =	vadd.f32 v56, v35  }
0x227: {  	v62 =	vor.u32 v15, v33;
	v61 =	vld.idx.msk [tilespmem:v63+s2+$0x0], $0xffff  }
0x228: {  	v42 =	vld.idx.msk [tilespmem:v54+s0+$0x0], $0xffff;
	v63 =	vor.u32 v15, v34;
	v52 =	vmul.f32 v53, v41;
	v35 =	vadd.f32 v60, v35  }
0x229: {  	v54 =	vor.u32 v16, v33;
	v53 =	vld.idx.msk [tilespmem:v55+s2+$0x0], $0xffff  }
0x22a: {  	v44 =	vld.idx.msk [tilespmem:v58+s0+$0x0], $0xffff;
	v55 =	vor.u32 v16, v34;
	v56 =	vmul.f32 v57, v43;
	v35 =	vadd.f32 v52, v35  }
0x22b: {  	v58 =	vor.u32 v28, v33;
	v57 =	vld.idx.msk [tilespmem:v59+s2+$0x0], $0xffff  }
0x22c: {  	v40 =	vld.idx.msk [tilespmem:v62+s0+$0x0], $0xffff;
	v59 =	vor.u32 v28, v34;
	v60 =	vmul.f32 v61, v45;
	v35 =	vadd.f32 v56, v35  }
0x22d: {  	v62 =	vor.u32 v17, v33;
	v61 =	vld.idx.msk [tilespmem:v63+s2+$0x0], $0xffff  }
0x22e: {  	v41 =	vld.idx.msk [tilespmem:v54+s0+$0x0], $0xffff;
	v63 =	vor.u32 v17, v34;
	v52 =	vmul.f32 v53, v42;
	v35 =	vadd.f32 v60, v35  }
0x22f: {  	v54 =	vor.u32 v19, v33;
	v53 =	vld.idx.msk [tilespmem:v55+s2+$0x0], $0xffff  }
0x230: {  	v43 =	vld.idx.msk [tilespmem:v58+s0+$0x0], $0xffff;
	v55 =	vor.u32 v19, v34;
	v56 =	vmul.f32 v57, v44;
	v35 =	vadd.f32 v52, v35  }
0x231: {  	v58 =	vor.u32 v20, v33;
	v57 =	vld.idx.msk [tilespmem:v59+s2+$0x0], $0xffff  }
0x232: {  	v45 =	vld.idx.msk [tilespmem:v62+s0+$0x0], $0xffff;
	v59 =	vor.u32 v20, v34;
	v60 =	vmul.f32 v61, v40;
	v35 =	vadd.f32 v56, v35  }
0x233: {  	v62 =	vor.u32 v18, v33;
	v61 =	vld.idx.msk [tilespmem:v63+s2+$0x0], $0xffff  }
0x234: {  	v42 =	vld.idx.msk [tilespmem:v54+s0+$0x0], $0xffff;
	v63 =	vor.u32 v18, v34;
	v52 =	vmul.f32 v53, v41;
	v35 =	vadd.f32 v60, v35  }
0x235: {  	v54 =	vor.u32 v21, v33;
	v53 =	vld.idx.msk [tilespmem:v55+s2+$0x0], $0xffff  }
0x236: {  	v44 =	vld.idx.msk [tilespmem:v58+s0+$0x0], $0xffff;
	v55 =	vor.u32 v21, v34;
	v56 =	vmul.f32 v57, v43;
	v35 =	vadd.f32 v52, v35  }
0x237: {  	v58 =	vor.u32 v22, v33;
	v57 =	vld.idx.msk [tilespmem:v59+s2+$0x0], $0xffff  }
0x238: {  	v40 =	vld.idx.msk [tilespmem:v62+s0+$0x0], $0xffff;
	v59 =	vor.u32 v22, v34;
	v60 =	vmul.f32 v61, v45;
	v35 =	vadd.f32 v56, v35  }
0x239: {  	v62 =	vor.u32 v23, v33;
	v61 =	vld.idx.msk [tilespmem:v63+s2+$0x0], $0xffff  }
0x23a: {  	v41 =	vld.idx.msk [tilespmem:v54+s0+$0x0], $0xffff;
	v63 =	vor.u32 v23, v34;
	v52 =	vmul.f32 v53, v42;
	v35 =	vadd.f32 v60, v35  }
0x23b: {  	v54 =	vor.u32 v24, v33;
	v53 =	vld.idx.msk [tilespmem:v55+s2+$0x0], $0xffff  }
0x23c: {  	v43 =	vld.idx.msk [tilespmem:v58+s0+$0x0], $0xffff;
	v55 =	vor.u32 v24, v34;
	v56 =	vmul.f32 v57, v44;
	v35 =	vadd.f32 v52, v35  }
0x23d: {  	v58 =	vor.u32 v25, v33;
	v57 =	vld.idx.msk [tilespmem:v59+s2+$0x0], $0xffff  }
0x23e: {  	v45 =	vld.idx.msk [tilespmem:v62+s0+$0x0], $0xffff;
	v59 =	vor.u32 v25, v34;
	v60 =	vmul.f32 v61, v40;
	v35 =	vadd.f32 v56, v35  }
0x23f: {  	v62 =	vor.u32 v26, v33;
	v61 =	vld.idx.msk [tilespmem:v63+s2+$0x0], $0xffff  }
0x240: {  	v42 =	vld.idx.msk [tilespmem:v54+s0+$0x0], $0xffff;
	v63 =	vor.u32 v26, v34;
	v52 =	vmul.f32 v53, v41;
	v35 =	vadd.f32 v60, v35  }
0x241: {  	v54 =	vor.u32 v27, v33;
	v53 =	vld.idx.msk [tilespmem:v55+s2+$0x0], $0xffff  }
0x242: {  	v44 =	vld.idx.msk [tilespmem:v58+s0+$0x0], $0xffff;
	v55 =	vor.u32 v27, v34;
	v56 =	vmul.f32 v57, v43;
	v35 =	vadd.f32 v52, v35  }
0x243: {  	v58 =	vor.u32 v29, v33;
	v57 =	vld.idx.msk [tilespmem:v59+s2+$0x0], $0xffff  }
0x244: {  	v40 =	vld.idx.msk [tilespmem:v62+s0+$0x0], $0xffff;
	v59 =	vor.u32 v29, v34;
	v60 =	vmul.f32 v61, v45;
	v35 =	vadd.f32 v56, v35  }
0x245: {  	v62 =	vor.u32 v30, v33;
	v61 =	vld.idx.msk [tilespmem:v63+s2+$0x0], $0xffff  }
0x246: {  	v41 =	vld.idx.msk [tilespmem:v54+s0+$0x0], $0xffff;
	v63 =	vor.u32 v30, v34;
	v49 =	vmul.f32 v53, v42;
	v35 =	vadd.f32 v60, v35  }
0x247: {  	v51 =	vor.u32 v31, v33;
	v50 =	vld.idx.msk [tilespmem:v55+s2+$0x0], $0xffff  }
0x248: {  	v43 =	vld.idx.msk [tilespmem:v58+s0+$0x0], $0xffff;
	v52 =	vor.u32 v31, v34;
	v53 =	vmul.f32 v57, v44;
	v35 =	vadd.f32 v49, v35  }
0x249: {  	v33 =	vor.u32 v32, v33;
	v54 =	vld.idx.msk [tilespmem:v59+s2+$0x0], $0xffff  }
0x24a: {  	v55 =	vld.idx.msk [tilespmem:v62+s0+$0x0], $0xffff;
	v34 =	vor.u32 v32, v34;
	v56 =	vmul.f32 v61, v40;
	v35 =	vadd.f32 v53, v35  }
0x24b: {  	v57 =	vld.idx.msk [tilespmem:v63+s2+$0x0], $0xffff  }
0x24c: {  	v58 =	vld.idx.msk [tilespmem:v51+s0+$0x0], $0xffff;
	v59 =	vmul.f32 v50, v41;
	v35 =	vadd.f32 v56, v35  }
0x24d: {  	v60 =	vld.idx.msk [tilespmem:v52+s2+$0x0], $0xffff  }
0x24e: {  	v33 =	vld.idx.msk [tilespmem:v33+s0+$0x0], $0xffff;
	v61 =	vmul.f32 v54, v43;
	v35 =	vadd.f32 v59, v35  }
0x24f: {  	v34 =	vld.idx.msk [tilespmem:v34+s2+$0x0], $0xffff  }
0x250: {  	v62 =	vmul.f32 v57, v55;
	v35 =	vadd.f32 v61, v35;
	_ =	sdelay $0x1  }
0x251: {  	v63 =	vmul.f32 v60, v58;
	v35 =	vadd.f32 v62, v35;
	_ =	sdelay $0x1  }
0x252: {  	v33 =	vmul.f32 v34, v33;
	v35 =	vadd.f32 v63, v35;
	_ =	sdelay $0x1  }
0x253: {  	v33 =	vadd.f32 v33, v35  }
0x254: {  	s15 =	simm.s32 $0x10500  }
0x255: {  	s16 =	simm.s32 $0x110;
	[tilespmem:s15+$0x0] =	vst v33  }
0x256: {  	s17 =	simm.s32 $0x310;
	v34 =	vld [tilespmem:s16+$0x0]  }
0x257: {  	s18 =	simm.s32 $0x10;
	s19 =	simm.s32 $0x20;
	v33 =	vld [tilespmem:s17+$0x0]  }
.LBB2_8:
0x258: {  	p0 =	sne.s32 s19, $0xF0;
	_ =	sdelay $0x1  }
0x259: {  	v35 =	vmov s18;
	s18 =	smov.u32 s19  }
0x25a: {  	v35 =	vshll.u32 v35, $0x7;
	v34 =	vshll.u32 v34, $0x5  }
0x25b: {  	v35 =	vor.u32 v1, v35;
	v34 =	vand.u32 $0x60, v34;
	v33 =	vshll.u32 v33, $0x5  }
0x25c: {  	v36 =	vand.u32 $0x60, v33;
	v33 =	vor.u32 v35, v34  }
0x25d: {  	v37 =	vor.u32 v0, v33;
	v34 =	vor.u32 v35, v36  }
0x25e: {  	v35 =	vor.u32 v0, v34  }
0x25f: {  	v36 =	vor.u32 v2, v33  }
0x260: {  	v38 =	vor.u32 v2, v34  }
0x261: {  	v39 =	vor.u32 v3, v33  }
0x262: {  	v40 =	vor.u32 v3, v34;
	v37 =	vld.idx.msk [tilespmem:v37+s0+$0x0], $0xffff  }
0x263: {  	v41 =	vor.u32 v4, v33;
	v35 =	vld.idx.msk [tilespmem:v35+s2+$0x0], $0xffff  }
0x264: {  	v42 =	vor.u32 v4, v34;
	v36 =	vld.idx.msk [tilespmem:v36+s0+$0x0], $0xffff  }
0x265: {  	v43 =	vor.u32 v5, v33;
	v38 =	vld.idx.msk [tilespmem:v38+s2+$0x0], $0xffff  }
0x266: {  	v44 =	vor.u32 v5, v34;
	v39 =	vld.idx.msk [tilespmem:v39+s0+$0x0], $0xffff  }
0x267: {  	v45 =	vor.u32 v6, v33;
	v40 =	vld.idx.msk [tilespmem:v40+s2+$0x0], $0xffff  }
0x268: {  	v46 =	vor.u32 v6, v34;
	v41 =	vld.idx.msk [tilespmem:v41+s0+$0x0], $0xffff  }
0x269: {  	v35 =	vmul.f32 v35, v37;
	v37 =	vld.idx.msk [tilespmem:v42+s2+$0x0], $0xffff;
	v42 =	vor.u32 v7, v33  }
0x26a: {  	v47 =	vor.u32 v7, v34;
	v43 =	vld.idx.msk [tilespmem:v43+s0+$0x0], $0xffff  }
0x26b: {  	v35 =	vadd.f32 $0.0e+00, v35;
	v36 =	vmul.f32 v38, v36;
	v38 =	vld.idx.msk [tilespmem:v44+s2+$0x0], $0xffff;
	v44 =	vor.u32 v8, v33  }
0x26c: {  	v48 =	vor.u32 v8, v34;
	v45 =	vld.idx.msk [tilespmem:v45+s0+$0x0], $0xffff  }
0x26d: {  	v35 =	vadd.f32 v36, v35;
	v36 =	vmul.f32 v40, v39;
	v40 =	vor.u32 v9, v33;
	v39 =	vld.idx.msk [tilespmem:v46+s2+$0x0], $0xffff  }
0x26e: {  	v46 =	vor.u32 v9, v34;
	v42 =	vld.idx.msk [tilespmem:v42+s0+$0x0], $0xffff  }
0x26f: {  	v35 =	vadd.f32 v36, v35;
	v36 =	vmul.f32 v37, v41;
	v41 =	vor.u32 v10, v33;
	v37 =	vld.idx.msk [tilespmem:v47+s2+$0x0], $0xffff  }
0x270: {  	v47 =	vor.u32 v10, v34;
	v44 =	vld.idx.msk [tilespmem:v44+s0+$0x0], $0xffff  }
0x271: {  	v35 =	vadd.f32 v36, v35;
	v36 =	vmul.f32 v38, v43;
	v43 =	vor.u32 v11, v33;
	v38 =	vld.idx.msk [tilespmem:v48+s2+$0x0], $0xffff  }
0x272: {  	v48 =	vor.u32 v11, v34;
	v40 =	vld.idx.msk [tilespmem:v40+s0+$0x0], $0xffff  }
0x273: {  	v35 =	vadd.f32 v36, v35;
	v36 =	vmul.f32 v39, v45;
	v45 =	vor.u32 v12, v33;
	v39 =	vld.idx.msk [tilespmem:v46+s2+$0x0], $0xffff  }
0x274: {  	v46 =	vor.u32 v12, v34;
	v41 =	vld.idx.msk [tilespmem:v41+s0+$0x0], $0xffff  }
0x275: {  	v35 =	vadd.f32 v36, v35;
	v36 =	vmul.f32 v37, v42;
	v42 =	vor.u32 v13, v33;
	v37 =	vld.idx.msk [tilespmem:v47+s2+$0x0], $0xffff  }
0x276: {  	v47 =	vor.u32 v13, v34;
	v43 =	vld.idx.msk [tilespmem:v43+s0+$0x0], $0xffff  }
0x277: {  	v35 =	vadd.f32 v36, v35;
	v36 =	vmul.f32 v38, v44;
	v44 =	vor.u32 v14, v33;
	v38 =	vld.idx.msk [tilespmem:v48+s2+$0x0], $0xffff  }
0x278: {  	v48 =	vor.u32 v14, v34;
	v45 =	vld.idx.msk [tilespmem:v45+s0+$0x0], $0xffff  }
0x279: {  	v35 =	vadd.f32 v36, v35;
	v36 =	vmul.f32 v39, v40;
	v40 =	vor.u32 v15, v33;
	v39 =	vld.idx.msk [tilespmem:v46+s2+$0x0], $0xffff  }
0x27a: {  	v46 =	vor.u32 v15, v34;
	v42 =	vld.idx.msk [tilespmem:v42+s0+$0x0], $0xffff  }
0x27b: {  	v35 =	vadd.f32 v36, v35;
	v36 =	vmul.f32 v37, v41;
	v41 =	vor.u32 v16, v33;
	v37 =	vld.idx.msk [tilespmem:v47+s2+$0x0], $0xffff  }
0x27c: {  	v47 =	vor.u32 v16, v34;
	v44 =	vld.idx.msk [tilespmem:v44+s0+$0x0], $0xffff  }
0x27d: {  	v35 =	vadd.f32 v36, v35;
	v36 =	vmul.f32 v38, v43;
	v43 =	vor.u32 v28, v33;
	v38 =	vld.idx.msk [tilespmem:v48+s2+$0x0], $0xffff  }
0x27e: {  	v48 =	vor.u32 v28, v34;
	v40 =	vld.idx.msk [tilespmem:v40+s0+$0x0], $0xffff  }
0x27f: {  	v35 =	vadd.f32 v36, v35;
	v36 =	vmul.f32 v39, v45;
	v45 =	vor.u32 v17, v33;
	v39 =	vld.idx.msk [tilespmem:v46+s2+$0x0], $0xffff  }
0x280: {  	v46 =	vor.u32 v17, v34;
	v41 =	vld.idx.msk [tilespmem:v41+s0+$0x0], $0xffff  }
0x281: {  	v35 =	vadd.f32 v36, v35;
	v36 =	vmul.f32 v37, v42;
	v42 =	vor.u32 v19, v33;
	v37 =	vld.idx.msk [tilespmem:v47+s2+$0x0], $0xffff  }
0x282: {  	v47 =	vor.u32 v19, v34;
	v43 =	vld.idx.msk [tilespmem:v43+s0+$0x0], $0xffff  }
0x283: {  	v35 =	vadd.f32 v36, v35;
	v36 =	vmul.f32 v38, v44;
	v44 =	vor.u32 v20, v33;
	v38 =	vld.idx.msk [tilespmem:v48+s2+$0x0], $0xffff  }
0x284: {  	v48 =	vor.u32 v20, v34;
	v45 =	vld.idx.msk [tilespmem:v45+s0+$0x0], $0xffff  }
0x285: {  	v35 =	vadd.f32 v36, v35;
	v36 =	vmul.f32 v39, v40;
	v40 =	vor.u32 v18, v33;
	v39 =	vld.idx.msk [tilespmem:v46+s2+$0x0], $0xffff  }
0x286: {  	v46 =	vor.u32 v18, v34;
	v42 =	vld.idx.msk [tilespmem:v42+s0+$0x0], $0xffff  }
0x287: {  	v35 =	vadd.f32 v36, v35;
	v36 =	vmul.f32 v37, v41;
	v41 =	vor.u32 v21, v33;
	v37 =	vld.idx.msk [tilespmem:v47+s2+$0x0], $0xffff  }
0x288: {  	v47 =	vor.u32 v21, v34;
	v44 =	vld.idx.msk [tilespmem:v44+s0+$0x0], $0xffff  }
0x289: {  	v35 =	vadd.f32 v36, v35;
	v36 =	vmul.f32 v38, v43;
	v43 =	vor.u32 v22, v33;
	v38 =	vld.idx.msk [tilespmem:v48+s2+$0x0], $0xffff  }
0x28a: {  	v48 =	vor.u32 v22, v34;
	v40 =	vld.idx.msk [tilespmem:v40+s0+$0x0], $0xffff  }
0x28b: {  	v35 =	vadd.f32 v36, v35;
	v36 =	vmul.f32 v39, v45;
	v45 =	vor.u32 v23, v33;
	v39 =	vld.idx.msk [tilespmem:v46+s2+$0x0], $0xffff  }
0x28c: {  	v46 =	vor.u32 v23, v34;
	v41 =	vld.idx.msk [tilespmem:v41+s0+$0x0], $0xffff  }
0x28d: {  	v35 =	vadd.f32 v36, v35;
	v36 =	vmul.f32 v37, v42;
	v42 =	vor.u32 v24, v33;
	v37 =	vld.idx.msk [tilespmem:v47+s2+$0x0], $0xffff  }
0x28e: {  	v47 =	vor.u32 v24, v34;
	v43 =	vld.idx.msk [tilespmem:v43+s0+$0x0], $0xffff  }
0x28f: {  	v35 =	vadd.f32 v36, v35;
	v36 =	vmul.f32 v38, v44;
	v44 =	vor.u32 v25, v33;
	v38 =	vld.idx.msk [tilespmem:v48+s2+$0x0], $0xffff  }
0x290: {  	v48 =	vor.u32 v25, v34;
	v45 =	vld.idx.msk [tilespmem:v45+s0+$0x0], $0xffff  }
0x291: {  	v35 =	vadd.f32 v36, v35;
	v36 =	vmul.f32 v39, v40;
	v40 =	vor.u32 v26, v33;
	v39 =	vld.idx.msk [tilespmem:v46+s2+$0x0], $0xffff  }
0x292: {  	v46 =	vor.u32 v26, v34;
	v42 =	vld.idx.msk [tilespmem:v42+s0+$0x0], $0xffff  }
0x293: {  	v35 =	vadd.f32 v36, v35;
	v36 =	vmul.f32 v37, v41;
	v41 =	vor.u32 v27, v33;
	v37 =	vld.idx.msk [tilespmem:v47+s2+$0x0], $0xffff  }
0x294: {  	v47 =	vor.u32 v27, v34;
	v44 =	vld.idx.msk [tilespmem:v44+s0+$0x0], $0xffff  }
0x295: {  	v35 =	vadd.f32 v36, v35;
	v36 =	vmul.f32 v38, v43;
	v43 =	vor.u32 v29, v33;
	v38 =	vld.idx.msk [tilespmem:v48+s2+$0x0], $0xffff  }
0x296: {  	v48 =	vor.u32 v29, v34;
	v40 =	vld.idx.msk [tilespmem:v40+s0+$0x0], $0xffff  }
0x297: {  	v35 =	vadd.f32 v36, v35;
	v36 =	vmul.f32 v39, v45;
	v45 =	vor.u32 v30, v33;
	v39 =	vld.idx.msk [tilespmem:v46+s2+$0x0], $0xffff  }
0x298: {  	v46 =	vor.u32 v30, v34;
	v41 =	vld.idx.msk [tilespmem:v41+s0+$0x0], $0xffff  }
0x299: {  	v35 =	vadd.f32 v36, v35;
	v36 =	vmul.f32 v37, v42;
	v42 =	vor.u32 v31, v33;
	v37 =	vld.idx.msk [tilespmem:v47+s2+$0x0], $0xffff  }
0x29a: {  	v47 =	vor.u32 v31, v34;
	v43 =	vld.idx.msk [tilespmem:v43+s0+$0x0], $0xffff  }
0x29b: {  	v33 =	vor.u32 v32, v33;
	v35 =	vadd.f32 v36, v35;
	v36 =	vmul.f32 v38, v44;
	v38 =	vld.idx.msk [tilespmem:v48+s2+$0x0], $0xffff  }
0x29c: {  	v34 =	vor.u32 v32, v34;
	v44 =	vld.idx.msk [tilespmem:v45+s0+$0x0], $0xffff  }
0x29d: {  	v35 =	vadd.f32 v36, v35;
	v36 =	vmul.f32 v39, v40;
	v39 =	vld.idx.msk [tilespmem:v46+s2+$0x0], $0xffff  }
0x29e: {  	v40 =	vld.idx.msk [tilespmem:v42+s0+$0x0], $0xffff  }
0x29f: {  	v35 =	vadd.f32 v36, v35;
	v36 =	vmul.f32 v37, v41;
	v37 =	vld.idx.msk [tilespmem:v47+s2+$0x0], $0xffff  }
0x2a0: {  	v33 =	vld.idx.msk [tilespmem:v33+s0+$0x0], $0xffff  }
0x2a1: {  	v35 =	vadd.f32 v36, v35;
	v36 =	vmul.f32 v38, v43;
	v34 =	vld.idx.msk [tilespmem:v34+s2+$0x0], $0xffff;
	_ =	sdelay $0x1  }
0x2a2: {  	v35 =	vadd.f32 v36, v35;
	v36 =	vmul.f32 v39, v44;
	_ =	sdelay $0x1  }
0x2a3: {  	v35 =	vadd.f32 v36, v35;
	v36 =	vmul.f32 v37, v40;
	_ =	sdelay $0x1  }
0x2a4: {  	v35 =	vadd.f32 v36, v35;
	v33 =	vmul.f32 v34, v33;
	_ =	sdelay $0x1  }
.Ltmp3:
0x2a5: {  	v33 =	vadd.f32 v33, v35;
	(pc) =	sbr.rel @p0 .LBB2_8-.Ltmp3, $4  }
0x2a6: {  	s15 =	sadd.s32 $0x10, s15  }
0x2a7: {  	s16 =	sadd.s32 $0x10, s16;
	[tilespmem:s15+$0x0] =	vst v33  }
0x2a8: {  	s17 =	sadd.s32 $0x10, s17;
	v34 =	vld [tilespmem:s16+$0x0]  }
0x2a9: {  	s19 =	sadd.s32 $0x10, s19;
	v33 =	vld [tilespmem:s17+$0x0]  }
0x2aa: {  	_ =	sdelay $0x1  }
0x2ab: {  	v35 =	vmov s18  }
0x2ac: {  	v35 =	vshll.u32 v35, $0x7;
	v34 =	vshll.u32 v34, $0x5  }
0x2ad: {  	v35 =	vor.u32 v1, v35;
	v34 =	vand.u32 $0x60, v34;
	v33 =	vshll.u32 v33, $0x5  }
0x2ae: {  	v36 =	vand.u32 $0x60, v33;
	v33 =	vor.u32 v35, v34  }
0x2af: {  	v37 =	vor.u32 v0, v33;
	v34 =	vor.u32 v35, v36  }
0x2b0: {  	v35 =	vor.u32 v0, v34  }
0x2b1: {  	v55 =	vor.u32 v2, v33  }
0x2b2: {  	v38 =	vor.u32 v2, v34  }
0x2b3: {  	v39 =	vor.u32 v3, v33  }
0x2b4: {  	v40 =	vor.u32 v3, v34;
	v37 =	vld.idx.msk [tilespmem:v37+s0+$0x0], $0xffff  }
0x2b5: {  	v41 =	vor.u32 v4, v33;
	v35 =	vld.idx.msk [tilespmem:v35+s2+$0x0], $0xffff  }
0x2b6: {  	v42 =	vor.u32 v4, v34;
	v36 =	vld.idx.msk [tilespmem:v55+s0+$0x0], $0xffff  }
0x2b7: {  	v43 =	vor.u32 v5, v33;
	v38 =	vld.idx.msk [tilespmem:v38+s2+$0x0], $0xffff  }
0x2b8: {  	v44 =	vor.u32 v5, v34;
	v39 =	vld.idx.msk [tilespmem:v39+s0+$0x0], $0xffff  }
0x2b9: {  	v45 =	vor.u32 v6, v33;
	v40 =	vld.idx.msk [tilespmem:v40+s2+$0x0], $0xffff  }
0x2ba: {  	v46 =	vor.u32 v6, v34;
	v41 =	vld.idx.msk [tilespmem:v41+s0+$0x0], $0xffff;
	v35 =	vmul.f32 v35, v37  }
0x2bb: {  	v57 =	vor.u32 v7, v33;
	v56 =	vld.idx.msk [tilespmem:v42+s2+$0x0], $0xffff  }
0x2bc: {  	v47 =	vor.u32 v7, v34;
	v43 =	vld.idx.msk [tilespmem:v43+s0+$0x0], $0xffff;
	v36 =	vmul.f32 v38, v36;
	v35 =	vadd.f32 $0.0e+00, v35  }
0x2bd: {  	v59 =	vor.u32 v8, v33;
	v58 =	vld.idx.msk [tilespmem:v44+s2+$0x0], $0xffff  }
0x2be: {  	v48 =	vor.u32 v8, v34;
	v45 =	vld.idx.msk [tilespmem:v45+s0+$0x0], $0xffff;
	v60 =	vmul.f32 v40, v39;
	v35 =	vadd.f32 v36, v35  }
0x2bf: {  	v62 =	vor.u32 v9, v33;
	v61 =	vld.idx.msk [tilespmem:v46+s2+$0x0], $0xffff  }
0x2c0: {  	v63 =	vor.u32 v9, v34;
	v42 =	vld.idx.msk [tilespmem:v57+s0+$0x0], $0xffff;
	v52 =	vmul.f32 v56, v41;
	v35 =	vadd.f32 v60, v35  }
0x2c1: {  	v54 =	vor.u32 v10, v33;
	v53 =	vld.idx.msk [tilespmem:v47+s2+$0x0], $0xffff  }
0x2c2: {  	v55 =	vor.u32 v10, v34;
	v44 =	vld.idx.msk [tilespmem:v59+s0+$0x0], $0xffff;
	v56 =	vmul.f32 v58, v43;
	v35 =	vadd.f32 v52, v35  }
0x2c3: {  	v57 =	vld.idx.msk [tilespmem:v48+s2+$0x0], $0xffff;
	v58 =	vor.u32 v11, v33  }
0x2c4: {  	v59 =	vor.u32 v11, v34;
	v40 =	vld.idx.msk [tilespmem:v62+s0+$0x0], $0xffff;
	v60 =	vmul.f32 v61, v45;
	v35 =	vadd.f32 v56, v35  }
0x2c5: {  	v62 =	vor.u32 v12, v33;
	v61 =	vld.idx.msk [tilespmem:v63+s2+$0x0], $0xffff  }
0x2c6: {  	v41 =	vld.idx.msk [tilespmem:v54+s0+$0x0], $0xffff;
	v63 =	vor.u32 v12, v34;
	v52 =	vmul.f32 v53, v42;
	v35 =	vadd.f32 v60, v35  }
0x2c7: {  	v54 =	vor.u32 v13, v33;
	v53 =	vld.idx.msk [tilespmem:v55+s2+$0x0], $0xffff  }
0x2c8: {  	v43 =	vld.idx.msk [tilespmem:v58+s0+$0x0], $0xffff;
	v55 =	vor.u32 v13, v34;
	v56 =	vmul.f32 v57, v44;
	v35 =	vadd.f32 v52, v35  }
0x2c9: {  	v58 =	vor.u32 v14, v33;
	v57 =	vld.idx.msk [tilespmem:v59+s2+$0x0], $0xffff  }
0x2ca: {  	v45 =	vld.idx.msk [tilespmem:v62+s0+$0x0], $0xffff;
	v59 =	vor.u32 v14, v34;
	v60 =	vmul.f32 v61, v40;
	v35 =	vadd.f32 v56, v35  }
0x2cb: {  	v62 =	vor.u32 v15, v33;
	v61 =	vld.idx.msk [tilespmem:v63+s2+$0x0], $0xffff  }
0x2cc: {  	v42 =	vld.idx.msk [tilespmem:v54+s0+$0x0], $0xffff;
	v63 =	vor.u32 v15, v34;
	v52 =	vmul.f32 v53, v41;
	v35 =	vadd.f32 v60, v35  }
0x2cd: {  	v54 =	vor.u32 v16, v33;
	v53 =	vld.idx.msk [tilespmem:v55+s2+$0x0], $0xffff  }
0x2ce: {  	v44 =	vld.idx.msk [tilespmem:v58+s0+$0x0], $0xffff;
	v55 =	vor.u32 v16, v34;
	v56 =	vmul.f32 v57, v43;
	v35 =	vadd.f32 v52, v35  }
0x2cf: {  	v58 =	vor.u32 v28, v33;
	v57 =	vld.idx.msk [tilespmem:v59+s2+$0x0], $0xffff  }
0x2d0: {  	v40 =	vld.idx.msk [tilespmem:v62+s0+$0x0], $0xffff;
	v59 =	vor.u32 v28, v34;
	v60 =	vmul.f32 v61, v45;
	v35 =	vadd.f32 v56, v35  }
0x2d1: {  	v62 =	vor.u32 v17, v33;
	v61 =	vld.idx.msk [tilespmem:v63+s2+$0x0], $0xffff  }
0x2d2: {  	v41 =	vld.idx.msk [tilespmem:v54+s0+$0x0], $0xffff;
	v63 =	vor.u32 v17, v34;
	v52 =	vmul.f32 v53, v42;
	v35 =	vadd.f32 v60, v35  }
0x2d3: {  	v54 =	vor.u32 v19, v33;
	v53 =	vld.idx.msk [tilespmem:v55+s2+$0x0], $0xffff  }
0x2d4: {  	v43 =	vld.idx.msk [tilespmem:v58+s0+$0x0], $0xffff;
	v55 =	vor.u32 v19, v34;
	v56 =	vmul.f32 v57, v44;
	v35 =	vadd.f32 v52, v35  }
0x2d5: {  	v58 =	vor.u32 v20, v33;
	v57 =	vld.idx.msk [tilespmem:v59+s2+$0x0], $0xffff  }
0x2d6: {  	v45 =	vld.idx.msk [tilespmem:v62+s0+$0x0], $0xffff;
	v59 =	vor.u32 v20, v34;
	v60 =	vmul.f32 v61, v40;
	v35 =	vadd.f32 v56, v35  }
0x2d7: {  	v62 =	vor.u32 v18, v33;
	v61 =	vld.idx.msk [tilespmem:v63+s2+$0x0], $0xffff  }
0x2d8: {  	v42 =	vld.idx.msk [tilespmem:v54+s0+$0x0], $0xffff;
	v63 =	vor.u32 v18, v34;
	v52 =	vmul.f32 v53, v41;
	v35 =	vadd.f32 v60, v35  }
0x2d9: {  	v54 =	vor.u32 v21, v33;
	v53 =	vld.idx.msk [tilespmem:v55+s2+$0x0], $0xffff  }
0x2da: {  	v44 =	vld.idx.msk [tilespmem:v58+s0+$0x0], $0xffff;
	v55 =	vor.u32 v21, v34;
	v56 =	vmul.f32 v57, v43;
	v35 =	vadd.f32 v52, v35  }
0x2db: {  	v58 =	vor.u32 v22, v33;
	v57 =	vld.idx.msk [tilespmem:v59+s2+$0x0], $0xffff  }
0x2dc: {  	v40 =	vld.idx.msk [tilespmem:v62+s0+$0x0], $0xffff;
	v59 =	vor.u32 v22, v34;
	v60 =	vmul.f32 v61, v45;
	v35 =	vadd.f32 v56, v35  }
0x2dd: {  	v62 =	vor.u32 v23, v33;
	v61 =	vld.idx.msk [tilespmem:v63+s2+$0x0], $0xffff  }
0x2de: {  	v41 =	vld.idx.msk [tilespmem:v54+s0+$0x0], $0xffff;
	v63 =	vor.u32 v23, v34;
	v52 =	vmul.f32 v53, v42;
	v35 =	vadd.f32 v60, v35  }
0x2df: {  	v54 =	vor.u32 v24, v33;
	v53 =	vld.idx.msk [tilespmem:v55+s2+$0x0], $0xffff  }
0x2e0: {  	v43 =	vld.idx.msk [tilespmem:v58+s0+$0x0], $0xffff;
	v55 =	vor.u32 v24, v34;
	v56 =	vmul.f32 v57, v44;
	v35 =	vadd.f32 v52, v35  }
0x2e1: {  	v58 =	vor.u32 v25, v33;
	v57 =	vld.idx.msk [tilespmem:v59+s2+$0x0], $0xffff  }
0x2e2: {  	v45 =	vld.idx.msk [tilespmem:v62+s0+$0x0], $0xffff;
	v59 =	vor.u32 v25, v34;
	v60 =	vmul.f32 v61, v40;
	v35 =	vadd.f32 v56, v35  }
0x2e3: {  	v62 =	vor.u32 v26, v33;
	v61 =	vld.idx.msk [tilespmem:v63+s2+$0x0], $0xffff  }
0x2e4: {  	v42 =	vld.idx.msk [tilespmem:v54+s0+$0x0], $0xffff;
	v63 =	vor.u32 v26, v34;
	v52 =	vmul.f32 v53, v41;
	v35 =	vadd.f32 v60, v35  }
0x2e5: {  	v54 =	vor.u32 v27, v33;
	v53 =	vld.idx.msk [tilespmem:v55+s2+$0x0], $0xffff  }
0x2e6: {  	v44 =	vld.idx.msk [tilespmem:v58+s0+$0x0], $0xffff;
	v55 =	vor.u32 v27, v34;
	v56 =	vmul.f32 v57, v43;
	v35 =	vadd.f32 v52, v35  }
0x2e7: {  	v58 =	vor.u32 v29, v33;
	v57 =	vld.idx.msk [tilespmem:v59+s2+$0x0], $0xffff  }
0x2e8: {  	v40 =	vld.idx.msk [tilespmem:v62+s0+$0x0], $0xffff;
	v59 =	vor.u32 v29, v34;
	v60 =	vmul.f32 v61, v45;
	v35 =	vadd.f32 v56, v35  }
0x2e9: {  	v62 =	vor.u32 v30, v33;
	v61 =	vld.idx.msk [tilespmem:v63+s2+$0x0], $0xffff  }
0x2ea: {  	v41 =	vld.idx.msk [tilespmem:v54+s0+$0x0], $0xffff;
	v63 =	vor.u32 v30, v34;
	v49 =	vmul.f32 v53, v42;
	v35 =	vadd.f32 v60, v35  }
0x2eb: {  	v51 =	vor.u32 v31, v33;
	v50 =	vld.idx.msk [tilespmem:v55+s2+$0x0], $0xffff  }
0x2ec: {  	v43 =	vld.idx.msk [tilespmem:v58+s0+$0x0], $0xffff;
	v52 =	vor.u32 v31, v34;
	v53 =	vmul.f32 v57, v44;
	v35 =	vadd.f32 v49, v35  }
0x2ed: {  	v33 =	vor.u32 v32, v33;
	v54 =	vld.idx.msk [tilespmem:v59+s2+$0x0], $0xffff  }
0x2ee: {  	v55 =	vld.idx.msk [tilespmem:v62+s0+$0x0], $0xffff;
	v34 =	vor.u32 v32, v34;
	v56 =	vmul.f32 v61, v40;
	v35 =	vadd.f32 v53, v35  }
0x2ef: {  	v57 =	vld.idx.msk [tilespmem:v63+s2+$0x0], $0xffff  }
0x2f0: {  	v58 =	vld.idx.msk [tilespmem:v51+s0+$0x0], $0xffff;
	v59 =	vmul.f32 v50, v41;
	v35 =	vadd.f32 v56, v35  }
0x2f1: {  	v60 =	vld.idx.msk [tilespmem:v52+s2+$0x0], $0xffff  }
0x2f2: {  	v33 =	vld.idx.msk [tilespmem:v33+s0+$0x0], $0xffff;
	v61 =	vmul.f32 v54, v43;
	v35 =	vadd.f32 v59, v35  }
0x2f3: {  	v34 =	vld.idx.msk [tilespmem:v34+s2+$0x0], $0xffff  }
0x2f4: {  	v62 =	vmul.f32 v57, v55;
	v35 =	vadd.f32 v61, v35;
	_ =	sdelay $0x1  }
0x2f5: {  	v63 =	vmul.f32 v60, v58;
	v35 =	vadd.f32 v62, v35;
	_ =	sdelay $0x1  }
0x2f6: {  	v33 =	vmul.f32 v34, v33;
	v35 =	vadd.f32 v63, v35;
	_ =	sdelay $0x1  }
0x2f7: {  	v33 =	vadd.f32 v33, v35  }
0x2f8: {  	s26 =	sadd.s32 $0x10, s15  }
0x2f9: {  	s28 =	rddreg [dreg:$0x17];
	s29 =	simm.s32 $0x10400;
	s5 =	simm.s32 $0x2;
	[tilespmem:s26+$0x0] =	vst v33  }
0x2fa: {  	[hbm4b:s28+s1] =	stream.linear.scatter [tilespmem:s29], [sflag:$0x2], $0x200, $0x38;
	[tilespmem:$0x10600] =	vst v63  }
0x2fb: {  	_ =	swait.ge [sflag:s5], $0x200  }
0x2fc: {  	s30 =	rddreg [dreg:$0x19]  }
0x2fd: {  	s31 =	rddreg [dreg:$0x18];
	s2 =	sadd.s32 $0x1, s30  }
0x2fe: {  	p0 =	sne.s32 s2, s31  }
.Ltmp4:
0x2ff: {  	_ = 	snop;
	(pc) =	sbr.rel @p0 .LBB2_1-.Ltmp4, $3  }
0x300: {  	_ =	sdelay $0x1  }
0x301: {  	[sflag:s5] =	ssyncset.done $0x0  }
0x302: {  	[sflag:s5] =	ssyncadd.s32 $0xFFFFFE00  }
0x303: {  	_ =	sfence.sel $0x180000  }
0x304: {  	[bflag:$0x0] =	sbarrier.arrive $0xFFFF  }
0x305: {  	_ =	strace $0x90000047  }
0x306: {  	s0 =	stileid.u32;
	[bflag:$0x2] =	sbarrier.arrive $0xFFFF  }
0x307: {  	p0 =	sne.s32 s0, $0x0;
	s0 =	rddreg [dreg:$0x4]  }
0x308: {  	s0 =	sadd.s32 @!p0 $0x100000, s0  }
0x309: {  	[sflag:s0] =	ssyncadd.tile.s32 @!p0 $0x1;
	_ =	shalt  }
.Lfunc_end2:
_tile_overlayer_lowered:
.L_overlay_start_2:
0x30a: {  	(tag) =	ssettag $0x2  }
0x30b: {  	s0 =	rddreg [dreg:$0x0];
	s2 =	stileid.u32  }
0x30c: {  	s1 =	rddreg [dreg:$0x1];
	p0 =	sne.s32 s2, $0x0  }
0x30d: {  	s3 =	rddreg [dreg:$0x2];
	[bflag:$0x3] =	sbarrier.arrive $0xFFFF;
	s2 =	simm.s32 @!p0 $0x1C02  }
0x30e: {  	[timem:s3], [sflag:s2] =	dma.local @!p0 [hbm:s0], s1  }
0x30f: {  	s0 =	simm.s32 @!p0 $0x2  }
0x310: {  	_ =	swait.ge @!p0 [sflag:s0], s1  }
0x311: {  	s1 =	ssub.s32 @!p0 $0x0, s1;
	[sflag:s0] =	ssyncset.done @!p0 $0x0  }
0x312: {  	[sflag:s0] =	ssyncadd.s32 @!p0 s1  }
0x313: {  	[bflag:$0x3] =	sbarrier.arrive $0xFFFF  }
0x314: {  	_ =	shalt  }

</sc_bundles>
